<compile_context>
chip_gen: v7x
topology: tpu7x:2x2x1
jax: 0.10.2.dev20260603
libtpu: 0.0.44.dev20260713+nightly
codegen_flags: <defaults>
</compile_context>

<pallas_src>
import functools

import jax
import jax.numpy as jnp
from jax import lax
from jax.experimental import pallas as pl
from jax.experimental.pallas import tpu as pltpu
from jax.experimental.pallas import tpu_sc as plsc

N_NODES = 10000
N_HEDGES = 5000
N_INC = 320000
HID = 128
ALPHA = 0.5

NC = 2
NS = 16
NW = NC * NS
CHUNK = 128
ROWS_PER_W = 80
ROWS2D = NW * ROWS_PER_W
INC_PAD = ROWS2D * CHUNK - N_INC

E_PAD = 5120
V_PAD = 10112
TBL_PAD = 16384
E_STRIPE = E_PAD // NS
V_STRIPE = V_PAD // NS

_MESH = plsc.VectorSubcoreMesh(core_axis_name="c", subcore_axis_name="s")


def _fill(buf, val):
  vec = jnp.full((16,), val, jnp.float32)

  def row(r, carry):
    for k in range(HID // 16):
      buf[r, pl.ds(k * 16, 16)] = vec
    return carry

  lax.fori_loop(0, CHUNK, row, 0)


def _zero_stripe(zbuf, sp, base, rows):
  done = 0
  while done < rows:
    n = min(CHUNK, rows - done)
    pltpu.sync_copy(zbuf.at[pl.ds(0, n)], sp.at[pl.ds(base + done, n)])
    done += n


@functools.partial(
    pl.kernel,
    out_type=jax.ShapeDtypeStruct((NC, E_PAD, HID), jnp.float32),
    mesh=_MESH,
    scratch_types=(
        pltpu.VMEM((ROWS_PER_W, CHUNK), jnp.int32),
        pltpu.VMEM((ROWS_PER_W, CHUNK), jnp.int32),
        pltpu.VMEM((2 * CHUNK, HID), jnp.float32),
        pltpu.SemaphoreType.DMA,
        pltpu.VMEM_SHARED((E_PAD, HID), jnp.float32),
    ),
)
def _sc_pass1(x_hbm, v2d, e2d,
              esum_o,
              vidx, eidx, xbuf, sem, esum_sp):
  c = lax.axis_index("c")
  s = lax.axis_index("s")
  wid = c * NS + s
  _fill(xbuf, 0.0)
  _zero_stripe(xbuf, esum_sp, s * E_STRIPE, E_STRIPE)
  pltpu.sync_copy(v2d.at[pl.ds(wid * ROWS_PER_W, ROWS_PER_W)], vidx)
  pltpu.sync_copy(e2d.at[pl.ds(wid * ROWS_PER_W, ROWS_PER_W)], eidx)
  plsc.subcore_barrier()

  pltpu.async_copy(x_hbm.at[vidx.at[0]], xbuf.at[pl.ds(0, CHUNK)], sem)

  def body(j, carry):
    ph = lax.rem(j, 2) * CHUNK
    nph = lax.rem(j + 1, 2) * CHUNK

    @pl.when(j + 1 < ROWS_PER_W)
    def _():
      pltpu.async_copy(x_hbm.at[vidx.at[j + 1]], xbuf.at[pl.ds(nph, CHUNK)],
                       sem)

    pltpu.make_async_copy(x_hbm.at[vidx.at[0]],
                          xbuf.at[pl.ds(0, CHUNK)], sem).wait()
    pltpu.sync_copy(xbuf.at[pl.ds(ph, CHUNK)], esum_sp.at[eidx.at[j]],
                    add=True)
    return carry

  lax.fori_loop(0, ROWS_PER_W, body, 0)
  plsc.subcore_barrier()
  pltpu.sync_copy(esum_sp.at[pl.ds(s * E_STRIPE, E_STRIPE)],
                  esum_o.at[c, pl.ds(s * E_STRIPE, E_STRIPE)])


@functools.partial(
    pl.kernel,
    out_type=jax.ShapeDtypeStruct((NC, V_PAD, HID), jnp.float32),
    mesh=_MESH,
    scratch_types=(
        pltpu.VMEM((ROWS_PER_W, CHUNK), jnp.int32),
        pltpu.VMEM((ROWS_PER_W, CHUNK), jnp.int32),
        pltpu.VMEM((CHUNK, HID), jnp.float32),
        pltpu.SemaphoreType.DMA,
        pltpu.VMEM_SHARED((V_PAD, HID), jnp.float32),
    ),
)
def _sc_pass2(g_hbm, v2d, e2d,
              vsum_o,
              vidx, eidx, grow, sem, vsum_sp):
  c = lax.axis_index("c")
  s = lax.axis_index("s")
  wid = c * NS + s
  _fill(grow, 0.0)
  _zero_stripe(grow, vsum_sp, s * V_STRIPE, V_STRIPE)
  pltpu.sync_copy(v2d.at[pl.ds(wid * ROWS_PER_W, ROWS_PER_W)], vidx)
  pltpu.sync_copy(e2d.at[pl.ds(wid * ROWS_PER_W, ROWS_PER_W)], eidx)
  plsc.subcore_barrier()

  def body(j, carry):
    pltpu.async_copy(g_hbm.at[eidx.at[j]], grow, sem).wait()
    pltpu.sync_copy(grow, vsum_sp.at[vidx.at[j]], add=True)
    return carry

  lax.fori_loop(0, ROWS_PER_W, body, 0)
  plsc.subcore_barrier()
  pltpu.sync_copy(vsum_sp.at[pl.ds(s * V_STRIPE, V_STRIPE)],
                  vsum_o.at[c, pl.ds(s * V_STRIPE, V_STRIPE)])


def _make_count_pass(n_pad, stripe):
  @functools.partial(
      pl.kernel,
      out_type=jax.ShapeDtypeStruct((NC, n_pad, HID), jnp.float32),
      mesh=_MESH,
      scratch_types=(
          pltpu.VMEM((ROWS_PER_W, CHUNK), jnp.int32),
          pltpu.VMEM((CHUNK, HID), jnp.float32),
          pltpu.SemaphoreType.DMA,
          pltpu.VMEM_SHARED((n_pad, HID), jnp.float32),
      ),
  )
  def _count(i2d, cnt_o, idx, ones_v, sem, cnt_sp):
    c = lax.axis_index("c")
    s = lax.axis_index("s")
    wid = c * NS + s
    _fill(ones_v, 0.0)
    _zero_stripe(ones_v, cnt_sp, s * stripe, stripe)
    _fill(ones_v, 1.0)
    pltpu.sync_copy(i2d.at[pl.ds(wid * ROWS_PER_W, ROWS_PER_W)], idx)
    plsc.subcore_barrier()

    pltpu.async_copy(ones_v, cnt_sp.at[idx.at[0]], sem, add=True)

    def body(j, carry):
      @pl.when(j + 1 < ROWS_PER_W)
      def _():
        pltpu.async_copy(ones_v, cnt_sp.at[idx.at[j + 1]], sem, add=True)

      pltpu.make_async_copy(ones_v, cnt_sp.at[idx.at[0]], sem).wait()
      return carry

    lax.fori_loop(0, ROWS_PER_W, body, 0)
    plsc.subcore_barrier()
    pltpu.sync_copy(cnt_sp.at[pl.ds(s * stripe, stripe)],
                    cnt_o.at[c, pl.ds(s * stripe, stripe)])

  return _count


_sc_vcnt = _make_count_pass(V_PAD, V_STRIPE)
_sc_ecnt = _make_count_pass(E_PAD, E_STRIPE)


def _combine_body(es_ref, ec_ref, g_ref):
  e = es_ref[0] + es_ref[1]
  cnt = (ec_ref[0] + ec_ref[1])[:, 0:1]
  g_ref[...] = e / jnp.maximum(cnt, 1.0)


def _final_body(x_ref, x0_ref, vs_ref, vc_ref,
                w1_ref, b1_ref, w2_ref, b2_ref, w3_ref, b3_ref, o_ref):
  f32 = jnp.float32
  cnt = vc_ref[0, :N_NODES, 0:1] + vc_ref[1, :N_NODES, 0:1]
  inv = 1.0 / jnp.maximum(cnt, 1.0)
  S = (vs_ref[0, :N_NODES, :] + vs_ref[1, :N_NODES, :]) * inv
  T = jnp.dot(S, w1_ref[...], preferred_element_type=f32) + b1_ref[...]
  w2a = w2_ref[:HID, :]
  w2b = w2_ref[HID:, :]
  acc = (jnp.dot(x_ref[...], w2a, preferred_element_type=f32)
         + jnp.dot(T, w2b, preferred_element_type=f32) + b2_ref[...])
  Xv = acc * (cnt > 0.0).astype(f32)
  Xn = (1.0 - ALPHA) * Xv + ALPHA * x0_ref[...]
  o_ref[...] = jnp.dot(Xn, w3_ref[...], preferred_element_type=f32) + b3_ref[...]


def kernel(X, vertex, edges, X0, W1_w, W1_b, W2_w, W2_b, W3_w, W3_b):
  ar = jnp.arange(INC_PAD, dtype=jnp.int32)
  vpad_g = ar % N_NODES
  vpad_s = N_NODES + (ar % (V_PAD - N_NODES))
  epad = N_HEDGES + (ar % (E_PAD - N_HEDGES))
  v32 = vertex.astype(jnp.int32)
  e32 = edges.astype(jnp.int32)
  v2d_g = jnp.concatenate([v32, vpad_g]).reshape(ROWS2D, CHUNK)
  v2d_s = jnp.concatenate([v32, vpad_s]).reshape(ROWS2D, CHUNK)
  e2d = jnp.concatenate([e32, epad]).reshape(ROWS2D, CHUNK)

  Xbig = jnp.zeros((TBL_PAD, HID), jnp.float32).at[:N_NODES].set(X)
  esum = _sc_pass1(Xbig, v2d_g, e2d)
  vcnt = _sc_vcnt(v2d_s)
  ecnt = _sc_ecnt(e2d)

  G = pl.pallas_call(
      _combine_body,
      out_shape=jax.ShapeDtypeStruct((E_PAD, HID), jnp.float32),
  )(esum, ecnt)

  Gbig = jnp.zeros((TBL_PAD, HID), jnp.float32).at[:E_PAD].set(G)
  vsum = _sc_pass2(Gbig, v2d_s, e2d)

  out = pl.pallas_call(
      _final_body,
      out_shape=jax.ShapeDtypeStruct((N_NODES, HID), jnp.float32),
  )(X, X0, vsum, vcnt, W1_w, W1_b, W2_w, W2_b, W3_w, W3_b)
  return out

# --- scband reference (transcript-rebuilt; emitter-appended) ---
"""Pipeline reference for scband-mhnnsconv-40458591928749 (READ-ONLY COPY).

The authoritative reference and input builder live on the scoring server;
editing this copy changes nothing except your own understanding.
"""

import jax, jax.numpy as jnp
import numpy as np

N_NODES = 10000
N_INC = 320000
N_HEDGES = 5000
HID = 128
ALPHA = 0.5


def setup_inputs(seed: int = 0) -> dict:
    key = jax.random.key(seed)
    ks = jax.random.split(key, 12)
    X = jax.random.normal(ks[0], (N_NODES, HID), dtype=jnp.float32)
    X0 = jax.random.normal(ks[1], (N_NODES, HID), dtype=jnp.float32)
    vertex = jax.random.randint(ks[2], (N_INC,), 0, N_NODES, dtype=jnp.int64 if jax.config.read('jax_enable_x64') else jnp.int32)
    edges = jax.random.randint(ks[3], (N_INC,), 0, N_HEDGES, dtype=jnp.int64 if jax.config.read('jax_enable_x64') else jnp.int32)
    # MLP(1 layer) == single Linear; weights stored as [in, out] for x @ W + b
    def glorot(k, fan_in, fan_out):
        lim = float(np.sqrt(6.0 / (fan_in + fan_out)))
        return jax.random.uniform(k, (fan_in, fan_out), minval=-lim, maxval=lim, dtype=jnp.float32)
    W1_w = glorot(ks[4], HID, HID)
    W1_b = jnp.zeros((HID,), dtype=jnp.float32)
    W2_w = glorot(ks[5], 2 * HID, HID)
    W2_b = jnp.zeros((HID,), dtype=jnp.float32)
    W3_w = glorot(ks[6], HID, HID)
    W3_b = jnp.zeros((HID,), dtype=jnp.float32)
    return {"X": X, "vertex": vertex, "edges": edges, "X0": X0,
            "W1_w": W1_w, "W1_b": W1_b, "W2_w": W2_w, "W2_b": W2_b,
            "W3_w": W3_w, "W3_b": W3_b}


def _scatter_mean(src, index, num_segments):
    sums = jax.ops.segment_sum(src, index, num_segments=num_segments)
    cnt = jax.ops.segment_sum(jnp.ones((src.shape[0], 1), dtype=src.dtype), index, num_segments=num_segments)
    return sums / jnp.clip(cnt, 1.0, None)


def reference(X, vertex, edges, X0, W1_w, W1_b, W2_w, W2_b, W3_w, W3_b):
    N = X.shape[0]
    # W1 (MLP 1-layer == Linear), then gather node->incidence
    X1 = X @ W1_w + W1_b
    Xve = X1[vertex]
    # scatter-mean incidences -> hyperedges
    Xe = _scatter_mean(Xve, edges, N_HEDGES)
    # gather hyperedge -> incidence
    Xev = Xe[edges]
    # W2 on concat(node feat gathered, hyperedge feat gathered)
    Xev = jnp.concatenate([X[vertex], Xev], axis=-1) @ W2_w + W2_b
    # scatter-mean incidences -> nodes
    Xv = _scatter_mean(Xev, vertex, N)
    Xn = (1.0 - ALPHA) * Xv + ALPHA * X0
    out = Xn @ W3_w + W3_b
    return out

if __name__ == "__main__":
    import jax
    _d = setup_inputs()
    print(jax.jit(kernel)(*tuple(_d.values())))

</pallas_src>

<mosaic_0001>
#map = affine_map<(d0, d1) -> (0, 0)>
#map1 = affine_map<(d0, d1) -> (0, 0, 0)>
module attributes {stable_mosaic.version = 14 : i64} {
  func.func @_sc_pass1(%arg0: i32, %arg1: i32, %arg2: memref<16384x128xf32, #tpu.memory_space<hbm>>, %arg3: memref<2560x128xi32, #tpu.memory_space<hbm>>, %arg4: memref<2560x128xi32, #tpu.memory_space<hbm>>, %arg5: memref<2x5120x128xf32, #tpu.memory_space<hbm>>, %arg6: memref<80x128xi32, #tpu.memory_space<vmem>>, %arg7: memref<80x128xi32, #tpu.memory_space<vmem>>, %arg8: memref<256x128xf32, #tpu.memory_space<vmem>>, %arg9: memref<!tpu.dma_semaphore, #tpu.memory_space<semaphore_mem>>, %arg10: memref<5120x128xf32, #tpu.memory_space<vmem_shared>>) attributes {dimension_semantics = [#tpu.dimension_semantics<core_parallel>, #tpu.dimension_semantics<subcore_parallel>], iteration_bounds = array<i64: 2, 16>, scalar_prefetch = 0 : i64, scratch_operands = 5 : i64, tpu.core_type = #tpu.core_type<sc_vector_subcore>, window_params = [{transform_indices = #map}, {transform_indices = #map}, {transform_indices = #map}, {transform_indices = #map1}]} {
    %mul3A = arith.constant 16 : i32
    %mul3A_0 = arith.muli %arg0, %mul3A : i32
    %add3A = arith.addi %mul3A_0, %arg1 : i32
    %broadcast_in_dim3A = arith.constant 0.000000e+00 : f32
    %broadcast_in_dim3A_1 = vector.broadcast %broadcast_in_dim3A : f32 to vector<16xf32>
    %scan3A = arith.constant 0 : i32
    %scan3A_2 = arith.constant 0 : i32
    %scan3A_3 = arith.constant 128 : i32
    %scan3A_4 = arith.addi %scan3A_2, %scan3A_3 : i32
    %scan3A_5 = arith.constant 1 : i32
    scf.for %scan3A_39 = %scan3A_2 to %scan3A_4 step %scan3A_5  : i32 {
      %swap3A = arith.index_cast %scan3A_39 : i32 to index
      %swap3A_40 = arith.constant 0 : index
      %swap3A_41 = tpu.vector_load %arg8[%swap3A, %swap3A_40] {strides = array<i32>} : memref<256x128xf32, #tpu.memory_space<vmem>>, vector<1x16xf32>,
      %swap3A_42 = vector.shape_cast %swap3A_41 : vector<1x16xf32> to vector<16xf32>
      %swap3A_43 = vector.shape_cast %broadcast_in_dim3A_1 : vector<16xf32> to vector<1x16xf32>
      tpu.vector_store %arg8[%swap3A, %swap3A_40], %swap3A_43 {strides = array<i32>} : memref<256x128xf32, #tpu.memory_space<vmem>>, vector<1x16xf32>,
      %swap3A_44 = arith.index_cast %scan3A_39 : i32 to index
      %swap3A_45 = arith.constant 16 : index
      %swap3A_46 = tpu.vector_load %arg8[%swap3A_44, %swap3A_45] {strides = array<i32>} : memref<256x128xf32, #tpu.memory_space<vmem>>, vector<1x16xf32>,
      %swap3A_47 = vector.shape_cast %swap3A_46 : vector<1x16xf32> to vector<16xf32>
      %swap3A_48 = vector.shape_cast %broadcast_in_dim3A_1 : vector<16xf32> to vector<1x16xf32>
      tpu.vector_store %arg8[%swap3A_44, %swap3A_45], %swap3A_48 {strides = array<i32>} : memref<256x128xf32, #tpu.memory_space<vmem>>, vector<1x16xf32>,
      %swap3A_49 = arith.index_cast %scan3A_39 : i32 to index
      %swap3A_50 = arith.constant 32 : index
      %swap3A_51 = tpu.vector_load %arg8[%swap3A_49, %swap3A_50] {strides = array<i32>} : memref<256x128xf32, #tpu.memory_space<vmem>>, vector<1x16xf32>,
      %swap3A_52 = vector.shape_cast %swap3A_51 : vector<1x16xf32> to vector<16xf32>
      %swap3A_53 = vector.shape_cast %broadcast_in_dim3A_1 : vector<16xf32> to vector<1x16xf32>
      tpu.vector_store %arg8[%swap3A_49, %swap3A_50], %swap3A_53 {strides = array<i32>} : memref<256x128xf32, #tpu.memory_space<vmem>>, vector<1x16xf32>,
      %swap3A_54 = arith.index_cast %scan3A_39 : i32 to index
      %swap3A_55 = arith.constant 48 : index
      %swap3A_56 = tpu.vector_load %arg8[%swap3A_54, %swap3A_55] {strides = array<i32>} : memref<256x128xf32, #tpu.memory_space<vmem>>, vector<1x16xf32>,
      %swap3A_57 = vector.shape_cast %swap3A_56 : vector<1x16xf32> to vector<16xf32>
      %swap3A_58 = vector.shape_cast %broadcast_in_dim3A_1 : vector<16xf32> to vector<1x16xf32>
      tpu.vector_store %arg8[%swap3A_54, %swap3A_55], %swap3A_58 {strides = array<i32>} : memref<256x128xf32, #tpu.memory_space<vmem>>, vector<1x16xf32>,
      %swap3A_59 = arith.index_cast %scan3A_39 : i32 to index
      %swap3A_60 = arith.constant 64 : index
      %swap3A_61 = tpu.vector_load %arg8[%swap3A_59, %swap3A_60] {strides = array<i32>} : memref<256x128xf32, #tpu.memory_space<vmem>>, vector<1x16xf32>,
      %swap3A_62 = vector.shape_cast %swap3A_61 : vector<1x16xf32> to vector<16xf32>
      %swap3A_63 = vector.shape_cast %broadcast_in_dim3A_1 : vector<16xf32> to vector<1x16xf32>
      tpu.vector_store %arg8[%swap3A_59, %swap3A_60], %swap3A_63 {strides = array<i32>} : memref<256x128xf32, #tpu.memory_space<vmem>>, vector<1x16xf32>,
      %swap3A_64 = arith.index_cast %scan3A_39 : i32 to index
      %swap3A_65 = arith.constant 80 : index
      %swap3A_66 = tpu.vector_load %arg8[%swap3A_64, %swap3A_65] {strides = array<i32>} : memref<256x128xf32, #tpu.memory_space<vmem>>, vector<1x16xf32>,
      %swap3A_67 = vector.shape_cast %swap3A_66 : vector<1x16xf32> to vector<16xf32>
      %swap3A_68 = vector.shape_cast %broadcast_in_dim3A_1 : vector<16xf32> to vector<1x16xf32>
      tpu.vector_store %arg8[%swap3A_64, %swap3A_65], %swap3A_68 {strides = array<i32>} : memref<256x128xf32, #tpu.memory_space<vmem>>, vector<1x16xf32>,
      %swap3A_69 = arith.index_cast %scan3A_39 : i32 to index
      %swap3A_70 = arith.constant 96 : index
      %swap3A_71 = tpu.vector_load %arg8[%swap3A_69, %swap3A_70] {strides = array<i32>} : memref<256x128xf32, #tpu.memory_space<vmem>>, vector<1x16xf32>,
      %swap3A_72 = vector.shape_cast %swap3A_71 : vector<1x16xf32> to vector<16xf32>
      %swap3A_73 = vector.shape_cast %broadcast_in_dim3A_1 : vector<16xf32> to vector<1x16xf32>
      tpu.vector_store %arg8[%swap3A_69, %swap3A_70], %swap3A_73 {strides = array<i32>} : memref<256x128xf32, #tpu.memory_space<vmem>>, vector<1x16xf32>,
      %swap3A_74 = arith.index_cast %scan3A_39 : i32 to index
      %swap3A_75 = arith.constant 112 : index
      %swap3A_76 = tpu.vector_load %arg8[%swap3A_74, %swap3A_75] {strides = array<i32>} : memref<256x128xf32, #tpu.memory_space<vmem>>, vector<1x16xf32>,
      %swap3A_77 = vector.shape_cast %swap3A_76 : vector<1x16xf32> to vector<16xf32>
      %swap3A_78 = vector.shape_cast %broadcast_in_dim3A_1 : vector<16xf32> to vector<1x16xf32>
      tpu.vector_store %arg8[%swap3A_74, %swap3A_75], %swap3A_78 {strides = array<i32>} : memref<256x128xf32, #tpu.memory_space<vmem>>, vector<1x16xf32>,
    }
    %scan3A_6 = arith.constant 128 : i32
    %mul3A_7 = arith.constant 320 : i32
    %mul3A_8 = arith.muli %arg1, %mul3A_7 : i32
    %add3A_9 = arith.constant 0 : i32
    %add3A_10 = arith.addi %mul3A_8, %add3A_9 : i32
    "tpu.region"() ({
      %run_scoped3A = tpu.sem_alloc : memref<!tpu.dma_semaphore, #tpu.memory_space<semaphore_mem>>
      %dma_start3A_39 = arith.constant 0 : i32
      %dma_start3A_40 = arith.constant 0 : i32
      %dma_start3A_41 = tpu.memref_slice %arg8[%dma_start3A_39, %dma_start3A_40] : memref<256x128xf32, #tpu.memory_space<vmem>> -> memref<128x128xf32, #tpu.memory_space<vmem>>
      %dma_start3A_42 = arith.constant 0 : i32
      %dma_start3A_43 = tpu.memref_slice %arg10[%add3A_10, %dma_start3A_42] : memref<5120x128xf32, #tpu.memory_space<vmem_shared>> -> memref<128x128xf32, #tpu.memory_space<vmem_shared>>
      %dma_start3A_44 = arith.constant 0 : i32
      %dma_start3A_45 = tpu.memref_slice %arg10[%add3A_10, %dma_start3A_44] : memref<5120x128xf32, #tpu.memory_space<vmem_shared>> -> memref<128x128xf32, #tpu.memory_space<vmem_shared>>
      %dma_start3A_46 = arith.constant 0 : i32
      %dma_start3A_47 = arith.constant 0 : i32
      %dma_start3A_48 = tpu.memref_slice %arg8[%dma_start3A_46, %dma_start3A_47] : memref<256x128xf32, #tpu.memory_space<vmem>> -> memref<128x128xf32, #tpu.memory_space<vmem>>
      tpu.enqueue_dma source(%dma_start3A_48 : memref<128x128xf32, #tpu.memory_space<vmem>>) target(%dma_start3A_45 : memref<128x128xf32, #tpu.memory_space<vmem_shared>>) target_semaphore(%run_scoped3A : memref<!tpu.dma_semaphore, #tpu.memory_space<semaphore_mem>>)
      %dma_wait3A = arith.constant 0 : i32
      %dma_wait3A_49 = arith.constant 0 : i32
      %dma_wait3A_50 = tpu.memref_slice %arg8[%dma_wait3A, %dma_wait3A_49] : memref<256x128xf32, #tpu.memory_space<vmem>> -> memref<128x128xf32, #tpu.memory_space<vmem>>
      %dma_wait3A_51 = arith.constant 0 : i32
      %dma_wait3A_52 = tpu.memref_slice %arg10[%add3A_10, %dma_wait3A_51] : memref<5120x128xf32, #tpu.memory_space<vmem_shared>> -> memref<128x128xf32, #tpu.memory_space<vmem_shared>>
      %dma_wait3A_53 = arith.constant 0 : i32
      %dma_wait3A_54 = tpu.memref_slice %arg10[%add3A_10, %dma_wait3A_53] : memref<5120x128xf32, #tpu.memory_space<vmem_shared>> -> memref<128x128xf32, #tpu.memory_space<vmem_shared>>
      %dma_wait3A_55 = arith.constant 0 : i32
      %dma_wait3A_56 = arith.constant 0 : i32
      %dma_wait3A_57 = tpu.memref_slice %arg8[%dma_wait3A_55, %dma_wait3A_56] : memref<256x128xf32, #tpu.memory_space<vmem>> -> memref<128x128xf32, #tpu.memory_space<vmem>>
      tpu.wait_dma2 semaphore(%run_scoped3A : memref<!tpu.dma_semaphore, #tpu.memory_space<semaphore_mem>>) src(%dma_wait3A_57 : memref<128x128xf32, #tpu.memory_space<vmem>>) dst(%dma_wait3A_54 : memref<128x128xf32, #tpu.memory_space<vmem_shared>>)
      tpu.yield
    }) : () -> ()
    %add3A_11 = arith.constant 128 : i32
    %add3A_12 = arith.addi %mul3A_8, %add3A_11 : i32
    "tpu.region"() ({
      %run_scoped3A = tpu.sem_alloc : memref<!tpu.dma_semaphore, #tpu.memory_space<semaphore_mem>>
      %dma_start3A_39 = arith.constant 0 : i32
      %dma_start3A_40 = arith.constant 0 : i32
      %dma_start3A_41 = tpu.memref_slice %arg8[%dma_start3A_39, %dma_start3A_40] : memref<256x128xf32, #tpu.memory_space<vmem>> -> memref<128x128xf32, #tpu.memory_space<vmem>>
      %dma_start3A_42 = arith.constant 0 : i32
      %dma_start3A_43 = tpu.memref_slice %arg10[%add3A_12, %dma_start3A_42] : memref<5120x128xf32, #tpu.memory_space<vmem_shared>> -> memref<128x128xf32, #tpu.memory_space<vmem_shared>>
      %dma_start3A_44 = arith.constant 0 : i32
      %dma_start3A_45 = tpu.memref_slice %arg10[%add3A_12, %dma_start3A_44] : memref<5120x128xf32, #tpu.memory_space<vmem_shared>> -> memref<128x128xf32, #tpu.memory_space<vmem_shared>>
      %dma_start3A_46 = arith.constant 0 : i32
      %dma_start3A_47 = arith.constant 0 : i32
      %dma_start3A_48 = tpu.memref_slice %arg8[%dma_start3A_46, %dma_start3A_47] : memref<256x128xf32, #tpu.memory_space<vmem>> -> memref<128x128xf32, #tpu.memory_space<vmem>>
      tpu.enqueue_dma source(%dma_start3A_48 : memref<128x128xf32, #tpu.memory_space<vmem>>) target(%dma_start3A_45 : memref<128x128xf32, #tpu.memory_space<vmem_shared>>) target_semaphore(%run_scoped3A : memref<!tpu.dma_semaphore, #tpu.memory_space<semaphore_mem>>)
      %dma_wait3A = arith.constant 0 : i32
      %dma_wait3A_49 = arith.constant 0 : i32
      %dma_wait3A_50 = tpu.memref_slice %arg8[%dma_wait3A, %dma_wait3A_49] : memref<256x128xf32, #tpu.memory_space<vmem>> -> memref<128x128xf32, #tpu.memory_space<vmem>>
      %dma_wait3A_51 = arith.constant 0 : i32
      %dma_wait3A_52 = tpu.memref_slice %arg10[%add3A_12, %dma_wait3A_51] : memref<5120x128xf32, #tpu.memory_space<vmem_shared>> -> memref<128x128xf32, #tpu.memory_space<vmem_shared>>
      %dma_wait3A_53 = arith.constant 0 : i32
      %dma_wait3A_54 = tpu.memref_slice %arg10[%add3A_12, %dma_wait3A_53] : memref<5120x128xf32, #tpu.memory_space<vmem_shared>> -> memref<128x128xf32, #tpu.memory_space<vmem_shared>>
      %dma_wait3A_55 = arith.constant 0 : i32
      %dma_wait3A_56 = arith.constant 0 : i32
      %dma_wait3A_57 = tpu.memref_slice %arg8[%dma_wait3A_55, %dma_wait3A_56] : memref<256x128xf32, #tpu.memory_space<vmem>> -> memref<128x128xf32, #tpu.memory_space<vmem>>
      tpu.wait_dma2 semaphore(%run_scoped3A : memref<!tpu.dma_semaphore, #tpu.memory_space<semaphore_mem>>) src(%dma_wait3A_57 : memref<128x128xf32, #tpu.memory_space<vmem>>) dst(%dma_wait3A_54 : memref<128x128xf32, #tpu.memory_space<vmem_shared>>)
      tpu.yield
    }) : () -> ()
    %add3A_13 = arith.constant 256 : i32
    %add3A_14 = arith.addi %mul3A_8, %add3A_13 : i32
    "tpu.region"() ({
      %run_scoped3A = tpu.sem_alloc : memref<!tpu.dma_semaphore, #tpu.memory_space<semaphore_mem>>
      %dma_start3A_39 = arith.constant 0 : i32
      %dma_start3A_40 = arith.constant 0 : i32
      %dma_start3A_41 = tpu.memref_slice %arg8[%dma_start3A_39, %dma_start3A_40] : memref<256x128xf32, #tpu.memory_space<vmem>> -> memref<64x128xf32, #tpu.memory_space<vmem>>
      %dma_start3A_42 = arith.constant 0 : i32
      %dma_start3A_43 = tpu.memref_slice %arg10[%add3A_14, %dma_start3A_42] : memref<5120x128xf32, #tpu.memory_space<vmem_shared>> -> memref<64x128xf32, #tpu.memory_space<vmem_shared>>
      %dma_start3A_44 = arith.constant 0 : i32
      %dma_start3A_45 = tpu.memref_slice %arg10[%add3A_14, %dma_start3A_44] : memref<5120x128xf32, #tpu.memory_space<vmem_shared>> -> memref<64x128xf32, #tpu.memory_space<vmem_shared>>
      %dma_start3A_46 = arith.constant 0 : i32
      %dma_start3A_47 = arith.constant 0 : i32
      %dma_start3A_48 = tpu.memref_slice %arg8[%dma_start3A_46, %dma_start3A_47] : memref<256x128xf32, #tpu.memory_space<vmem>> -> memref<64x128xf32, #tpu.memory_space<vmem>>
      tpu.enqueue_dma source(%dma_start3A_48 : memref<64x128xf32, #tpu.memory_space<vmem>>) target(%dma_start3A_45 : memref<64x128xf32, #tpu.memory_space<vmem_shared>>) target_semaphore(%run_scoped3A : memref<!tpu.dma_semaphore, #tpu.memory_space<semaphore_mem>>)
      %dma_wait3A = arith.constant 0 : i32
      %dma_wait3A_49 = arith.constant 0 : i32
      %dma_wait3A_50 = tpu.memref_slice %arg8[%dma_wait3A, %dma_wait3A_49] : memref<256x128xf32, #tpu.memory_space<vmem>> -> memref<64x128xf32, #tpu.memory_space<vmem>>
      %dma_wait3A_51 = arith.constant 0 : i32
      %dma_wait3A_52 = tpu.memref_slice %arg10[%add3A_14, %dma_wait3A_51] : memref<5120x128xf32, #tpu.memory_space<vmem_shared>> -> memref<64x128xf32, #tpu.memory_space<vmem_shared>>
      %dma_wait3A_53 = arith.constant 0 : i32
      %dma_wait3A_54 = tpu.memref_slice %arg10[%add3A_14, %dma_wait3A_53] : memref<5120x128xf32, #tpu.memory_space<vmem_shared>> -> memref<64x128xf32, #tpu.memory_space<vmem_shared>>
      %dma_wait3A_55 = arith.constant 0 : i32
      %dma_wait3A_56 = arith.constant 0 : i32
      %dma_wait3A_57 = tpu.memref_slice %arg8[%dma_wait3A_55, %dma_wait3A_56] : memref<256x128xf32, #tpu.memory_space<vmem>> -> memref<64x128xf32, #tpu.memory_space<vmem>>
      tpu.wait_dma2 semaphore(%run_scoped3A : memref<!tpu.dma_semaphore, #tpu.memory_space<semaphore_mem>>) src(%dma_wait3A_57 : memref<64x128xf32, #tpu.memory_space<vmem>>) dst(%dma_wait3A_54 : memref<64x128xf32, #tpu.memory_space<vmem_shared>>)
      tpu.yield
    }) : () -> ()
    %mul3A_15 = arith.constant 80 : i32
    %mul3A_16 = arith.muli %add3A, %mul3A_15 : i32
    "tpu.region"() ({
      %run_scoped3A = tpu.sem_alloc : memref<!tpu.dma_semaphore, #tpu.memory_space<semaphore_mem>>
      %dma_start3A_39 = arith.constant 0 : i32
      %dma_start3A_40 = tpu.memref_slice %arg3[%mul3A_16, %dma_start3A_39] : memref<2560x128xi32, #tpu.memory_space<hbm>> -> memref<80x128xi32, #tpu.memory_space<hbm>>
      %dma_start3A_41 = arith.constant 0 : i32
      %dma_start3A_42 = tpu.memref_slice %arg3[%mul3A_16, %dma_start3A_41] : memref<2560x128xi32, #tpu.memory_space<hbm>> -> memref<80x128xi32, #tpu.memory_space<hbm>>
      tpu.enqueue_dma source(%dma_start3A_42 : memref<80x128xi32, #tpu.memory_space<hbm>>) target(%arg6 : memref<80x128xi32, #tpu.memory_space<vmem>>) target_semaphore(%run_scoped3A : memref<!tpu.dma_semaphore, #tpu.memory_space<semaphore_mem>>)
      %dma_wait3A = arith.constant 0 : i32
      %dma_wait3A_43 = tpu.memref_slice %arg3[%mul3A_16, %dma_wait3A] : memref<2560x128xi32, #tpu.memory_space<hbm>> -> memref<80x128xi32, #tpu.memory_space<hbm>>
      %dma_wait3A_44 = arith.constant 0 : i32
      %dma_wait3A_45 = tpu.memref_slice %arg3[%mul3A_16, %dma_wait3A_44] : memref<2560x128xi32, #tpu.memory_space<hbm>> -> memref<80x128xi32, #tpu.memory_space<hbm>>
      tpu.wait_dma2 semaphore(%run_scoped3A : memref<!tpu.dma_semaphore, #tpu.memory_space<semaphore_mem>>) src(%dma_wait3A_45 : memref<80x128xi32, #tpu.memory_space<hbm>>) dst(%arg6 : memref<80x128xi32, #tpu.memory_space<vmem>>)
      tpu.yield
    }) : () -> ()
    %mul3A_17 = arith.constant 80 : i32
    %mul3A_18 = arith.muli %add3A, %mul3A_17 : i32
    "tpu.region"() ({
      %run_scoped3A = tpu.sem_alloc : memref<!tpu.dma_semaphore, #tpu.memory_space<semaphore_mem>>
      %dma_start3A_39 = arith.constant 0 : i32
      %dma_start3A_40 = tpu.memref_slice %arg4[%mul3A_18, %dma_start3A_39] : memref<2560x128xi32, #tpu.memory_space<hbm>> -> memref<80x128xi32, #tpu.memory_space<hbm>>
      %dma_start3A_41 = arith.constant 0 : i32
      %dma_start3A_42 = tpu.memref_slice %arg4[%mul3A_18, %dma_start3A_41] : memref<2560x128xi32, #tpu.memory_space<hbm>> -> memref<80x128xi32, #tpu.memory_space<hbm>>
      tpu.enqueue_dma source(%dma_start3A_42 : memref<80x128xi32, #tpu.memory_space<hbm>>) target(%arg7 : memref<80x128xi32, #tpu.memory_space<vmem>>) target_semaphore(%run_scoped3A : memref<!tpu.dma_semaphore, #tpu.memory_space<semaphore_mem>>)
      %dma_wait3A = arith.constant 0 : i32
      %dma_wait3A_43 = tpu.memref_slice %arg4[%mul3A_18, %dma_wait3A] : memref<2560x128xi32, #tpu.memory_space<hbm>> -> memref<80x128xi32, #tpu.memory_space<hbm>>
      %dma_wait3A_44 = arith.constant 0 : i32
      %dma_wait3A_45 = tpu.memref_slice %arg4[%mul3A_18, %dma_wait3A_44] : memref<2560x128xi32, #tpu.memory_space<hbm>> -> memref<80x128xi32, #tpu.memory_space<hbm>>
      tpu.wait_dma2 semaphore(%run_scoped3A : memref<!tpu.dma_semaphore, #tpu.memory_space<semaphore_mem>>) src(%dma_wait3A_45 : memref<80x128xi32, #tpu.memory_space<hbm>>) dst(%arg7 : memref<80x128xi32, #tpu.memory_space<vmem>>)
      tpu.yield
    }) : () -> ()
    %barrier3A = arith.constant 0 : index
    tpu.barrier barrier_id(%barrier3A)
    %dma_start3A = arith.constant 0 : i32
    %dma_start3A_19 = arith.constant 0 : i32
    %dma_start3A_20 = arith.constant 0 : i32
    %dma_start3A_21 = tpu.memref_slice %arg8[%dma_start3A_19, %dma_start3A_20] : memref<256x128xf32, #tpu.memory_space<vmem>> -> memref<128x128xf32, #tpu.memory_space<vmem>>
    %dma_start3A_22 = arith.constant 0 : i32
    %dma_start3A_23 = tpu.memref_slice %arg6[%dma_start3A, %dma_start3A_22] : memref<80x128xi32, #tpu.memory_space<vmem>> -> memref<1x128xi32, #tpu.memory_space<vmem>>
    %dma_start3A_24 = tpu.memref_squeeze %dma_start3A_23 : memref<1x128xi32, #tpu.memory_space<vmem>> -> memref<128xi32, #tpu.memory_space<vmem>>
    %dma_start3A_25 = arith.constant 0 : i32
    %dma_start3A_26 = arith.constant 0 : i32
    %dma_start3A_27 = tpu.memref_slice %arg2[%dma_start3A_25, %dma_start3A_26] : memref<16384x128xf32, #tpu.memory_space<hbm>> -> memref<16384x128xf32, #tpu.memory_space<hbm>>
    tpu.enqueue_indirect_dma source(%dma_start3A_27 : memref<16384x128xf32, #tpu.memory_space<hbm>>) target(%dma_start3A_21 : memref<128x128xf32, #tpu.memory_space<vmem>>) offsets(%dma_start3A_24 : memref<128xi32, #tpu.memory_space<vmem>>) semaphore(%arg9 : memref<!tpu.dma_semaphore, #tpu.memory_space<semaphore_mem>>)
    %scan3A_28 = arith.constant 0 : i32
    %scan3A_29 = arith.constant 0 : i32
    %scan3A_30 = arith.constant 80 : i32
    %scan3A_31 = arith.addi %scan3A_29, %scan3A_30 : i32
    %scan3A_32 = arith.constant 1 : i32
    scf.for %scan3A_39 = %scan3A_29 to %scan3A_31 step %scan3A_32  : i32 {
      %rem3A = arith.constant 2 : i32
      %rem3A_40 = arith.remsi %scan3A_39, %rem3A : i32
      %mul3A_41 = arith.constant 128 : i32
      %mul3A_42 = arith.muli %rem3A_40, %mul3A_41 : i32
      %add3A_43 = arith.constant 1 : i32
      %add3A_44 = arith.addi %scan3A_39, %add3A_43 : i32
      %rem3A_45 = arith.constant 2 : i32
      %rem3A_46 = arith.remsi %add3A_44, %rem3A_45 : i32
      %mul3A_47 = arith.constant 128 : i32
      %mul3A_48 = arith.muli %rem3A_46, %mul3A_47 : i32
      %add3A_49 = arith.constant 1 : i32
      %add3A_50 = arith.addi %scan3A_39, %add3A_49 : i32
      %lt3A = arith.constant 80 : i32
      %lt3A_51 = arith.cmpi slt, %add3A_50, %lt3A : i32
      %convert_element_type3A = arith.extui %lt3A_51 : i1 to i32
      %cond3A = arith.constant 0 : i32
      %cond3A_52 = arith.cmpi ne, %convert_element_type3A, %cond3A : i32
      scf.if %cond3A_52 {
        %add3A_62 = arith.constant 1 : i32
        %add3A_63 = arith.addi %scan3A_39, %add3A_62 : i32
        %dma_start3A_64 = arith.constant 0 : i32
        %dma_start3A_65 = tpu.memref_slice %arg8[%mul3A_48, %dma_start3A_64] : memref<256x128xf32, #tpu.memory_space<vmem>> -> memref<128x128xf32, #tpu.memory_space<vmem>>
        %dma_start3A_66 = arith.constant 0 : i32
        %dma_start3A_67 = tpu.memref_slice %arg6[%add3A_63, %dma_start3A_66] : memref<80x128xi32, #tpu.memory_space<vmem>> -> memref<1x128xi32, #tpu.memory_space<vmem>>
        %dma_start3A_68 = tpu.memref_squeeze %dma_start3A_67 : memref<1x128xi32, #tpu.memory_space<vmem>> -> memref<128xi32, #tpu.memory_space<vmem>>
        %dma_start3A_69 = arith.constant 0 : i32
        %dma_start3A_70 = arith.constant 0 : i32
        %dma_start3A_71 = tpu.memref_slice %arg2[%dma_start3A_69, %dma_start3A_70] : memref<16384x128xf32, #tpu.memory_space<hbm>> -> memref<16384x128xf32, #tpu.memory_space<hbm>>
        tpu.enqueue_indirect_dma source(%dma_start3A_71 : memref<16384x128xf32, #tpu.memory_space<hbm>>) target(%dma_start3A_65 : memref<128x128xf32, #tpu.memory_space<vmem>>) offsets(%dma_start3A_68 : memref<128xi32, #tpu.memory_space<vmem>>) semaphore(%arg9 : memref<!tpu.dma_semaphore, #tpu.memory_space<semaphore_mem>>)
      } else {
      }
      %dma_wait3A = arith.constant 0 : i32
      %dma_wait3A_53 = arith.constant 0 : i32
      %dma_wait3A_54 = arith.constant 0 : i32
      %dma_wait3A_55 = tpu.memref_slice %arg8[%dma_wait3A_53, %dma_wait3A_54] : memref<256x128xf32, #tpu.memory_space<vmem>> -> memref<128x128xf32, #tpu.memory_space<vmem>>
      %dma_wait3A_56 = arith.constant 0 : i32
      %dma_wait3A_57 = tpu.memref_slice %arg6[%dma_wait3A, %dma_wait3A_56] : memref<80x128xi32, #tpu.memory_space<vmem>> -> memref<1x128xi32, #tpu.memory_space<vmem>>
      %dma_wait3A_58 = tpu.memref_squeeze %dma_wait3A_57 : memref<1x128xi32, #tpu.memory_space<vmem>> -> memref<128xi32, #tpu.memory_space<vmem>>
      %dma_wait3A_59 = arith.constant 0 : i32
      %dma_wait3A_60 = arith.constant 0 : i32
      %dma_wait3A_61 = tpu.memref_slice %arg2[%dma_wait3A_59, %dma_wait3A_60] : memref<16384x128xf32, #tpu.memory_space<hbm>> -> memref<16384x128xf32, #tpu.memory_space<hbm>>
      tpu.wait_indirect_dma semaphore(%arg9 : memref<!tpu.dma_semaphore, #tpu.memory_space<semaphore_mem>>) src(%dma_wait3A_61 : memref<16384x128xf32, #tpu.memory_space<hbm>>) dst(%dma_wait3A_55 : memref<128x128xf32, #tpu.memory_space<vmem>>)
      "tpu.region"() ({
        %run_scoped3A = tpu.sem_alloc : memref<!tpu.dma_semaphore, #tpu.memory_space<semaphore_mem>>
        %dma_start3A_62 = arith.constant 0 : i32
        %dma_start3A_63 = tpu.memref_slice %arg8[%mul3A_42, %dma_start3A_62] : memref<256x128xf32, #tpu.memory_space<vmem>> -> memref<128x128xf32, #tpu.memory_space<vmem>>
        %dma_start3A_64 = arith.constant 0 : i32
        %dma_start3A_65 = tpu.memref_slice %arg7[%scan3A_39, %dma_start3A_64] : memref<80x128xi32, #tpu.memory_space<vmem>> -> memref<1x128xi32, #tpu.memory_space<vmem>>
        %dma_start3A_66 = tpu.memref_squeeze %dma_start3A_65 : memref<1x128xi32, #tpu.memory_space<vmem>> -> memref<128xi32, #tpu.memory_space<vmem>>
        %dma_start3A_67 = arith.constant 0 : i32
        %dma_start3A_68 = arith.constant 0 : i32
        %dma_start3A_69 = tpu.memref_slice %arg10[%dma_start3A_67, %dma_start3A_68] : memref<5120x128xf32, #tpu.memory_space<vmem_shared>> -> memref<5120x128xf32, #tpu.memory_space<vmem_shared>>
        tpu.enqueue_indirect_dma source(%dma_start3A_63 : memref<128x128xf32, #tpu.memory_space<vmem>>) target(%dma_start3A_69 : memref<5120x128xf32, #tpu.memory_space<vmem_shared>>) offsets(%dma_start3A_66 : memref<128xi32, #tpu.memory_space<vmem>>) semaphore(%run_scoped3A : memref<!tpu.dma_semaphore, #tpu.memory_space<semaphore_mem>>) {add = true}
        %dma_wait3A_70 = arith.constant 0 : i32
        %dma_wait3A_71 = tpu.memref_slice %arg8[%mul3A_42, %dma_wait3A_70] : memref<256x128xf32, #tpu.memory_space<vmem>> -> memref<128x128xf32, #tpu.memory_space<vmem>>
        %dma_wait3A_72 = arith.constant 0 : i32
        %dma_wait3A_73 = tpu.memref_slice %arg7[%scan3A_39, %dma_wait3A_72] : memref<80x128xi32, #tpu.memory_space<vmem>> -> memref<1x128xi32, #tpu.memory_space<vmem>>
        %dma_wait3A_74 = tpu.memref_squeeze %dma_wait3A_73 : memref<1x128xi32, #tpu.memory_space<vmem>> -> memref<128xi32, #tpu.memory_space<vmem>>
        %dma_wait3A_75 = arith.constant 0 : i32
        %dma_wait3A_76 = arith.constant 0 : i32
        %dma_wait3A_77 = tpu.memref_slice %arg10[%dma_wait3A_75, %dma_wait3A_76] : memref<5120x128xf32, #tpu.memory_space<vmem_shared>> -> memref<5120x128xf32, #tpu.memory_space<vmem_shared>>
        tpu.wait_indirect_dma semaphore(%run_scoped3A : memref<!tpu.dma_semaphore, #tpu.memory_space<semaphore_mem>>) src(%dma_wait3A_71 : memref<128x128xf32, #tpu.memory_space<vmem>>) dst(%dma_wait3A_77 : memref<5120x128xf32, #tpu.memory_space<vmem_shared>>)
        tpu.yield
      }) : () -> ()
    }
    %scan3A_33 = arith.constant 80 : i32
    %barrier3A_34 = arith.constant 0 : index
    tpu.barrier barrier_id(%barrier3A_34)
    %mul3A_35 = arith.constant 320 : i32
    %mul3A_36 = arith.muli %arg1, %mul3A_35 : i32
    %mul3A_37 = arith.constant 320 : i32
    %mul3A_38 = arith.muli %arg1, %mul3A_37 : i32
    "tpu.region"() ({
      %run_scoped3A = tpu.sem_alloc : memref<!tpu.dma_semaphore, #tpu.memory_space<semaphore_mem>>
      %dma_start3A_39 = arith.constant 0 : i32
      %dma_start3A_40 = tpu.memref_slice %arg5[%arg0, %mul3A_38, %dma_start3A_39] : memref<2x5120x128xf32, #tpu.memory_space<hbm>> -> memref<1x320x128xf32, #tpu.memory_space<hbm>>
      %dma_start3A_41 = tpu.memref_squeeze %dma_start3A_40 : memref<1x320x128xf32, #tpu.memory_space<hbm>> -> memref<320x128xf32, #tpu.memory_space<hbm>>
      %dma_start3A_42 = arith.constant 0 : i32
      %dma_start3A_43 = tpu.memref_slice %arg10[%mul3A_36, %dma_start3A_42] : memref<5120x128xf32, #tpu.memory_space<vmem_shared>> -> memref<320x128xf32, #tpu.memory_space<vmem_shared>>
      tpu.enqueue_dma source(%dma_start3A_43 : memref<320x128xf32, #tpu.memory_space<vmem_shared>>) target(%dma_start3A_41 : memref<320x128xf32, #tpu.memory_space<hbm>>) target_semaphore(%run_scoped3A : memref<!tpu.dma_semaphore, #tpu.memory_space<semaphore_mem>>)
      %dma_wait3A = arith.constant 0 : i32
      %dma_wait3A_44 = tpu.memref_slice %arg5[%arg0, %mul3A_38, %dma_wait3A] : memref<2x5120x128xf32, #tpu.memory_space<hbm>> -> memref<1x320x128xf32, #tpu.memory_space<hbm>>
      %dma_wait3A_45 = tpu.memref_squeeze %dma_wait3A_44 : memref<1x320x128xf32, #tpu.memory_space<hbm>> -> memref<320x128xf32, #tpu.memory_space<hbm>>
      %dma_wait3A_46 = arith.constant 0 : i32
      %dma_wait3A_47 = tpu.memref_slice %arg10[%mul3A_36, %dma_wait3A_46] : memref<5120x128xf32, #tpu.memory_space<vmem_shared>> -> memref<320x128xf32, #tpu.memory_space<vmem_shared>>
      tpu.wait_dma2 semaphore(%run_scoped3A : memref<!tpu.dma_semaphore, #tpu.memory_space<semaphore_mem>>) src(%dma_wait3A_47 : memref<320x128xf32, #tpu.memory_space<vmem_shared>>) dst(%dma_wait3A_45 : memref<320x128xf32, #tpu.memory_space<hbm>>)
      tpu.yield
    }) : () -> ()
    return
  }
}

#map = affine_map<(d0, d1) -> (0, 0)>
#map1 = affine_map<(d0, d1) -> (0, 0, 0)>
module attributes {stable_mosaic.version = 14 : i64} {
  func.func @_count(%arg0: i32, %arg1: i32, %arg2: memref<2560x128xi32, #tpu.memory_space<hbm>>, %arg3: memref<2x10112x128xf32, #tpu.memory_space<hbm>>, %arg4: memref<80x128xi32, #tpu.memory_space<vmem>>, %arg5: memref<128x128xf32, #tpu.memory_space<vmem>>, %arg6: memref<!tpu.dma_semaphore, #tpu.memory_space<semaphore_mem>>, %arg7: memref<10112x128xf32, #tpu.memory_space<vmem_shared>>) attributes {dimension_semantics = [#tpu.dimension_semantics<core_parallel>, #tpu.dimension_semantics<subcore_parallel>], iteration_bounds = array<i64: 2, 16>, scalar_prefetch = 0 : i64, scratch_operands = 4 : i64, tpu.core_type = #tpu.core_type<sc_vector_subcore>, window_params = [{transform_indices = #map}, {transform_indices = #map1}]} {
    %mul3A = arith.constant 16 : i32
    %mul3A_0 = arith.muli %arg0, %mul3A : i32
    %add3A = arith.addi %mul3A_0, %arg1 : i32
    %broadcast_in_dim3A = arith.constant 0.000000e+00 : f32
    %broadcast_in_dim3A_1 = vector.broadcast %broadcast_in_dim3A : f32 to vector<16xf32>
    %scan3A = arith.constant 0 : i32
    %scan3A_2 = arith.constant 0 : i32
    %scan3A_3 = arith.constant 128 : i32
    %scan3A_4 = arith.addi %scan3A_2, %scan3A_3 : i32
    %scan3A_5 = arith.constant 1 : i32
    scf.for %scan3A_46 = %scan3A_2 to %scan3A_4 step %scan3A_5  : i32 {
      %swap3A = arith.index_cast %scan3A_46 : i32 to index
      %swap3A_47 = arith.constant 0 : index
      %swap3A_48 = tpu.vector_load %arg5[%swap3A, %swap3A_47] {strides = array<i32>} : memref<128x128xf32, #tpu.memory_space<vmem>>, vector<1x16xf32>,
      %swap3A_49 = vector.shape_cast %swap3A_48 : vector<1x16xf32> to vector<16xf32>
      %swap3A_50 = vector.shape_cast %broadcast_in_dim3A_1 : vector<16xf32> to vector<1x16xf32>
      tpu.vector_store %arg5[%swap3A, %swap3A_47], %swap3A_50 {strides = array<i32>} : memref<128x128xf32, #tpu.memory_space<vmem>>, vector<1x16xf32>,
      %swap3A_51 = arith.index_cast %scan3A_46 : i32 to index
      %swap3A_52 = arith.constant 16 : index
      %swap3A_53 = tpu.vector_load %arg5[%swap3A_51, %swap3A_52] {strides = array<i32>} : memref<128x128xf32, #tpu.memory_space<vmem>>, vector<1x16xf32>,
      %swap3A_54 = vector.shape_cast %swap3A_53 : vector<1x16xf32> to vector<16xf32>
      %swap3A_55 = vector.shape_cast %broadcast_in_dim3A_1 : vector<16xf32> to vector<1x16xf32>
      tpu.vector_store %arg5[%swap3A_51, %swap3A_52], %swap3A_55 {strides = array<i32>} : memref<128x128xf32, #tpu.memory_space<vmem>>, vector<1x16xf32>,
      %swap3A_56 = arith.index_cast %scan3A_46 : i32 to index
      %swap3A_57 = arith.constant 32 : index
      %swap3A_58 = tpu.vector_load %arg5[%swap3A_56, %swap3A_57] {strides = array<i32>} : memref<128x128xf32, #tpu.memory_space<vmem>>, vector<1x16xf32>,
      %swap3A_59 = vector.shape_cast %swap3A_58 : vector<1x16xf32> to vector<16xf32>
      %swap3A_60 = vector.shape_cast %broadcast_in_dim3A_1 : vector<16xf32> to vector<1x16xf32>
      tpu.vector_store %arg5[%swap3A_56, %swap3A_57], %swap3A_60 {strides = array<i32>} : memref<128x128xf32, #tpu.memory_space<vmem>>, vector<1x16xf32>,
      %swap3A_61 = arith.index_cast %scan3A_46 : i32 to index
      %swap3A_62 = arith.constant 48 : index
      %swap3A_63 = tpu.vector_load %arg5[%swap3A_61, %swap3A_62] {strides = array<i32>} : memref<128x128xf32, #tpu.memory_space<vmem>>, vector<1x16xf32>,
      %swap3A_64 = vector.shape_cast %swap3A_63 : vector<1x16xf32> to vector<16xf32>
      %swap3A_65 = vector.shape_cast %broadcast_in_dim3A_1 : vector<16xf32> to vector<1x16xf32>
      tpu.vector_store %arg5[%swap3A_61, %swap3A_62], %swap3A_65 {strides = array<i32>} : memref<128x128xf32, #tpu.memory_space<vmem>>, vector<1x16xf32>,
      %swap3A_66 = arith.index_cast %scan3A_46 : i32 to index
      %swap3A_67 = arith.constant 64 : index
      %swap3A_68 = tpu.vector_load %arg5[%swap3A_66, %swap3A_67] {strides = array<i32>} : memref<128x128xf32, #tpu.memory_space<vmem>>, vector<1x16xf32>,
      %swap3A_69 = vector.shape_cast %swap3A_68 : vector<1x16xf32> to vector<16xf32>
      %swap3A_70 = vector.shape_cast %broadcast_in_dim3A_1 : vector<16xf32> to vector<1x16xf32>
      tpu.vector_store %arg5[%swap3A_66, %swap3A_67], %swap3A_70 {strides = array<i32>} : memref<128x128xf32, #tpu.memory_space<vmem>>, vector<1x16xf32>,
      %swap3A_71 = arith.index_cast %scan3A_46 : i32 to index
      %swap3A_72 = arith.constant 80 : index
      %swap3A_73 = tpu.vector_load %arg5[%swap3A_71, %swap3A_72] {strides = array<i32>} : memref<128x128xf32, #tpu.memory_space<vmem>>, vector<1x16xf32>,
      %swap3A_74 = vector.shape_cast %swap3A_73 : vector<1x16xf32> to vector<16xf32>
      %swap3A_75 = vector.shape_cast %broadcast_in_dim3A_1 : vector<16xf32> to vector<1x16xf32>
      tpu.vector_store %arg5[%swap3A_71, %swap3A_72], %swap3A_75 {strides = array<i32>} : memref<128x128xf32, #tpu.memory_space<vmem>>, vector<1x16xf32>,
      %swap3A_76 = arith.index_cast %scan3A_46 : i32 to index
      %swap3A_77 = arith.constant 96 : index
      %swap3A_78 = tpu.vector_load %arg5[%swap3A_76, %swap3A_77] {strides = array<i32>} : memref<128x128xf32, #tpu.memory_space<vmem>>, vector<1x16xf32>,
      %swap3A_79 = vector.shape_cast %swap3A_78 : vector<1x16xf32> to vector<16xf32>
      %swap3A_80 = vector.shape_cast %broadcast_in_dim3A_1 : vector<16xf32> to vector<1x16xf32>
      tpu.vector_store %arg5[%swap3A_76, %swap3A_77], %swap3A_80 {strides = array<i32>} : memref<128x128xf32, #tpu.memory_space<vmem>>, vector<1x16xf32>,
      %swap3A_81 = arith.index_cast %scan3A_46 : i32 to index
      %swap3A_82 = arith.constant 112 : index
      %swap3A_83 = tpu.vector_load %arg5[%swap3A_81, %swap3A_82] {strides = array<i32>} : memref<128x128xf32, #tpu.memory_space<vmem>>, vector<1x16xf32>,
      %swap3A_84 = vector.shape_cast %swap3A_83 : vector<1x16xf32> to vector<16xf32>
      %swap3A_85 = vector.shape_cast %broadcast_in_dim3A_1 : vector<16xf32> to vector<1x16xf32>
      tpu.vector_store %arg5[%swap3A_81, %swap3A_82], %swap3A_85 {strides = array<i32>} : memref<128x128xf32, #tpu.memory_space<vmem>>, vector<1x16xf32>,
    }
    %scan3A_6 = arith.constant 128 : i32
    %mul3A_7 = arith.constant 632 : i32
    %mul3A_8 = arith.muli %arg1, %mul3A_7 : i32
    %add3A_9 = arith.constant 0 : i32
    %add3A_10 = arith.addi %mul3A_8, %add3A_9 : i32
    "tpu.region"() ({
      %run_scoped3A = tpu.sem_alloc : memref<!tpu.dma_semaphore, #tpu.memory_space<semaphore_mem>>
      %dma_start3A_46 = arith.constant 0 : i32
      %dma_start3A_47 = arith.constant 0 : i32
      %dma_start3A_48 = tpu.memref_slice %arg5[%dma_start3A_46, %dma_start3A_47] : memref<128x128xf32, #tpu.memory_space<vmem>> -> memref<128x128xf32, #tpu.memory_space<vmem>>
      %dma_start3A_49 = arith.constant 0 : i32
      %dma_start3A_50 = tpu.memref_slice %arg7[%add3A_10, %dma_start3A_49] : memref<10112x128xf32, #tpu.memory_space<vmem_shared>> -> memref<128x128xf32, #tpu.memory_space<vmem_shared>>
      %dma_start3A_51 = arith.constant 0 : i32
      %dma_start3A_52 = tpu.memref_slice %arg7[%add3A_10, %dma_start3A_51] : memref<10112x128xf32, #tpu.memory_space<vmem_shared>> -> memref<128x128xf32, #tpu.memory_space<vmem_shared>>
      %dma_start3A_53 = arith.constant 0 : i32
      %dma_start3A_54 = arith.constant 0 : i32
      %dma_start3A_55 = tpu.memref_slice %arg5[%dma_start3A_53, %dma_start3A_54] : memref<128x128xf32, #tpu.memory_space<vmem>> -> memref<128x128xf32, #tpu.memory_space<vmem>>
      tpu.enqueue_dma source(%dma_start3A_55 : memref<128x128xf32, #tpu.memory_space<vmem>>) target(%dma_start3A_52 : memref<128x128xf32, #tpu.memory_space<vmem_shared>>) target_semaphore(%run_scoped3A : memref<!tpu.dma_semaphore, #tpu.memory_space<semaphore_mem>>)
      %dma_wait3A = arith.constant 0 : i32
      %dma_wait3A_56 = arith.constant 0 : i32
      %dma_wait3A_57 = tpu.memref_slice %arg5[%dma_wait3A, %dma_wait3A_56] : memref<128x128xf32, #tpu.memory_space<vmem>> -> memref<128x128xf32, #tpu.memory_space<vmem>>
      %dma_wait3A_58 = arith.constant 0 : i32
      %dma_wait3A_59 = tpu.memref_slice %arg7[%add3A_10, %dma_wait3A_58] : memref<10112x128xf32, #tpu.memory_space<vmem_shared>> -> memref<128x128xf32, #tpu.memory_space<vmem_shared>>
      %dma_wait3A_60 = arith.constant 0 : i32
      %dma_wait3A_61 = tpu.memref_slice %arg7[%add3A_10, %dma_wait3A_60] : memref<10112x128xf32, #tpu.memory_space<vmem_shared>> -> memref<128x128xf32, #tpu.memory_space<vmem_shared>>
      %dma_wait3A_62 = arith.constant 0 : i32
      %dma_wait3A_63 = arith.constant 0 : i32
      %dma_wait3A_64 = tpu.memref_slice %arg5[%dma_wait3A_62, %dma_wait3A_63] : memref<128x128xf32, #tpu.memory_space<vmem>> -> memref<128x128xf32, #tpu.memory_space<vmem>>
      tpu.wait_dma2 semaphore(%run_scoped3A : memref<!tpu.dma_semaphore, #tpu.memory_space<semaphore_mem>>) src(%dma_wait3A_64 : memref<128x128xf32, #tpu.memory_space<vmem>>) dst(%dma_wait3A_61 : memref<128x128xf32, #tpu.memory_space<vmem_shared>>)
      tpu.yield
    }) : () -> ()
    %add3A_11 = arith.constant 128 : i32
    %add3A_12 = arith.addi %mul3A_8, %add3A_11 : i32
    "tpu.region"() ({
      %run_scoped3A = tpu.sem_alloc : memref<!tpu.dma_semaphore, #tpu.memory_space<semaphore_mem>>
      %dma_start3A_46 = arith.constant 0 : i32
      %dma_start3A_47 = arith.constant 0 : i32
      %dma_start3A_48 = tpu.memref_slice %arg5[%dma_start3A_46, %dma_start3A_47] : memref<128x128xf32, #tpu.memory_space<vmem>> -> memref<128x128xf32, #tpu.memory_space<vmem>>
      %dma_start3A_49 = arith.constant 0 : i32
      %dma_start3A_50 = tpu.memref_slice %arg7[%add3A_12, %dma_start3A_49] : memref<10112x128xf32, #tpu.memory_space<vmem_shared>> -> memref<128x128xf32, #tpu.memory_space<vmem_shared>>
      %dma_start3A_51 = arith.constant 0 : i32
      %dma_start3A_52 = tpu.memref_slice %arg7[%add3A_12, %dma_start3A_51] : memref<10112x128xf32, #tpu.memory_space<vmem_shared>> -> memref<128x128xf32, #tpu.memory_space<vmem_shared>>
      %dma_start3A_53 = arith.constant 0 : i32
      %dma_start3A_54 = arith.constant 0 : i32
      %dma_start3A_55 = tpu.memref_slice %arg5[%dma_start3A_53, %dma_start3A_54] : memref<128x128xf32, #tpu.memory_space<vmem>> -> memref<128x128xf32, #tpu.memory_space<vmem>>
      tpu.enqueue_dma source(%dma_start3A_55 : memref<128x128xf32, #tpu.memory_space<vmem>>) target(%dma_start3A_52 : memref<128x128xf32, #tpu.memory_space<vmem_shared>>) target_semaphore(%run_scoped3A : memref<!tpu.dma_semaphore, #tpu.memory_space<semaphore_mem>>)
      %dma_wait3A = arith.constant 0 : i32
      %dma_wait3A_56 = arith.constant 0 : i32
      %dma_wait3A_57 = tpu.memref_slice %arg5[%dma_wait3A, %dma_wait3A_56] : memref<128x128xf32, #tpu.memory_space<vmem>> -> memref<128x128xf32, #tpu.memory_space<vmem>>
      %dma_wait3A_58 = arith.constant 0 : i32
      %dma_wait3A_59 = tpu.memref_slice %arg7[%add3A_12, %dma_wait3A_58] : memref<10112x128xf32, #tpu.memory_space<vmem_shared>> -> memref<128x128xf32, #tpu.memory_space<vmem_shared>>
      %dma_wait3A_60 = arith.constant 0 : i32
      %dma_wait3A_61 = tpu.memref_slice %arg7[%add3A_12, %dma_wait3A_60] : memref<10112x128xf32, #tpu.memory_space<vmem_shared>> -> memref<128x128xf32, #tpu.memory_space<vmem_shared>>
      %dma_wait3A_62 = arith.constant 0 : i32
      %dma_wait3A_63 = arith.constant 0 : i32
      %dma_wait3A_64 = tpu.memref_slice %arg5[%dma_wait3A_62, %dma_wait3A_63] : memref<128x128xf32, #tpu.memory_space<vmem>> -> memref<128x128xf32, #tpu.memory_space<vmem>>
      tpu.wait_dma2 semaphore(%run_scoped3A : memref<!tpu.dma_semaphore, #tpu.memory_space<semaphore_mem>>) src(%dma_wait3A_64 : memref<128x128xf32, #tpu.memory_space<vmem>>) dst(%dma_wait3A_61 : memref<128x128xf32, #tpu.memory_space<vmem_shared>>)
      tpu.yield
    }) : () -> ()
    %add3A_13 = arith.constant 256 : i32
    %add3A_14 = arith.addi %mul3A_8, %add3A_13 : i32
    "tpu.region"() ({
      %run_scoped3A = tpu.sem_alloc : memref<!tpu.dma_semaphore, #tpu.memory_space<semaphore_mem>>
      %dma_start3A_46 = arith.constant 0 : i32
      %dma_start3A_47 = arith.constant 0 : i32
      %dma_start3A_48 = tpu.memref_slice %arg5[%dma_start3A_46, %dma_start3A_47] : memref<128x128xf32, #tpu.memory_space<vmem>> -> memref<128x128xf32, #tpu.memory_space<vmem>>
      %dma_start3A_49 = arith.constant 0 : i32
      %dma_start3A_50 = tpu.memref_slice %arg7[%add3A_14, %dma_start3A_49] : memref<10112x128xf32, #tpu.memory_space<vmem_shared>> -> memref<128x128xf32, #tpu.memory_space<vmem_shared>>
      %dma_start3A_51 = arith.constant 0 : i32
      %dma_start3A_52 = tpu.memref_slice %arg7[%add3A_14, %dma_start3A_51] : memref<10112x128xf32, #tpu.memory_space<vmem_shared>> -> memref<128x128xf32, #tpu.memory_space<vmem_shared>>
      %dma_start3A_53 = arith.constant 0 : i32
      %dma_start3A_54 = arith.constant 0 : i32
      %dma_start3A_55 = tpu.memref_slice %arg5[%dma_start3A_53, %dma_start3A_54] : memref<128x128xf32, #tpu.memory_space<vmem>> -> memref<128x128xf32, #tpu.memory_space<vmem>>
      tpu.enqueue_dma source(%dma_start3A_55 : memref<128x128xf32, #tpu.memory_space<vmem>>) target(%dma_start3A_52 : memref<128x128xf32, #tpu.memory_space<vmem_shared>>) target_semaphore(%run_scoped3A : memref<!tpu.dma_semaphore, #tpu.memory_space<semaphore_mem>>)
      %dma_wait3A = arith.constant 0 : i32
      %dma_wait3A_56 = arith.constant 0 : i32
      %dma_wait3A_57 = tpu.memref_slice %arg5[%dma_wait3A, %dma_wait3A_56] : memref<128x128xf32, #tpu.memory_space<vmem>> -> memref<128x128xf32, #tpu.memory_space<vmem>>
      %dma_wait3A_58 = arith.constant 0 : i32
      %dma_wait3A_59 = tpu.memref_slice %arg7[%add3A_14, %dma_wait3A_58] : memref<10112x128xf32, #tpu.memory_space<vmem_shared>> -> memref<128x128xf32, #tpu.memory_space<vmem_shared>>
      %dma_wait3A_60 = arith.constant 0 : i32
      %dma_wait3A_61 = tpu.memref_slice %arg7[%add3A_14, %dma_wait3A_60] : memref<10112x128xf32, #tpu.memory_space<vmem_shared>> -> memref<128x128xf32, #tpu.memory_space<vmem_shared>>
      %dma_wait3A_62 = arith.constant 0 : i32
      %dma_wait3A_63 = arith.constant 0 : i32
      %dma_wait3A_64 = tpu.memref_slice %arg5[%dma_wait3A_62, %dma_wait3A_63] : memref<128x128xf32, #tpu.memory_space<vmem>> -> memref<128x128xf32, #tpu.memory_space<vmem>>
      tpu.wait_dma2 semaphore(%run_scoped3A : memref<!tpu.dma_semaphore, #tpu.memory_space<semaphore_mem>>) src(%dma_wait3A_64 : memref<128x128xf32, #tpu.memory_space<vmem>>) dst(%dma_wait3A_61 : memref<128x128xf32, #tpu.memory_space<vmem_shared>>)
      tpu.yield
    }) : () -> ()
    %add3A_15 = arith.constant 384 : i32
    %add3A_16 = arith.addi %mul3A_8, %add3A_15 : i32
    "tpu.region"() ({
      %run_scoped3A = tpu.sem_alloc : memref<!tpu.dma_semaphore, #tpu.memory_space<semaphore_mem>>
      %dma_start3A_46 = arith.constant 0 : i32
      %dma_start3A_47 = arith.constant 0 : i32
      %dma_start3A_48 = tpu.memref_slice %arg5[%dma_start3A_46, %dma_start3A_47] : memref<128x128xf32, #tpu.memory_space<vmem>> -> memref<128x128xf32, #tpu.memory_space<vmem>>
      %dma_start3A_49 = arith.constant 0 : i32
      %dma_start3A_50 = tpu.memref_slice %arg7[%add3A_16, %dma_start3A_49] : memref<10112x128xf32, #tpu.memory_space<vmem_shared>> -> memref<128x128xf32, #tpu.memory_space<vmem_shared>>
      %dma_start3A_51 = arith.constant 0 : i32
      %dma_start3A_52 = tpu.memref_slice %arg7[%add3A_16, %dma_start3A_51] : memref<10112x128xf32, #tpu.memory_space<vmem_shared>> -> memref<128x128xf32, #tpu.memory_space<vmem_shared>>
      %dma_start3A_53 = arith.constant 0 : i32
      %dma_start3A_54 = arith.constant 0 : i32
      %dma_start3A_55 = tpu.memref_slice %arg5[%dma_start3A_53, %dma_start3A_54] : memref<128x128xf32, #tpu.memory_space<vmem>> -> memref<128x128xf32, #tpu.memory_space<vmem>>
      tpu.enqueue_dma source(%dma_start3A_55 : memref<128x128xf32, #tpu.memory_space<vmem>>) target(%dma_start3A_52 : memref<128x128xf32, #tpu.memory_space<vmem_shared>>) target_semaphore(%run_scoped3A : memref<!tpu.dma_semaphore, #tpu.memory_space<semaphore_mem>>)
      %dma_wait3A = arith.constant 0 : i32
      %dma_wait3A_56 = arith.constant 0 : i32
      %dma_wait3A_57 = tpu.memref_slice %arg5[%dma_wait3A, %dma_wait3A_56] : memref<128x128xf32, #tpu.memory_space<vmem>> -> memref<128x128xf32, #tpu.memory_space<vmem>>
      %dma_wait3A_58 = arith.constant 0 : i32
      %dma_wait3A_59 = tpu.memref_slice %arg7[%add3A_16, %dma_wait3A_58] : memref<10112x128xf32, #tpu.memory_space<vmem_shared>> -> memref<128x128xf32, #tpu.memory_space<vmem_shared>>
      %dma_wait3A_60 = arith.constant 0 : i32
      %dma_wait3A_61 = tpu.memref_slice %arg7[%add3A_16, %dma_wait3A_60] : memref<10112x128xf32, #tpu.memory_space<vmem_shared>> -> memref<128x128xf32, #tpu.memory_space<vmem_shared>>
      %dma_wait3A_62 = arith.constant 0 : i32
      %dma_wait3A_63 = arith.constant 0 : i32
      %dma_wait3A_64 = tpu.memref_slice %arg5[%dma_wait3A_62, %dma_wait3A_63] : memref<128x128xf32, #tpu.memory_space<vmem>> -> memref<128x128xf32, #tpu.memory_space<vmem>>
      tpu.wait_dma2 semaphore(%run_scoped3A : memref<!tpu.dma_semaphore, #tpu.memory_space<semaphore_mem>>) src(%dma_wait3A_64 : memref<128x128xf32, #tpu.memory_space<vmem>>) dst(%dma_wait3A_61 : memref<128x128xf32, #tpu.memory_space<vmem_shared>>)
      tpu.yield
    }) : () -> ()
    %add3A_17 = arith.constant 512 : i32
    %add3A_18 = arith.addi %mul3A_8, %add3A_17 : i32
    "tpu.region"() ({
      %run_scoped3A = tpu.sem_alloc : memref<!tpu.dma_semaphore, #tpu.memory_space<semaphore_mem>>
      %dma_start3A_46 = arith.constant 0 : i32
      %dma_start3A_47 = arith.constant 0 : i32
      %dma_start3A_48 = tpu.memref_slice %arg5[%dma_start3A_46, %dma_start3A_47] : memref<128x128xf32, #tpu.memory_space<vmem>> -> memref<120x128xf32, #tpu.memory_space<vmem>>
      %dma_start3A_49 = arith.constant 0 : i32
      %dma_start3A_50 = tpu.memref_slice %arg7[%add3A_18, %dma_start3A_49] : memref<10112x128xf32, #tpu.memory_space<vmem_shared>> -> memref<120x128xf32, #tpu.memory_space<vmem_shared>>
      %dma_start3A_51 = arith.constant 0 : i32
      %dma_start3A_52 = tpu.memref_slice %arg7[%add3A_18, %dma_start3A_51] : memref<10112x128xf32, #tpu.memory_space<vmem_shared>> -> memref<120x128xf32, #tpu.memory_space<vmem_shared>>
      %dma_start3A_53 = arith.constant 0 : i32
      %dma_start3A_54 = arith.constant 0 : i32
      %dma_start3A_55 = tpu.memref_slice %arg5[%dma_start3A_53, %dma_start3A_54] : memref<128x128xf32, #tpu.memory_space<vmem>> -> memref<120x128xf32, #tpu.memory_space<vmem>>
      tpu.enqueue_dma source(%dma_start3A_55 : memref<120x128xf32, #tpu.memory_space<vmem>>) target(%dma_start3A_52 : memref<120x128xf32, #tpu.memory_space<vmem_shared>>) target_semaphore(%run_scoped3A : memref<!tpu.dma_semaphore, #tpu.memory_space<semaphore_mem>>)
      %dma_wait3A = arith.constant 0 : i32
      %dma_wait3A_56 = arith.constant 0 : i32
      %dma_wait3A_57 = tpu.memref_slice %arg5[%dma_wait3A, %dma_wait3A_56] : memref<128x128xf32, #tpu.memory_space<vmem>> -> memref<120x128xf32, #tpu.memory_space<vmem>>
      %dma_wait3A_58 = arith.constant 0 : i32
      %dma_wait3A_59 = tpu.memref_slice %arg7[%add3A_18, %dma_wait3A_58] : memref<10112x128xf32, #tpu.memory_space<vmem_shared>> -> memref<120x128xf32, #tpu.memory_space<vmem_shared>>
      %dma_wait3A_60 = arith.constant 0 : i32
      %dma_wait3A_61 = tpu.memref_slice %arg7[%add3A_18, %dma_wait3A_60] : memref<10112x128xf32, #tpu.memory_space<vmem_shared>> -> memref<120x128xf32, #tpu.memory_space<vmem_shared>>
      %dma_wait3A_62 = arith.constant 0 : i32
      %dma_wait3A_63 = arith.constant 0 : i32
      %dma_wait3A_64 = tpu.memref_slice %arg5[%dma_wait3A_62, %dma_wait3A_63] : memref<128x128xf32, #tpu.memory_space<vmem>> -> memref<120x128xf32, #tpu.memory_space<vmem>>
      tpu.wait_dma2 semaphore(%run_scoped3A : memref<!tpu.dma_semaphore, #tpu.memory_space<semaphore_mem>>) src(%dma_wait3A_64 : memref<120x128xf32, #tpu.memory_space<vmem>>) dst(%dma_wait3A_61 : memref<120x128xf32, #tpu.memory_space<vmem_shared>>)
      tpu.yield
    }) : () -> ()
    %broadcast_in_dim3A_19 = arith.constant 1.000000e+00 : f32
    %broadcast_in_dim3A_20 = vector.broadcast %broadcast_in_dim3A_19 : f32 to vector<16xf32>
    %scan3A_21 = arith.constant 0 : i32
    %scan3A_22 = arith.constant 0 : i32
    %scan3A_23 = arith.constant 128 : i32
    %scan3A_24 = arith.addi %scan3A_22, %scan3A_23 : i32
    %scan3A_25 = arith.constant 1 : i32
    scf.for %scan3A_46 = %scan3A_22 to %scan3A_24 step %scan3A_25  : i32 {
      %swap3A = arith.index_cast %scan3A_46 : i32 to index
      %swap3A_47 = arith.constant 0 : index
      %swap3A_48 = tpu.vector_load %arg5[%swap3A, %swap3A_47] {strides = array<i32>} : memref<128x128xf32, #tpu.memory_space<vmem>>, vector<1x16xf32>,
      %swap3A_49 = vector.shape_cast %swap3A_48 : vector<1x16xf32> to vector<16xf32>
      %swap3A_50 = vector.shape_cast %broadcast_in_dim3A_20 : vector<16xf32> to vector<1x16xf32>
      tpu.vector_store %arg5[%swap3A, %swap3A_47], %swap3A_50 {strides = array<i32>} : memref<128x128xf32, #tpu.memory_space<vmem>>, vector<1x16xf32>,
      %swap3A_51 = arith.index_cast %scan3A_46 : i32 to index
      %swap3A_52 = arith.constant 16 : index
      %swap3A_53 = tpu.vector_load %arg5[%swap3A_51, %swap3A_52] {strides = array<i32>} : memref<128x128xf32, #tpu.memory_space<vmem>>, vector<1x16xf32>,
      %swap3A_54 = vector.shape_cast %swap3A_53 : vector<1x16xf32> to vector<16xf32>
      %swap3A_55 = vector.shape_cast %broadcast_in_dim3A_20 : vector<16xf32> to vector<1x16xf32>
      tpu.vector_store %arg5[%swap3A_51, %swap3A_52], %swap3A_55 {strides = array<i32>} : memref<128x128xf32, #tpu.memory_space<vmem>>, vector<1x16xf32>,
      %swap3A_56 = arith.index_cast %scan3A_46 : i32 to index
      %swap3A_57 = arith.constant 32 : index
      %swap3A_58 = tpu.vector_load %arg5[%swap3A_56, %swap3A_57] {strides = array<i32>} : memref<128x128xf32, #tpu.memory_space<vmem>>, vector<1x16xf32>,
      %swap3A_59 = vector.shape_cast %swap3A_58 : vector<1x16xf32> to vector<16xf32>
      %swap3A_60 = vector.shape_cast %broadcast_in_dim3A_20 : vector<16xf32> to vector<1x16xf32>
      tpu.vector_store %arg5[%swap3A_56, %swap3A_57], %swap3A_60 {strides = array<i32>} : memref<128x128xf32, #tpu.memory_space<vmem>>, vector<1x16xf32>,
      %swap3A_61 = arith.index_cast %scan3A_46 : i32 to index
      %swap3A_62 = arith.constant 48 : index
      %swap3A_63 = tpu.vector_load %arg5[%swap3A_61, %swap3A_62] {strides = array<i32>} : memref<128x128xf32, #tpu.memory_space<vmem>>, vector<1x16xf32>,
      %swap3A_64 = vector.shape_cast %swap3A_63 : vector<1x16xf32> to vector<16xf32>
      %swap3A_65 = vector.shape_cast %broadcast_in_dim3A_20 : vector<16xf32> to vector<1x16xf32>
      tpu.vector_store %arg5[%swap3A_61, %swap3A_62], %swap3A_65 {strides = array<i32>} : memref<128x128xf32, #tpu.memory_space<vmem>>, vector<1x16xf32>,
      %swap3A_66 = arith.index_cast %scan3A_46 : i32 to index
      %swap3A_67 = arith.constant 64 : index
      %swap3A_68 = tpu.vector_load %arg5[%swap3A_66, %swap3A_67] {strides = array<i32>} : memref<128x128xf32, #tpu.memory_space<vmem>>, vector<1x16xf32>,
      %swap3A_69 = vector.shape_cast %swap3A_68 : vector<1x16xf32> to vector<16xf32>
      %swap3A_70 = vector.shape_cast %broadcast_in_dim3A_20 : vector<16xf32> to vector<1x16xf32>
      tpu.vector_store %arg5[%swap3A_66, %swap3A_67], %swap3A_70 {strides = array<i32>} : memref<128x128xf32, #tpu.memory_space<vmem>>, vector<1x16xf32>,
      %swap3A_71 = arith.index_cast %scan3A_46 : i32 to index
      %swap3A_72 = arith.constant 80 : index
      %swap3A_73 = tpu.vector_load %arg5[%swap3A_71, %swap3A_72] {strides = array<i32>} : memref<128x128xf32, #tpu.memory_space<vmem>>, vector<1x16xf32>,
      %swap3A_74 = vector.shape_cast %swap3A_73 : vector<1x16xf32> to vector<16xf32>
      %swap3A_75 = vector.shape_cast %broadcast_in_dim3A_20 : vector<16xf32> to vector<1x16xf32>
      tpu.vector_store %arg5[%swap3A_71, %swap3A_72], %swap3A_75 {strides = array<i32>} : memref<128x128xf32, #tpu.memory_space<vmem>>, vector<1x16xf32>,
      %swap3A_76 = arith.index_cast %scan3A_46 : i32 to index
      %swap3A_77 = arith.constant 96 : index
      %swap3A_78 = tpu.vector_load %arg5[%swap3A_76, %swap3A_77] {strides = array<i32>} : memref<128x128xf32, #tpu.memory_space<vmem>>, vector<1x16xf32>,
      %swap3A_79 = vector.shape_cast %swap3A_78 : vector<1x16xf32> to vector<16xf32>
      %swap3A_80 = vector.shape_cast %broadcast_in_dim3A_20 : vector<16xf32> to vector<1x16xf32>
      tpu.vector_store %arg5[%swap3A_76, %swap3A_77], %swap3A_80 {strides = array<i32>} : memref<128x128xf32, #tpu.memory_space<vmem>>, vector<1x16xf32>,
      %swap3A_81 = arith.index_cast %scan3A_46 : i32 to index
      %swap3A_82 = arith.constant 112 : index
      %swap3A_83 = tpu.vector_load %arg5[%swap3A_81, %swap3A_82] {strides = array<i32>} : memref<128x128xf32, #tpu.memory_space<vmem>>, vector<1x16xf32>,
      %swap3A_84 = vector.shape_cast %swap3A_83 : vector<1x16xf32> to vector<16xf32>
      %swap3A_85 = vector.shape_cast %broadcast_in_dim3A_20 : vector<16xf32> to vector<1x16xf32>
      tpu.vector_store %arg5[%swap3A_81, %swap3A_82], %swap3A_85 {strides = array<i32>} : memref<128x128xf32, #tpu.memory_space<vmem>>, vector<1x16xf32>,
    }
    %scan3A_26 = arith.constant 128 : i32
    %mul3A_27 = arith.constant 80 : i32
    %mul3A_28 = arith.muli %add3A, %mul3A_27 : i32
    "tpu.region"() ({
      %run_scoped3A = tpu.sem_alloc : memref<!tpu.dma_semaphore, #tpu.memory_space<semaphore_mem>>
      %dma_start3A_46 = arith.constant 0 : i32
      %dma_start3A_47 = tpu.memref_slice %arg2[%mul3A_28, %dma_start3A_46] : memref<2560x128xi32, #tpu.memory_space<hbm>> -> memref<80x128xi32, #tpu.memory_space<hbm>>
      %dma_start3A_48 = arith.constant 0 : i32
      %dma_start3A_49 = tpu.memref_slice %arg2[%mul3A_28, %dma_start3A_48] : memref<2560x128xi32, #tpu.memory_space<hbm>> -> memref<80x128xi32, #tpu.memory_space<hbm>>
      tpu.enqueue_dma source(%dma_start3A_49 : memref<80x128xi32, #tpu.memory_space<hbm>>) target(%arg4 : memref<80x128xi32, #tpu.memory_space<vmem>>) target_semaphore(%run_scoped3A : memref<!tpu.dma_semaphore, #tpu.memory_space<semaphore_mem>>)
      %dma_wait3A = arith.constant 0 : i32
      %dma_wait3A_50 = tpu.memref_slice %arg2[%mul3A_28, %dma_wait3A] : memref<2560x128xi32, #tpu.memory_space<hbm>> -> memref<80x128xi32, #tpu.memory_space<hbm>>
      %dma_wait3A_51 = arith.constant 0 : i32
      %dma_wait3A_52 = tpu.memref_slice %arg2[%mul3A_28, %dma_wait3A_51] : memref<2560x128xi32, #tpu.memory_space<hbm>> -> memref<80x128xi32, #tpu.memory_space<hbm>>
      tpu.wait_dma2 semaphore(%run_scoped3A : memref<!tpu.dma_semaphore, #tpu.memory_space<semaphore_mem>>) src(%dma_wait3A_52 : memref<80x128xi32, #tpu.memory_space<hbm>>) dst(%arg4 : memref<80x128xi32, #tpu.memory_space<vmem>>)
      tpu.yield
    }) : () -> ()
    %barrier3A = arith.constant 0 : index
    tpu.barrier barrier_id(%barrier3A)
    %dma_start3A = arith.constant 0 : i32
    %dma_start3A_29 = arith.constant 0 : i32
    %dma_start3A_30 = tpu.memref_slice %arg4[%dma_start3A, %dma_start3A_29] : memref<80x128xi32, #tpu.memory_space<vmem>> -> memref<1x128xi32, #tpu.memory_space<vmem>>
    %dma_start3A_31 = tpu.memref_squeeze %dma_start3A_30 : memref<1x128xi32, #tpu.memory_space<vmem>> -> memref<128xi32, #tpu.memory_space<vmem>>
    %dma_start3A_32 = arith.constant 0 : i32
    %dma_start3A_33 = arith.constant 0 : i32
    %dma_start3A_34 = tpu.memref_slice %arg7[%dma_start3A_32, %dma_start3A_33] : memref<10112x128xf32, #tpu.memory_space<vmem_shared>> -> memref<10112x128xf32, #tpu.memory_space<vmem_shared>>
    tpu.enqueue_indirect_dma source(%arg5 : memref<128x128xf32, #tpu.memory_space<vmem>>) target(%dma_start3A_34 : memref<10112x128xf32, #tpu.memory_space<vmem_shared>>) offsets(%dma_start3A_31 : memref<128xi32, #tpu.memory_space<vmem>>) semaphore(%arg6 : memref<!tpu.dma_semaphore, #tpu.memory_space<semaphore_mem>>) {add = true}
    %scan3A_35 = arith.constant 0 : i32
    %scan3A_36 = arith.constant 0 : i32
    %scan3A_37 = arith.constant 80 : i32
    %scan3A_38 = arith.addi %scan3A_36, %scan3A_37 : i32
    %scan3A_39 = arith.constant 1 : i32
    scf.for %scan3A_46 = %scan3A_36 to %scan3A_38 step %scan3A_39  : i32 {
      %add3A_47 = arith.constant 1 : i32
      %add3A_48 = arith.addi %scan3A_46, %add3A_47 : i32
      %lt3A = arith.constant 80 : i32
      %lt3A_49 = arith.cmpi slt, %add3A_48, %lt3A : i32
      %convert_element_type3A = arith.extui %lt3A_49 : i1 to i32
      %cond3A = arith.constant 0 : i32
      %cond3A_50 = arith.cmpi ne, %convert_element_type3A, %cond3A : i32
      scf.if %cond3A_50 {
        %add3A_57 = arith.constant 1 : i32
        %add3A_58 = arith.addi %scan3A_46, %add3A_57 : i32
        %dma_start3A_59 = arith.constant 0 : i32
        %dma_start3A_60 = tpu.memref_slice %arg4[%add3A_58, %dma_start3A_59] : memref<80x128xi32, #tpu.memory_space<vmem>> -> memref<1x128xi32, #tpu.memory_space<vmem>>
        %dma_start3A_61 = tpu.memref_squeeze %dma_start3A_60 : memref<1x128xi32, #tpu.memory_space<vmem>> -> memref<128xi32, #tpu.memory_space<vmem>>
        %dma_start3A_62 = arith.constant 0 : i32
        %dma_start3A_63 = arith.constant 0 : i32
        %dma_start3A_64 = tpu.memref_slice %arg7[%dma_start3A_62, %dma_start3A_63] : memref<10112x128xf32, #tpu.memory_space<vmem_shared>> -> memref<10112x128xf32, #tpu.memory_space<vmem_shared>>
        tpu.enqueue_indirect_dma source(%arg5 : memref<128x128xf32, #tpu.memory_space<vmem>>) target(%dma_start3A_64 : memref<10112x128xf32, #tpu.memory_space<vmem_shared>>) offsets(%dma_start3A_61 : memref<128xi32, #tpu.memory_space<vmem>>) semaphore(%arg6 : memref<!tpu.dma_semaphore, #tpu.memory_space<semaphore_mem>>) {add = true}
      } else {
      }
      %dma_wait3A = arith.constant 0 : i32
      %dma_wait3A_51 = arith.constant 0 : i32
      %dma_wait3A_52 = tpu.memref_slice %arg4[%dma_wait3A, %dma_wait3A_51] : memref<80x128xi32, #tpu.memory_space<vmem>> -> memref<1x128xi32, #tpu.memory_space<vmem>>
      %dma_wait3A_53 = tpu.memref_squeeze %dma_wait3A_52 : memref<1x128xi32, #tpu.memory_space<vmem>> -> memref<128xi32, #tpu.memory_space<vmem>>
      %dma_wait3A_54 = arith.constant 0 : i32
      %dma_wait3A_55 = arith.constant 0 : i32
      %dma_wait3A_56 = tpu.memref_slice %arg7[%dma_wait3A_54, %dma_wait3A_55] : memref<10112x128xf32, #tpu.memory_space<vmem_shared>> -> memref<10112x128xf32, #tpu.memory_space<vmem_shared>>
      tpu.wait_indirect_dma semaphore(%arg6 : memref<!tpu.dma_semaphore, #tpu.memory_space<semaphore_mem>>) src(%arg5 : memref<128x128xf32, #tpu.memory_space<vmem>>) dst(%dma_wait3A_56 : memref<10112x128xf32, #tpu.memory_space<vmem_shared>>)
    }
    %scan3A_40 = arith.constant 80 : i32
    %barrier3A_41 = arith.constant 0 : index
    tpu.barrier barrier_id(%barrier3A_41)
    %mul3A_42 = arith.constant 632 : i32
    %mul3A_43 = arith.muli %arg1, %mul3A_42 : i32
    %mul3A_44 = arith.constant 632 : i32
    %mul3A_45 = arith.muli %arg1, %mul3A_44 : i32
    "tpu.region"() ({
      %run_scoped3A = tpu.sem_alloc : memref<!tpu.dma_semaphore, #tpu.memory_space<semaphore_mem>>
      %dma_start3A_46 = arith.constant 0 : i32
      %dma_start3A_47 = tpu.memref_slice %arg3[%arg0, %mul3A_45, %dma_start3A_46] : memref<2x10112x128xf32, #tpu.memory_space<hbm>> -> memref<1x632x128xf32, #tpu.memory_space<hbm>>
      %dma_start3A_48 = tpu.memref_squeeze %dma_start3A_47 : memref<1x632x128xf32, #tpu.memory_space<hbm>> -> memref<632x128xf32, #tpu.memory_space<hbm>>
      %dma_start3A_49 = arith.constant 0 : i32
      %dma_start3A_50 = tpu.memref_slice %arg7[%mul3A_43, %dma_start3A_49] : memref<10112x128xf32, #tpu.memory_space<vmem_shared>> -> memref<632x128xf32, #tpu.memory_space<vmem_shared>>
      tpu.enqueue_dma source(%dma_start3A_50 : memref<632x128xf32, #tpu.memory_space<vmem_shared>>) target(%dma_start3A_48 : memref<632x128xf32, #tpu.memory_space<hbm>>) target_semaphore(%run_scoped3A : memref<!tpu.dma_semaphore, #tpu.memory_space<semaphore_mem>>)
      %dma_wait3A = arith.constant 0 : i32
      %dma_wait3A_51 = tpu.memref_slice %arg3[%arg0, %mul3A_45, %dma_wait3A] : memref<2x10112x128xf32, #tpu.memory_space<hbm>> -> memref<1x632x128xf32, #tpu.memory_space<hbm>>
      %dma_wait3A_52 = tpu.memref_squeeze %dma_wait3A_51 : memref<1x632x128xf32, #tpu.memory_space<hbm>> -> memref<632x128xf32, #tpu.memory_space<hbm>>
      %dma_wait3A_53 = arith.constant 0 : i32
      %dma_wait3A_54 = tpu.memref_slice %arg7[%mul3A_43, %dma_wait3A_53] : memref<10112x128xf32, #tpu.memory_space<vmem_shared>> -> memref<632x128xf32, #tpu.memory_space<vmem_shared>>
      tpu.wait_dma2 semaphore(%run_scoped3A : memref<!tpu.dma_semaphore, #tpu.memory_space<semaphore_mem>>) src(%dma_wait3A_54 : memref<632x128xf32, #tpu.memory_space<vmem_shared>>) dst(%dma_wait3A_52 : memref<632x128xf32, #tpu.memory_space<hbm>>)
      tpu.yield
    }) : () -> ()
    return
  }
}

#map = affine_map<(d0, d1) -> (0, 0)>
#map1 = affine_map<(d0, d1) -> (0, 0, 0)>
module attributes {stable_mosaic.version = 14 : i64} {
  func.func @_count(%arg0: i32, %arg1: i32, %arg2: memref<2560x128xi32, #tpu.memory_space<hbm>>, %arg3: memref<2x5120x128xf32, #tpu.memory_space<hbm>>, %arg4: memref<80x128xi32, #tpu.memory_space<vmem>>, %arg5: memref<128x128xf32, #tpu.memory_space<vmem>>, %arg6: memref<!tpu.dma_semaphore, #tpu.memory_space<semaphore_mem>>, %arg7: memref<5120x128xf32, #tpu.memory_space<vmem_shared>>) attributes {dimension_semantics = [#tpu.dimension_semantics<core_parallel>, #tpu.dimension_semantics<subcore_parallel>], iteration_bounds = array<i64: 2, 16>, scalar_prefetch = 0 : i64, scratch_operands = 4 : i64, tpu.core_type = #tpu.core_type<sc_vector_subcore>, window_params = [{transform_indices = #map}, {transform_indices = #map1}]} {
    %mul3A = arith.constant 16 : i32
    %mul3A_0 = arith.muli %arg0, %mul3A : i32
    %add3A = arith.addi %mul3A_0, %arg1 : i32
    %broadcast_in_dim3A = arith.constant 0.000000e+00 : f32
    %broadcast_in_dim3A_1 = vector.broadcast %broadcast_in_dim3A : f32 to vector<16xf32>
    %scan3A = arith.constant 0 : i32
    %scan3A_2 = arith.constant 0 : i32
    %scan3A_3 = arith.constant 128 : i32
    %scan3A_4 = arith.addi %scan3A_2, %scan3A_3 : i32
    %scan3A_5 = arith.constant 1 : i32
    scf.for %scan3A_42 = %scan3A_2 to %scan3A_4 step %scan3A_5  : i32 {
      %swap3A = arith.index_cast %scan3A_42 : i32 to index
      %swap3A_43 = arith.constant 0 : index
      %swap3A_44 = tpu.vector_load %arg5[%swap3A, %swap3A_43] {strides = array<i32>} : memref<128x128xf32, #tpu.memory_space<vmem>>, vector<1x16xf32>,
      %swap3A_45 = vector.shape_cast %swap3A_44 : vector<1x16xf32> to vector<16xf32>
      %swap3A_46 = vector.shape_cast %broadcast_in_dim3A_1 : vector<16xf32> to vector<1x16xf32>
      tpu.vector_store %arg5[%swap3A, %swap3A_43], %swap3A_46 {strides = array<i32>} : memref<128x128xf32, #tpu.memory_space<vmem>>, vector<1x16xf32>,
      %swap3A_47 = arith.index_cast %scan3A_42 : i32 to index
      %swap3A_48 = arith.constant 16 : index
      %swap3A_49 = tpu.vector_load %arg5[%swap3A_47, %swap3A_48] {strides = array<i32>} : memref<128x128xf32, #tpu.memory_space<vmem>>, vector<1x16xf32>,
      %swap3A_50 = vector.shape_cast %swap3A_49 : vector<1x16xf32> to vector<16xf32>
      %swap3A_51 = vector.shape_cast %broadcast_in_dim3A_1 : vector<16xf32> to vector<1x16xf32>
      tpu.vector_store %arg5[%swap3A_47, %swap3A_48], %swap3A_51 {strides = array<i32>} : memref<128x128xf32, #tpu.memory_space<vmem>>, vector<1x16xf32>,
      %swap3A_52 = arith.index_cast %scan3A_42 : i32 to index
      %swap3A_53 = arith.constant 32 : index
      %swap3A_54 = tpu.vector_load %arg5[%swap3A_52, %swap3A_53] {strides = array<i32>} : memref<128x128xf32, #tpu.memory_space<vmem>>, vector<1x16xf32>,
      %swap3A_55 = vector.shape_cast %swap3A_54 : vector<1x16xf32> to vector<16xf32>
      %swap3A_56 = vector.shape_cast %broadcast_in_dim3A_1 : vector<16xf32> to vector<1x16xf32>
      tpu.vector_store %arg5[%swap3A_52, %swap3A_53], %swap3A_56 {strides = array<i32>} : memref<128x128xf32, #tpu.memory_space<vmem>>, vector<1x16xf32>,
      %swap3A_57 = arith.index_cast %scan3A_42 : i32 to index
      %swap3A_58 = arith.constant 48 : index
      %swap3A_59 = tpu.vector_load %arg5[%swap3A_57, %swap3A_58] {strides = array<i32>} : memref<128x128xf32, #tpu.memory_space<vmem>>, vector<1x16xf32>,
      %swap3A_60 = vector.shape_cast %swap3A_59 : vector<1x16xf32> to vector<16xf32>
      %swap3A_61 = vector.shape_cast %broadcast_in_dim3A_1 : vector<16xf32> to vector<1x16xf32>
      tpu.vector_store %arg5[%swap3A_57, %swap3A_58], %swap3A_61 {strides = array<i32>} : memref<128x128xf32, #tpu.memory_space<vmem>>, vector<1x16xf32>,
      %swap3A_62 = arith.index_cast %scan3A_42 : i32 to index
      %swap3A_63 = arith.constant 64 : index
      %swap3A_64 = tpu.vector_load %arg5[%swap3A_62, %swap3A_63] {strides = array<i32>} : memref<128x128xf32, #tpu.memory_space<vmem>>, vector<1x16xf32>,
      %swap3A_65 = vector.shape_cast %swap3A_64 : vector<1x16xf32> to vector<16xf32>
      %swap3A_66 = vector.shape_cast %broadcast_in_dim3A_1 : vector<16xf32> to vector<1x16xf32>
      tpu.vector_store %arg5[%swap3A_62, %swap3A_63], %swap3A_66 {strides = array<i32>} : memref<128x128xf32, #tpu.memory_space<vmem>>, vector<1x16xf32>,
      %swap3A_67 = arith.index_cast %scan3A_42 : i32 to index
      %swap3A_68 = arith.constant 80 : index
      %swap3A_69 = tpu.vector_load %arg5[%swap3A_67, %swap3A_68] {strides = array<i32>} : memref<128x128xf32, #tpu.memory_space<vmem>>, vector<1x16xf32>,
      %swap3A_70 = vector.shape_cast %swap3A_69 : vector<1x16xf32> to vector<16xf32>
      %swap3A_71 = vector.shape_cast %broadcast_in_dim3A_1 : vector<16xf32> to vector<1x16xf32>
      tpu.vector_store %arg5[%swap3A_67, %swap3A_68], %swap3A_71 {strides = array<i32>} : memref<128x128xf32, #tpu.memory_space<vmem>>, vector<1x16xf32>,
      %swap3A_72 = arith.index_cast %scan3A_42 : i32 to index
      %swap3A_73 = arith.constant 96 : index
      %swap3A_74 = tpu.vector_load %arg5[%swap3A_72, %swap3A_73] {strides = array<i32>} : memref<128x128xf32, #tpu.memory_space<vmem>>, vector<1x16xf32>,
      %swap3A_75 = vector.shape_cast %swap3A_74 : vector<1x16xf32> to vector<16xf32>
      %swap3A_76 = vector.shape_cast %broadcast_in_dim3A_1 : vector<16xf32> to vector<1x16xf32>
      tpu.vector_store %arg5[%swap3A_72, %swap3A_73], %swap3A_76 {strides = array<i32>} : memref<128x128xf32, #tpu.memory_space<vmem>>, vector<1x16xf32>,
      %swap3A_77 = arith.index_cast %scan3A_42 : i32 to index
      %swap3A_78 = arith.constant 112 : index
      %swap3A_79 = tpu.vector_load %arg5[%swap3A_77, %swap3A_78] {strides = array<i32>} : memref<128x128xf32, #tpu.memory_space<vmem>>, vector<1x16xf32>,
      %swap3A_80 = vector.shape_cast %swap3A_79 : vector<1x16xf32> to vector<16xf32>
      %swap3A_81 = vector.shape_cast %broadcast_in_dim3A_1 : vector<16xf32> to vector<1x16xf32>
      tpu.vector_store %arg5[%swap3A_77, %swap3A_78], %swap3A_81 {strides = array<i32>} : memref<128x128xf32, #tpu.memory_space<vmem>>, vector<1x16xf32>,
    }
    %scan3A_6 = arith.constant 128 : i32
    %mul3A_7 = arith.constant 320 : i32
    %mul3A_8 = arith.muli %arg1, %mul3A_7 : i32
    %add3A_9 = arith.constant 0 : i32
    %add3A_10 = arith.addi %mul3A_8, %add3A_9 : i32
    "tpu.region"() ({
      %run_scoped3A = tpu.sem_alloc : memref<!tpu.dma_semaphore, #tpu.memory_space<semaphore_mem>>
      %dma_start3A_42 = arith.constant 0 : i32
      %dma_start3A_43 = arith.constant 0 : i32
      %dma_start3A_44 = tpu.memref_slice %arg5[%dma_start3A_42, %dma_start3A_43] : memref<128x128xf32, #tpu.memory_space<vmem>> -> memref<128x128xf32, #tpu.memory_space<vmem>>
      %dma_start3A_45 = arith.constant 0 : i32
      %dma_start3A_46 = tpu.memref_slice %arg7[%add3A_10, %dma_start3A_45] : memref<5120x128xf32, #tpu.memory_space<vmem_shared>> -> memref<128x128xf32, #tpu.memory_space<vmem_shared>>
      %dma_start3A_47 = arith.constant 0 : i32
      %dma_start3A_48 = tpu.memref_slice %arg7[%add3A_10, %dma_start3A_47] : memref<5120x128xf32, #tpu.memory_space<vmem_shared>> -> memref<128x128xf32, #tpu.memory_space<vmem_shared>>
      %dma_start3A_49 = arith.constant 0 : i32
      %dma_start3A_50 = arith.constant 0 : i32
      %dma_start3A_51 = tpu.memref_slice %arg5[%dma_start3A_49, %dma_start3A_50] : memref<128x128xf32, #tpu.memory_space<vmem>> -> memref<128x128xf32, #tpu.memory_space<vmem>>
      tpu.enqueue_dma source(%dma_start3A_51 : memref<128x128xf32, #tpu.memory_space<vmem>>) target(%dma_start3A_48 : memref<128x128xf32, #tpu.memory_space<vmem_shared>>) target_semaphore(%run_scoped3A : memref<!tpu.dma_semaphore, #tpu.memory_space<semaphore_mem>>)
      %dma_wait3A = arith.constant 0 : i32
      %dma_wait3A_52 = arith.constant 0 : i32
      %dma_wait3A_53 = tpu.memref_slice %arg5[%dma_wait3A, %dma_wait3A_52] : memref<128x128xf32, #tpu.memory_space<vmem>> -> memref<128x128xf32, #tpu.memory_space<vmem>>
      %dma_wait3A_54 = arith.constant 0 : i32
      %dma_wait3A_55 = tpu.memref_slice %arg7[%add3A_10, %dma_wait3A_54] : memref<5120x128xf32, #tpu.memory_space<vmem_shared>> -> memref<128x128xf32, #tpu.memory_space<vmem_shared>>
      %dma_wait3A_56 = arith.constant 0 : i32
      %dma_wait3A_57 = tpu.memref_slice %arg7[%add3A_10, %dma_wait3A_56] : memref<5120x128xf32, #tpu.memory_space<vmem_shared>> -> memref<128x128xf32, #tpu.memory_space<vmem_shared>>
      %dma_wait3A_58 = arith.constant 0 : i32
      %dma_wait3A_59 = arith.constant 0 : i32
      %dma_wait3A_60 = tpu.memref_slice %arg5[%dma_wait3A_58, %dma_wait3A_59] : memref<128x128xf32, #tpu.memory_space<vmem>> -> memref<128x128xf32, #tpu.memory_space<vmem>>
      tpu.wait_dma2 semaphore(%run_scoped3A : memref<!tpu.dma_semaphore, #tpu.memory_space<semaphore_mem>>) src(%dma_wait3A_60 : memref<128x128xf32, #tpu.memory_space<vmem>>) dst(%dma_wait3A_57 : memref<128x128xf32, #tpu.memory_space<vmem_shared>>)
      tpu.yield
    }) : () -> ()
    %add3A_11 = arith.constant 128 : i32
    %add3A_12 = arith.addi %mul3A_8, %add3A_11 : i32
    "tpu.region"() ({
      %run_scoped3A = tpu.sem_alloc : memref<!tpu.dma_semaphore, #tpu.memory_space<semaphore_mem>>
      %dma_start3A_42 = arith.constant 0 : i32
      %dma_start3A_43 = arith.constant 0 : i32
      %dma_start3A_44 = tpu.memref_slice %arg5[%dma_start3A_42, %dma_start3A_43] : memref<128x128xf32, #tpu.memory_space<vmem>> -> memref<128x128xf32, #tpu.memory_space<vmem>>
      %dma_start3A_45 = arith.constant 0 : i32
      %dma_start3A_46 = tpu.memref_slice %arg7[%add3A_12, %dma_start3A_45] : memref<5120x128xf32, #tpu.memory_space<vmem_shared>> -> memref<128x128xf32, #tpu.memory_space<vmem_shared>>
      %dma_start3A_47 = arith.constant 0 : i32
      %dma_start3A_48 = tpu.memref_slice %arg7[%add3A_12, %dma_start3A_47] : memref<5120x128xf32, #tpu.memory_space<vmem_shared>> -> memref<128x128xf32, #tpu.memory_space<vmem_shared>>
      %dma_start3A_49 = arith.constant 0 : i32
      %dma_start3A_50 = arith.constant 0 : i32
      %dma_start3A_51 = tpu.memref_slice %arg5[%dma_start3A_49, %dma_start3A_50] : memref<128x128xf32, #tpu.memory_space<vmem>> -> memref<128x128xf32, #tpu.memory_space<vmem>>
      tpu.enqueue_dma source(%dma_start3A_51 : memref<128x128xf32, #tpu.memory_space<vmem>>) target(%dma_start3A_48 : memref<128x128xf32, #tpu.memory_space<vmem_shared>>) target_semaphore(%run_scoped3A : memref<!tpu.dma_semaphore, #tpu.memory_space<semaphore_mem>>)
      %dma_wait3A = arith.constant 0 : i32
      %dma_wait3A_52 = arith.constant 0 : i32
      %dma_wait3A_53 = tpu.memref_slice %arg5[%dma_wait3A, %dma_wait3A_52] : memref<128x128xf32, #tpu.memory_space<vmem>> -> memref<128x128xf32, #tpu.memory_space<vmem>>
      %dma_wait3A_54 = arith.constant 0 : i32
      %dma_wait3A_55 = tpu.memref_slice %arg7[%add3A_12, %dma_wait3A_54] : memref<5120x128xf32, #tpu.memory_space<vmem_shared>> -> memref<128x128xf32, #tpu.memory_space<vmem_shared>>
      %dma_wait3A_56 = arith.constant 0 : i32
      %dma_wait3A_57 = tpu.memref_slice %arg7[%add3A_12, %dma_wait3A_56] : memref<5120x128xf32, #tpu.memory_space<vmem_shared>> -> memref<128x128xf32, #tpu.memory_space<vmem_shared>>
      %dma_wait3A_58 = arith.constant 0 : i32
      %dma_wait3A_59 = arith.constant 0 : i32
      %dma_wait3A_60 = tpu.memref_slice %arg5[%dma_wait3A_58, %dma_wait3A_59] : memref<128x128xf32, #tpu.memory_space<vmem>> -> memref<128x128xf32, #tpu.memory_space<vmem>>
      tpu.wait_dma2 semaphore(%run_scoped3A : memref<!tpu.dma_semaphore, #tpu.memory_space<semaphore_mem>>) src(%dma_wait3A_60 : memref<128x128xf32, #tpu.memory_space<vmem>>) dst(%dma_wait3A_57 : memref<128x128xf32, #tpu.memory_space<vmem_shared>>)
      tpu.yield
    }) : () -> ()
    %add3A_13 = arith.constant 256 : i32
    %add3A_14 = arith.addi %mul3A_8, %add3A_13 : i32
    "tpu.region"() ({
      %run_scoped3A = tpu.sem_alloc : memref<!tpu.dma_semaphore, #tpu.memory_space<semaphore_mem>>
      %dma_start3A_42 = arith.constant 0 : i32
      %dma_start3A_43 = arith.constant 0 : i32
      %dma_start3A_44 = tpu.memref_slice %arg5[%dma_start3A_42, %dma_start3A_43] : memref<128x128xf32, #tpu.memory_space<vmem>> -> memref<64x128xf32, #tpu.memory_space<vmem>>
      %dma_start3A_45 = arith.constant 0 : i32
      %dma_start3A_46 = tpu.memref_slice %arg7[%add3A_14, %dma_start3A_45] : memref<5120x128xf32, #tpu.memory_space<vmem_shared>> -> memref<64x128xf32, #tpu.memory_space<vmem_shared>>
      %dma_start3A_47 = arith.constant 0 : i32
      %dma_start3A_48 = tpu.memref_slice %arg7[%add3A_14, %dma_start3A_47] : memref<5120x128xf32, #tpu.memory_space<vmem_shared>> -> memref<64x128xf32, #tpu.memory_space<vmem_shared>>
      %dma_start3A_49 = arith.constant 0 : i32
      %dma_start3A_50 = arith.constant 0 : i32
      %dma_start3A_51 = tpu.memref_slice %arg5[%dma_start3A_49, %dma_start3A_50] : memref<128x128xf32, #tpu.memory_space<vmem>> -> memref<64x128xf32, #tpu.memory_space<vmem>>
      tpu.enqueue_dma source(%dma_start3A_51 : memref<64x128xf32, #tpu.memory_space<vmem>>) target(%dma_start3A_48 : memref<64x128xf32, #tpu.memory_space<vmem_shared>>) target_semaphore(%run_scoped3A : memref<!tpu.dma_semaphore, #tpu.memory_space<semaphore_mem>>)
      %dma_wait3A = arith.constant 0 : i32
      %dma_wait3A_52 = arith.constant 0 : i32
      %dma_wait3A_53 = tpu.memref_slice %arg5[%dma_wait3A, %dma_wait3A_52] : memref<128x128xf32, #tpu.memory_space<vmem>> -> memref<64x128xf32, #tpu.memory_space<vmem>>
      %dma_wait3A_54 = arith.constant 0 : i32
      %dma_wait3A_55 = tpu.memref_slice %arg7[%add3A_14, %dma_wait3A_54] : memref<5120x128xf32, #tpu.memory_space<vmem_shared>> -> memref<64x128xf32, #tpu.memory_space<vmem_shared>>
      %dma_wait3A_56 = arith.constant 0 : i32
      %dma_wait3A_57 = tpu.memref_slice %arg7[%add3A_14, %dma_wait3A_56] : memref<5120x128xf32, #tpu.memory_space<vmem_shared>> -> memref<64x128xf32, #tpu.memory_space<vmem_shared>>
      %dma_wait3A_58 = arith.constant 0 : i32
      %dma_wait3A_59 = arith.constant 0 : i32
      %dma_wait3A_60 = tpu.memref_slice %arg5[%dma_wait3A_58, %dma_wait3A_59] : memref<128x128xf32, #tpu.memory_space<vmem>> -> memref<64x128xf32, #tpu.memory_space<vmem>>
      tpu.wait_dma2 semaphore(%run_scoped3A : memref<!tpu.dma_semaphore, #tpu.memory_space<semaphore_mem>>) src(%dma_wait3A_60 : memref<64x128xf32, #tpu.memory_space<vmem>>) dst(%dma_wait3A_57 : memref<64x128xf32, #tpu.memory_space<vmem_shared>>)
      tpu.yield
    }) : () -> ()
    %broadcast_in_dim3A_15 = arith.constant 1.000000e+00 : f32
    %broadcast_in_dim3A_16 = vector.broadcast %broadcast_in_dim3A_15 : f32 to vector<16xf32>
    %scan3A_17 = arith.constant 0 : i32
    %scan3A_18 = arith.constant 0 : i32
    %scan3A_19 = arith.constant 128 : i32
    %scan3A_20 = arith.addi %scan3A_18, %scan3A_19 : i32
    %scan3A_21 = arith.constant 1 : i32
    scf.for %scan3A_42 = %scan3A_18 to %scan3A_20 step %scan3A_21  : i32 {
      %swap3A = arith.index_cast %scan3A_42 : i32 to index
      %swap3A_43 = arith.constant 0 : index
      %swap3A_44 = tpu.vector_load %arg5[%swap3A, %swap3A_43] {strides = array<i32>} : memref<128x128xf32, #tpu.memory_space<vmem>>, vector<1x16xf32>,
      %swap3A_45 = vector.shape_cast %swap3A_44 : vector<1x16xf32> to vector<16xf32>
      %swap3A_46 = vector.shape_cast %broadcast_in_dim3A_16 : vector<16xf32> to vector<1x16xf32>
      tpu.vector_store %arg5[%swap3A, %swap3A_43], %swap3A_46 {strides = array<i32>} : memref<128x128xf32, #tpu.memory_space<vmem>>, vector<1x16xf32>,
      %swap3A_47 = arith.index_cast %scan3A_42 : i32 to index
      %swap3A_48 = arith.constant 16 : index
      %swap3A_49 = tpu.vector_load %arg5[%swap3A_47, %swap3A_48] {strides = array<i32>} : memref<128x128xf32, #tpu.memory_space<vmem>>, vector<1x16xf32>,
      %swap3A_50 = vector.shape_cast %swap3A_49 : vector<1x16xf32> to vector<16xf32>
      %swap3A_51 = vector.shape_cast %broadcast_in_dim3A_16 : vector<16xf32> to vector<1x16xf32>
      tpu.vector_store %arg5[%swap3A_47, %swap3A_48], %swap3A_51 {strides = array<i32>} : memref<128x128xf32, #tpu.memory_space<vmem>>, vector<1x16xf32>,
      %swap3A_52 = arith.index_cast %scan3A_42 : i32 to index
      %swap3A_53 = arith.constant 32 : index
      %swap3A_54 = tpu.vector_load %arg5[%swap3A_52, %swap3A_53] {strides = array<i32>} : memref<128x128xf32, #tpu.memory_space<vmem>>, vector<1x16xf32>,
      %swap3A_55 = vector.shape_cast %swap3A_54 : vector<1x16xf32> to vector<16xf32>
      %swap3A_56 = vector.shape_cast %broadcast_in_dim3A_16 : vector<16xf32> to vector<1x16xf32>
      tpu.vector_store %arg5[%swap3A_52, %swap3A_53], %swap3A_56 {strides = array<i32>} : memref<128x128xf32, #tpu.memory_space<vmem>>, vector<1x16xf32>,
      %swap3A_57 = arith.index_cast %scan3A_42 : i32 to index
      %swap3A_58 = arith.constant 48 : index
      %swap3A_59 = tpu.vector_load %arg5[%swap3A_57, %swap3A_58] {strides = array<i32>} : memref<128x128xf32, #tpu.memory_space<vmem>>, vector<1x16xf32>,
      %swap3A_60 = vector.shape_cast %swap3A_59 : vector<1x16xf32> to vector<16xf32>
      %swap3A_61 = vector.shape_cast %broadcast_in_dim3A_16 : vector<16xf32> to vector<1x16xf32>
      tpu.vector_store %arg5[%swap3A_57, %swap3A_58], %swap3A_61 {strides = array<i32>} : memref<128x128xf32, #tpu.memory_space<vmem>>, vector<1x16xf32>,
      %swap3A_62 = arith.index_cast %scan3A_42 : i32 to index
      %swap3A_63 = arith.constant 64 : index
      %swap3A_64 = tpu.vector_load %arg5[%swap3A_62, %swap3A_63] {strides = array<i32>} : memref<128x128xf32, #tpu.memory_space<vmem>>, vector<1x16xf32>,
      %swap3A_65 = vector.shape_cast %swap3A_64 : vector<1x16xf32> to vector<16xf32>
      %swap3A_66 = vector.shape_cast %broadcast_in_dim3A_16 : vector<16xf32> to vector<1x16xf32>
      tpu.vector_store %arg5[%swap3A_62, %swap3A_63], %swap3A_66 {strides = array<i32>} : memref<128x128xf32, #tpu.memory_space<vmem>>, vector<1x16xf32>,
      %swap3A_67 = arith.index_cast %scan3A_42 : i32 to index
      %swap3A_68 = arith.constant 80 : index
      %swap3A_69 = tpu.vector_load %arg5[%swap3A_67, %swap3A_68] {strides = array<i32>} : memref<128x128xf32, #tpu.memory_space<vmem>>, vector<1x16xf32>,
      %swap3A_70 = vector.shape_cast %swap3A_69 : vector<1x16xf32> to vector<16xf32>
      %swap3A_71 = vector.shape_cast %broadcast_in_dim3A_16 : vector<16xf32> to vector<1x16xf32>
      tpu.vector_store %arg5[%swap3A_67, %swap3A_68], %swap3A_71 {strides = array<i32>} : memref<128x128xf32, #tpu.memory_space<vmem>>, vector<1x16xf32>,
      %swap3A_72 = arith.index_cast %scan3A_42 : i32 to index
      %swap3A_73 = arith.constant 96 : index
      %swap3A_74 = tpu.vector_load %arg5[%swap3A_72, %swap3A_73] {strides = array<i32>} : memref<128x128xf32, #tpu.memory_space<vmem>>, vector<1x16xf32>,
      %swap3A_75 = vector.shape_cast %swap3A_74 : vector<1x16xf32> to vector<16xf32>
      %swap3A_76 = vector.shape_cast %broadcast_in_dim3A_16 : vector<16xf32> to vector<1x16xf32>
      tpu.vector_store %arg5[%swap3A_72, %swap3A_73], %swap3A_76 {strides = array<i32>} : memref<128x128xf32, #tpu.memory_space<vmem>>, vector<1x16xf32>,
      %swap3A_77 = arith.index_cast %scan3A_42 : i32 to index
      %swap3A_78 = arith.constant 112 : index
      %swap3A_79 = tpu.vector_load %arg5[%swap3A_77, %swap3A_78] {strides = array<i32>} : memref<128x128xf32, #tpu.memory_space<vmem>>, vector<1x16xf32>,
      %swap3A_80 = vector.shape_cast %swap3A_79 : vector<1x16xf32> to vector<16xf32>
      %swap3A_81 = vector.shape_cast %broadcast_in_dim3A_16 : vector<16xf32> to vector<1x16xf32>
      tpu.vector_store %arg5[%swap3A_77, %swap3A_78], %swap3A_81 {strides = array<i32>} : memref<128x128xf32, #tpu.memory_space<vmem>>, vector<1x16xf32>,
    }
    %scan3A_22 = arith.constant 128 : i32
    %mul3A_23 = arith.constant 80 : i32
    %mul3A_24 = arith.muli %add3A, %mul3A_23 : i32
    "tpu.region"() ({
      %run_scoped3A = tpu.sem_alloc : memref<!tpu.dma_semaphore, #tpu.memory_space<semaphore_mem>>
      %dma_start3A_42 = arith.constant 0 : i32
      %dma_start3A_43 = tpu.memref_slice %arg2[%mul3A_24, %dma_start3A_42] : memref<2560x128xi32, #tpu.memory_space<hbm>> -> memref<80x128xi32, #tpu.memory_space<hbm>>
      %dma_start3A_44 = arith.constant 0 : i32
      %dma_start3A_45 = tpu.memref_slice %arg2[%mul3A_24, %dma_start3A_44] : memref<2560x128xi32, #tpu.memory_space<hbm>> -> memref<80x128xi32, #tpu.memory_space<hbm>>
      tpu.enqueue_dma source(%dma_start3A_45 : memref<80x128xi32, #tpu.memory_space<hbm>>) target(%arg4 : memref<80x128xi32, #tpu.memory_space<vmem>>) target_semaphore(%run_scoped3A : memref<!tpu.dma_semaphore, #tpu.memory_space<semaphore_mem>>)
      %dma_wait3A = arith.constant 0 : i32
      %dma_wait3A_46 = tpu.memref_slice %arg2[%mul3A_24, %dma_wait3A] : memref<2560x128xi32, #tpu.memory_space<hbm>> -> memref<80x128xi32, #tpu.memory_space<hbm>>
      %dma_wait3A_47 = arith.constant 0 : i32
      %dma_wait3A_48 = tpu.memref_slice %arg2[%mul3A_24, %dma_wait3A_47] : memref<2560x128xi32, #tpu.memory_space<hbm>> -> memref<80x128xi32, #tpu.memory_space<hbm>>
      tpu.wait_dma2 semaphore(%run_scoped3A : memref<!tpu.dma_semaphore, #tpu.memory_space<semaphore_mem>>) src(%dma_wait3A_48 : memref<80x128xi32, #tpu.memory_space<hbm>>) dst(%arg4 : memref<80x128xi32, #tpu.memory_space<vmem>>)
      tpu.yield
    }) : () -> ()
    %barrier3A = arith.constant 0 : index
    tpu.barrier barrier_id(%barrier3A)
    %dma_start3A = arith.constant 0 : i32
    %dma_start3A_25 = arith.constant 0 : i32
    %dma_start3A_26 = tpu.memref_slice %arg4[%dma_start3A, %dma_start3A_25] : memref<80x128xi32, #tpu.memory_space<vmem>> -> memref<1x128xi32, #tpu.memory_space<vmem>>
    %dma_start3A_27 = tpu.memref_squeeze %dma_start3A_26 : memref<1x128xi32, #tpu.memory_space<vmem>> -> memref<128xi32, #tpu.memory_space<vmem>>
    %dma_start3A_28 = arith.constant 0 : i32
    %dma_start3A_29 = arith.constant 0 : i32
    %dma_start3A_30 = tpu.memref_slice %arg7[%dma_start3A_28, %dma_start3A_29] : memref<5120x128xf32, #tpu.memory_space<vmem_shared>> -> memref<5120x128xf32, #tpu.memory_space<vmem_shared>>
    tpu.enqueue_indirect_dma source(%arg5 : memref<128x128xf32, #tpu.memory_space<vmem>>) target(%dma_start3A_30 : memref<5120x128xf32, #tpu.memory_space<vmem_shared>>) offsets(%dma_start3A_27 : memref<128xi32, #tpu.memory_space<vmem>>) semaphore(%arg6 : memref<!tpu.dma_semaphore, #tpu.memory_space<semaphore_mem>>) {add = true}
    %scan3A_31 = arith.constant 0 : i32
    %scan3A_32 = arith.constant 0 : i32
    %scan3A_33 = arith.constant 80 : i32
    %scan3A_34 = arith.addi %scan3A_32, %scan3A_33 : i32
    %scan3A_35 = arith.constant 1 : i32
    scf.for %scan3A_42 = %scan3A_32 to %scan3A_34 step %scan3A_35  : i32 {
      %add3A_43 = arith.constant 1 : i32
      %add3A_44 = arith.addi %scan3A_42, %add3A_43 : i32
      %lt3A = arith.constant 80 : i32
      %lt3A_45 = arith.cmpi slt, %add3A_44, %lt3A : i32
      %convert_element_type3A = arith.extui %lt3A_45 : i1 to i32
      %cond3A = arith.constant 0 : i32
      %cond3A_46 = arith.cmpi ne, %convert_element_type3A, %cond3A : i32
      scf.if %cond3A_46 {
        %add3A_53 = arith.constant 1 : i32
        %add3A_54 = arith.addi %scan3A_42, %add3A_53 : i32
        %dma_start3A_55 = arith.constant 0 : i32
        %dma_start3A_56 = tpu.memref_slice %arg4[%add3A_54, %dma_start3A_55] : memref<80x128xi32, #tpu.memory_space<vmem>> -> memref<1x128xi32, #tpu.memory_space<vmem>>
        %dma_start3A_57 = tpu.memref_squeeze %dma_start3A_56 : memref<1x128xi32, #tpu.memory_space<vmem>> -> memref<128xi32, #tpu.memory_space<vmem>>
        %dma_start3A_58 = arith.constant 0 : i32
        %dma_start3A_59 = arith.constant 0 : i32
        %dma_start3A_60 = tpu.memref_slice %arg7[%dma_start3A_58, %dma_start3A_59] : memref<5120x128xf32, #tpu.memory_space<vmem_shared>> -> memref<5120x128xf32, #tpu.memory_space<vmem_shared>>
        tpu.enqueue_indirect_dma source(%arg5 : memref<128x128xf32, #tpu.memory_space<vmem>>) target(%dma_start3A_60 : memref<5120x128xf32, #tpu.memory_space<vmem_shared>>) offsets(%dma_start3A_57 : memref<128xi32, #tpu.memory_space<vmem>>) semaphore(%arg6 : memref<!tpu.dma_semaphore, #tpu.memory_space<semaphore_mem>>) {add = true}
      } else {
      }
      %dma_wait3A = arith.constant 0 : i32
      %dma_wait3A_47 = arith.constant 0 : i32
      %dma_wait3A_48 = tpu.memref_slice %arg4[%dma_wait3A, %dma_wait3A_47] : memref<80x128xi32, #tpu.memory_space<vmem>> -> memref<1x128xi32, #tpu.memory_space<vmem>>
      %dma_wait3A_49 = tpu.memref_squeeze %dma_wait3A_48 : memref<1x128xi32, #tpu.memory_space<vmem>> -> memref<128xi32, #tpu.memory_space<vmem>>
      %dma_wait3A_50 = arith.constant 0 : i32
      %dma_wait3A_51 = arith.constant 0 : i32
      %dma_wait3A_52 = tpu.memref_slice %arg7[%dma_wait3A_50, %dma_wait3A_51] : memref<5120x128xf32, #tpu.memory_space<vmem_shared>> -> memref<5120x128xf32, #tpu.memory_space<vmem_shared>>
      tpu.wait_indirect_dma semaphore(%arg6 : memref<!tpu.dma_semaphore, #tpu.memory_space<semaphore_mem>>) src(%arg5 : memref<128x128xf32, #tpu.memory_space<vmem>>) dst(%dma_wait3A_52 : memref<5120x128xf32, #tpu.memory_space<vmem_shared>>)
    }
    %scan3A_36 = arith.constant 80 : i32
    %barrier3A_37 = arith.constant 0 : index
    tpu.barrier barrier_id(%barrier3A_37)
    %mul3A_38 = arith.constant 320 : i32
    %mul3A_39 = arith.muli %arg1, %mul3A_38 : i32
    %mul3A_40 = arith.constant 320 : i32
    %mul3A_41 = arith.muli %arg1, %mul3A_40 : i32
    "tpu.region"() ({
      %run_scoped3A = tpu.sem_alloc : memref<!tpu.dma_semaphore, #tpu.memory_space<semaphore_mem>>
      %dma_start3A_42 = arith.constant 0 : i32
      %dma_start3A_43 = tpu.memref_slice %arg3[%arg0, %mul3A_41, %dma_start3A_42] : memref<2x5120x128xf32, #tpu.memory_space<hbm>> -> memref<1x320x128xf32, #tpu.memory_space<hbm>>
      %dma_start3A_44 = tpu.memref_squeeze %dma_start3A_43 : memref<1x320x128xf32, #tpu.memory_space<hbm>> -> memref<320x128xf32, #tpu.memory_space<hbm>>
      %dma_start3A_45 = arith.constant 0 : i32
      %dma_start3A_46 = tpu.memref_slice %arg7[%mul3A_39, %dma_start3A_45] : memref<5120x128xf32, #tpu.memory_space<vmem_shared>> -> memref<320x128xf32, #tpu.memory_space<vmem_shared>>
      tpu.enqueue_dma source(%dma_start3A_46 : memref<320x128xf32, #tpu.memory_space<vmem_shared>>) target(%dma_start3A_44 : memref<320x128xf32, #tpu.memory_space<hbm>>) target_semaphore(%run_scoped3A : memref<!tpu.dma_semaphore, #tpu.memory_space<semaphore_mem>>)
      %dma_wait3A = arith.constant 0 : i32
      %dma_wait3A_47 = tpu.memref_slice %arg3[%arg0, %mul3A_41, %dma_wait3A] : memref<2x5120x128xf32, #tpu.memory_space<hbm>> -> memref<1x320x128xf32, #tpu.memory_space<hbm>>
      %dma_wait3A_48 = tpu.memref_squeeze %dma_wait3A_47 : memref<1x320x128xf32, #tpu.memory_space<hbm>> -> memref<320x128xf32, #tpu.memory_space<hbm>>
      %dma_wait3A_49 = arith.constant 0 : i32
      %dma_wait3A_50 = tpu.memref_slice %arg7[%mul3A_39, %dma_wait3A_49] : memref<5120x128xf32, #tpu.memory_space<vmem_shared>> -> memref<320x128xf32, #tpu.memory_space<vmem_shared>>
      tpu.wait_dma2 semaphore(%run_scoped3A : memref<!tpu.dma_semaphore, #tpu.memory_space<semaphore_mem>>) src(%dma_wait3A_50 : memref<320x128xf32, #tpu.memory_space<vmem_shared>>) dst(%dma_wait3A_48 : memref<320x128xf32, #tpu.memory_space<hbm>>)
      tpu.yield
    }) : () -> ()
    return
  }
}

#map = affine_map<(d0, d1) -> (0, 0)>
#map1 = affine_map<(d0, d1) -> (0, 0, 0)>
module attributes {stable_mosaic.version = 14 : i64} {
  func.func @_sc_pass2(%arg0: i32, %arg1: i32, %arg2: memref<16384x128xf32, #tpu.memory_space<hbm>>, %arg3: memref<2560x128xi32, #tpu.memory_space<hbm>>, %arg4: memref<2560x128xi32, #tpu.memory_space<hbm>>, %arg5: memref<2x10112x128xf32, #tpu.memory_space<hbm>>, %arg6: memref<80x128xi32, #tpu.memory_space<vmem>>, %arg7: memref<80x128xi32, #tpu.memory_space<vmem>>, %arg8: memref<128x128xf32, #tpu.memory_space<vmem>>, %arg9: memref<!tpu.dma_semaphore, #tpu.memory_space<semaphore_mem>>, %arg10: memref<10112x128xf32, #tpu.memory_space<vmem_shared>>) attributes {dimension_semantics = [#tpu.dimension_semantics<core_parallel>, #tpu.dimension_semantics<subcore_parallel>], iteration_bounds = array<i64: 2, 16>, scalar_prefetch = 0 : i64, scratch_operands = 5 : i64, tpu.core_type = #tpu.core_type<sc_vector_subcore>, window_params = [{transform_indices = #map}, {transform_indices = #map}, {transform_indices = #map}, {transform_indices = #map1}]} {
    %mul3A = arith.constant 16 : i32
    %mul3A_0 = arith.muli %arg0, %mul3A : i32
    %add3A = arith.addi %mul3A_0, %arg1 : i32
    %broadcast_in_dim3A = arith.constant 0.000000e+00 : f32
    %broadcast_in_dim3A_1 = vector.broadcast %broadcast_in_dim3A : f32 to vector<16xf32>
    %scan3A = arith.constant 0 : i32
    %scan3A_2 = arith.constant 0 : i32
    %scan3A_3 = arith.constant 128 : i32
    %scan3A_4 = arith.addi %scan3A_2, %scan3A_3 : i32
    %scan3A_5 = arith.constant 1 : i32
    scf.for %scan3A_34 = %scan3A_2 to %scan3A_4 step %scan3A_5  : i32 {
      %swap3A = arith.index_cast %scan3A_34 : i32 to index
      %swap3A_35 = arith.constant 0 : index
      %swap3A_36 = tpu.vector_load %arg8[%swap3A, %swap3A_35] {strides = array<i32>} : memref<128x128xf32, #tpu.memory_space<vmem>>, vector<1x16xf32>,
      %swap3A_37 = vector.shape_cast %swap3A_36 : vector<1x16xf32> to vector<16xf32>
      %swap3A_38 = vector.shape_cast %broadcast_in_dim3A_1 : vector<16xf32> to vector<1x16xf32>
      tpu.vector_store %arg8[%swap3A, %swap3A_35], %swap3A_38 {strides = array<i32>} : memref<128x128xf32, #tpu.memory_space<vmem>>, vector<1x16xf32>,
      %swap3A_39 = arith.index_cast %scan3A_34 : i32 to index
      %swap3A_40 = arith.constant 16 : index
      %swap3A_41 = tpu.vector_load %arg8[%swap3A_39, %swap3A_40] {strides = array<i32>} : memref<128x128xf32, #tpu.memory_space<vmem>>, vector<1x16xf32>,
      %swap3A_42 = vector.shape_cast %swap3A_41 : vector<1x16xf32> to vector<16xf32>
      %swap3A_43 = vector.shape_cast %broadcast_in_dim3A_1 : vector<16xf32> to vector<1x16xf32>
      tpu.vector_store %arg8[%swap3A_39, %swap3A_40], %swap3A_43 {strides = array<i32>} : memref<128x128xf32, #tpu.memory_space<vmem>>, vector<1x16xf32>,
      %swap3A_44 = arith.index_cast %scan3A_34 : i32 to index
      %swap3A_45 = arith.constant 32 : index
      %swap3A_46 = tpu.vector_load %arg8[%swap3A_44, %swap3A_45] {strides = array<i32>} : memref<128x128xf32, #tpu.memory_space<vmem>>, vector<1x16xf32>,
      %swap3A_47 = vector.shape_cast %swap3A_46 : vector<1x16xf32> to vector<16xf32>
      %swap3A_48 = vector.shape_cast %broadcast_in_dim3A_1 : vector<16xf32> to vector<1x16xf32>
      tpu.vector_store %arg8[%swap3A_44, %swap3A_45], %swap3A_48 {strides = array<i32>} : memref<128x128xf32, #tpu.memory_space<vmem>>, vector<1x16xf32>,
      %swap3A_49 = arith.index_cast %scan3A_34 : i32 to index
      %swap3A_50 = arith.constant 48 : index
      %swap3A_51 = tpu.vector_load %arg8[%swap3A_49, %swap3A_50] {strides = array<i32>} : memref<128x128xf32, #tpu.memory_space<vmem>>, vector<1x16xf32>,
      %swap3A_52 = vector.shape_cast %swap3A_51 : vector<1x16xf32> to vector<16xf32>
      %swap3A_53 = vector.shape_cast %broadcast_in_dim3A_1 : vector<16xf32> to vector<1x16xf32>
      tpu.vector_store %arg8[%swap3A_49, %swap3A_50], %swap3A_53 {strides = array<i32>} : memref<128x128xf32, #tpu.memory_space<vmem>>, vector<1x16xf32>,
      %swap3A_54 = arith.index_cast %scan3A_34 : i32 to index
      %swap3A_55 = arith.constant 64 : index
      %swap3A_56 = tpu.vector_load %arg8[%swap3A_54, %swap3A_55] {strides = array<i32>} : memref<128x128xf32, #tpu.memory_space<vmem>>, vector<1x16xf32>,
      %swap3A_57 = vector.shape_cast %swap3A_56 : vector<1x16xf32> to vector<16xf32>
      %swap3A_58 = vector.shape_cast %broadcast_in_dim3A_1 : vector<16xf32> to vector<1x16xf32>
      tpu.vector_store %arg8[%swap3A_54, %swap3A_55], %swap3A_58 {strides = array<i32>} : memref<128x128xf32, #tpu.memory_space<vmem>>, vector<1x16xf32>,
      %swap3A_59 = arith.index_cast %scan3A_34 : i32 to index
      %swap3A_60 = arith.constant 80 : index
      %swap3A_61 = tpu.vector_load %arg8[%swap3A_59, %swap3A_60] {strides = array<i32>} : memref<128x128xf32, #tpu.memory_space<vmem>>, vector<1x16xf32>,
      %swap3A_62 = vector.shape_cast %swap3A_61 : vector<1x16xf32> to vector<16xf32>
      %swap3A_63 = vector.shape_cast %broadcast_in_dim3A_1 : vector<16xf32> to vector<1x16xf32>
      tpu.vector_store %arg8[%swap3A_59, %swap3A_60], %swap3A_63 {strides = array<i32>} : memref<128x128xf32, #tpu.memory_space<vmem>>, vector<1x16xf32>,
      %swap3A_64 = arith.index_cast %scan3A_34 : i32 to index
      %swap3A_65 = arith.constant 96 : index
      %swap3A_66 = tpu.vector_load %arg8[%swap3A_64, %swap3A_65] {strides = array<i32>} : memref<128x128xf32, #tpu.memory_space<vmem>>, vector<1x16xf32>,
      %swap3A_67 = vector.shape_cast %swap3A_66 : vector<1x16xf32> to vector<16xf32>
      %swap3A_68 = vector.shape_cast %broadcast_in_dim3A_1 : vector<16xf32> to vector<1x16xf32>
      tpu.vector_store %arg8[%swap3A_64, %swap3A_65], %swap3A_68 {strides = array<i32>} : memref<128x128xf32, #tpu.memory_space<vmem>>, vector<1x16xf32>,
      %swap3A_69 = arith.index_cast %scan3A_34 : i32 to index
      %swap3A_70 = arith.constant 112 : index
      %swap3A_71 = tpu.vector_load %arg8[%swap3A_69, %swap3A_70] {strides = array<i32>} : memref<128x128xf32, #tpu.memory_space<vmem>>, vector<1x16xf32>,
      %swap3A_72 = vector.shape_cast %swap3A_71 : vector<1x16xf32> to vector<16xf32>
      %swap3A_73 = vector.shape_cast %broadcast_in_dim3A_1 : vector<16xf32> to vector<1x16xf32>
      tpu.vector_store %arg8[%swap3A_69, %swap3A_70], %swap3A_73 {strides = array<i32>} : memref<128x128xf32, #tpu.memory_space<vmem>>, vector<1x16xf32>,
    }
    %scan3A_6 = arith.constant 128 : i32
    %mul3A_7 = arith.constant 632 : i32
    %mul3A_8 = arith.muli %arg1, %mul3A_7 : i32
    %add3A_9 = arith.constant 0 : i32
    %add3A_10 = arith.addi %mul3A_8, %add3A_9 : i32
    "tpu.region"() ({
      %run_scoped3A = tpu.sem_alloc : memref<!tpu.dma_semaphore, #tpu.memory_space<semaphore_mem>>
      %dma_start3A = arith.constant 0 : i32
      %dma_start3A_34 = arith.constant 0 : i32
      %dma_start3A_35 = tpu.memref_slice %arg8[%dma_start3A, %dma_start3A_34] : memref<128x128xf32, #tpu.memory_space<vmem>> -> memref<128x128xf32, #tpu.memory_space<vmem>>
      %dma_start3A_36 = arith.constant 0 : i32
      %dma_start3A_37 = tpu.memref_slice %arg10[%add3A_10, %dma_start3A_36] : memref<10112x128xf32, #tpu.memory_space<vmem_shared>> -> memref<128x128xf32, #tpu.memory_space<vmem_shared>>
      %dma_start3A_38 = arith.constant 0 : i32
      %dma_start3A_39 = tpu.memref_slice %arg10[%add3A_10, %dma_start3A_38] : memref<10112x128xf32, #tpu.memory_space<vmem_shared>> -> memref<128x128xf32, #tpu.memory_space<vmem_shared>>
      %dma_start3A_40 = arith.constant 0 : i32
      %dma_start3A_41 = arith.constant 0 : i32
      %dma_start3A_42 = tpu.memref_slice %arg8[%dma_start3A_40, %dma_start3A_41] : memref<128x128xf32, #tpu.memory_space<vmem>> -> memref<128x128xf32, #tpu.memory_space<vmem>>
      tpu.enqueue_dma source(%dma_start3A_42 : memref<128x128xf32, #tpu.memory_space<vmem>>) target(%dma_start3A_39 : memref<128x128xf32, #tpu.memory_space<vmem_shared>>) target_semaphore(%run_scoped3A : memref<!tpu.dma_semaphore, #tpu.memory_space<semaphore_mem>>)
      %dma_wait3A = arith.constant 0 : i32
      %dma_wait3A_43 = arith.constant 0 : i32
      %dma_wait3A_44 = tpu.memref_slice %arg8[%dma_wait3A, %dma_wait3A_43] : memref<128x128xf32, #tpu.memory_space<vmem>> -> memref<128x128xf32, #tpu.memory_space<vmem>>
      %dma_wait3A_45 = arith.constant 0 : i32
      %dma_wait3A_46 = tpu.memref_slice %arg10[%add3A_10, %dma_wait3A_45] : memref<10112x128xf32, #tpu.memory_space<vmem_shared>> -> memref<128x128xf32, #tpu.memory_space<vmem_shared>>
      %dma_wait3A_47 = arith.constant 0 : i32
      %dma_wait3A_48 = tpu.memref_slice %arg10[%add3A_10, %dma_wait3A_47] : memref<10112x128xf32, #tpu.memory_space<vmem_shared>> -> memref<128x128xf32, #tpu.memory_space<vmem_shared>>
      %dma_wait3A_49 = arith.constant 0 : i32
      %dma_wait3A_50 = arith.constant 0 : i32
      %dma_wait3A_51 = tpu.memref_slice %arg8[%dma_wait3A_49, %dma_wait3A_50] : memref<128x128xf32, #tpu.memory_space<vmem>> -> memref<128x128xf32, #tpu.memory_space<vmem>>
      tpu.wait_dma2 semaphore(%run_scoped3A : memref<!tpu.dma_semaphore, #tpu.memory_space<semaphore_mem>>) src(%dma_wait3A_51 : memref<128x128xf32, #tpu.memory_space<vmem>>) dst(%dma_wait3A_48 : memref<128x128xf32, #tpu.memory_space<vmem_shared>>)
      tpu.yield
    }) : () -> ()
    %add3A_11 = arith.constant 128 : i32
    %add3A_12 = arith.addi %mul3A_8, %add3A_11 : i32
    "tpu.region"() ({
      %run_scoped3A = tpu.sem_alloc : memref<!tpu.dma_semaphore, #tpu.memory_space<semaphore_mem>>
      %dma_start3A = arith.constant 0 : i32
      %dma_start3A_34 = arith.constant 0 : i32
      %dma_start3A_35 = tpu.memref_slice %arg8[%dma_start3A, %dma_start3A_34] : memref<128x128xf32, #tpu.memory_space<vmem>> -> memref<128x128xf32, #tpu.memory_space<vmem>>
      %dma_start3A_36 = arith.constant 0 : i32
      %dma_start3A_37 = tpu.memref_slice %arg10[%add3A_12, %dma_start3A_36] : memref<10112x128xf32, #tpu.memory_space<vmem_shared>> -> memref<128x128xf32, #tpu.memory_space<vmem_shared>>
      %dma_start3A_38 = arith.constant 0 : i32
      %dma_start3A_39 = tpu.memref_slice %arg10[%add3A_12, %dma_start3A_38] : memref<10112x128xf32, #tpu.memory_space<vmem_shared>> -> memref<128x128xf32, #tpu.memory_space<vmem_shared>>
      %dma_start3A_40 = arith.constant 0 : i32
      %dma_start3A_41 = arith.constant 0 : i32
      %dma_start3A_42 = tpu.memref_slice %arg8[%dma_start3A_40, %dma_start3A_41] : memref<128x128xf32, #tpu.memory_space<vmem>> -> memref<128x128xf32, #tpu.memory_space<vmem>>
      tpu.enqueue_dma source(%dma_start3A_42 : memref<128x128xf32, #tpu.memory_space<vmem>>) target(%dma_start3A_39 : memref<128x128xf32, #tpu.memory_space<vmem_shared>>) target_semaphore(%run_scoped3A : memref<!tpu.dma_semaphore, #tpu.memory_space<semaphore_mem>>)
      %dma_wait3A = arith.constant 0 : i32
      %dma_wait3A_43 = arith.constant 0 : i32
      %dma_wait3A_44 = tpu.memref_slice %arg8[%dma_wait3A, %dma_wait3A_43] : memref<128x128xf32, #tpu.memory_space<vmem>> -> memref<128x128xf32, #tpu.memory_space<vmem>>
      %dma_wait3A_45 = arith.constant 0 : i32
      %dma_wait3A_46 = tpu.memref_slice %arg10[%add3A_12, %dma_wait3A_45] : memref<10112x128xf32, #tpu.memory_space<vmem_shared>> -> memref<128x128xf32, #tpu.memory_space<vmem_shared>>
      %dma_wait3A_47 = arith.constant 0 : i32
      %dma_wait3A_48 = tpu.memref_slice %arg10[%add3A_12, %dma_wait3A_47] : memref<10112x128xf32, #tpu.memory_space<vmem_shared>> -> memref<128x128xf32, #tpu.memory_space<vmem_shared>>
      %dma_wait3A_49 = arith.constant 0 : i32
      %dma_wait3A_50 = arith.constant 0 : i32
      %dma_wait3A_51 = tpu.memref_slice %arg8[%dma_wait3A_49, %dma_wait3A_50] : memref<128x128xf32, #tpu.memory_space<vmem>> -> memref<128x128xf32, #tpu.memory_space<vmem>>
      tpu.wait_dma2 semaphore(%run_scoped3A : memref<!tpu.dma_semaphore, #tpu.memory_space<semaphore_mem>>) src(%dma_wait3A_51 : memref<128x128xf32, #tpu.memory_space<vmem>>) dst(%dma_wait3A_48 : memref<128x128xf32, #tpu.memory_space<vmem_shared>>)
      tpu.yield
    }) : () -> ()
    %add3A_13 = arith.constant 256 : i32
    %add3A_14 = arith.addi %mul3A_8, %add3A_13 : i32
    "tpu.region"() ({
      %run_scoped3A = tpu.sem_alloc : memref<!tpu.dma_semaphore, #tpu.memory_space<semaphore_mem>>
      %dma_start3A = arith.constant 0 : i32
      %dma_start3A_34 = arith.constant 0 : i32
      %dma_start3A_35 = tpu.memref_slice %arg8[%dma_start3A, %dma_start3A_34] : memref<128x128xf32, #tpu.memory_space<vmem>> -> memref<128x128xf32, #tpu.memory_space<vmem>>
      %dma_start3A_36 = arith.constant 0 : i32
      %dma_start3A_37 = tpu.memref_slice %arg10[%add3A_14, %dma_start3A_36] : memref<10112x128xf32, #tpu.memory_space<vmem_shared>> -> memref<128x128xf32, #tpu.memory_space<vmem_shared>>
      %dma_start3A_38 = arith.constant 0 : i32
      %dma_start3A_39 = tpu.memref_slice %arg10[%add3A_14, %dma_start3A_38] : memref<10112x128xf32, #tpu.memory_space<vmem_shared>> -> memref<128x128xf32, #tpu.memory_space<vmem_shared>>
      %dma_start3A_40 = arith.constant 0 : i32
      %dma_start3A_41 = arith.constant 0 : i32
      %dma_start3A_42 = tpu.memref_slice %arg8[%dma_start3A_40, %dma_start3A_41] : memref<128x128xf32, #tpu.memory_space<vmem>> -> memref<128x128xf32, #tpu.memory_space<vmem>>
      tpu.enqueue_dma source(%dma_start3A_42 : memref<128x128xf32, #tpu.memory_space<vmem>>) target(%dma_start3A_39 : memref<128x128xf32, #tpu.memory_space<vmem_shared>>) target_semaphore(%run_scoped3A : memref<!tpu.dma_semaphore, #tpu.memory_space<semaphore_mem>>)
      %dma_wait3A = arith.constant 0 : i32
      %dma_wait3A_43 = arith.constant 0 : i32
      %dma_wait3A_44 = tpu.memref_slice %arg8[%dma_wait3A, %dma_wait3A_43] : memref<128x128xf32, #tpu.memory_space<vmem>> -> memref<128x128xf32, #tpu.memory_space<vmem>>
      %dma_wait3A_45 = arith.constant 0 : i32
      %dma_wait3A_46 = tpu.memref_slice %arg10[%add3A_14, %dma_wait3A_45] : memref<10112x128xf32, #tpu.memory_space<vmem_shared>> -> memref<128x128xf32, #tpu.memory_space<vmem_shared>>
      %dma_wait3A_47 = arith.constant 0 : i32
      %dma_wait3A_48 = tpu.memref_slice %arg10[%add3A_14, %dma_wait3A_47] : memref<10112x128xf32, #tpu.memory_space<vmem_shared>> -> memref<128x128xf32, #tpu.memory_space<vmem_shared>>
      %dma_wait3A_49 = arith.constant 0 : i32
      %dma_wait3A_50 = arith.constant 0 : i32
      %dma_wait3A_51 = tpu.memref_slice %arg8[%dma_wait3A_49, %dma_wait3A_50] : memref<128x128xf32, #tpu.memory_space<vmem>> -> memref<128x128xf32, #tpu.memory_space<vmem>>
      tpu.wait_dma2 semaphore(%run_scoped3A : memref<!tpu.dma_semaphore, #tpu.memory_space<semaphore_mem>>) src(%dma_wait3A_51 : memref<128x128xf32, #tpu.memory_space<vmem>>) dst(%dma_wait3A_48 : memref<128x128xf32, #tpu.memory_space<vmem_shared>>)
      tpu.yield
    }) : () -> ()
    %add3A_15 = arith.constant 384 : i32
    %add3A_16 = arith.addi %mul3A_8, %add3A_15 : i32
    "tpu.region"() ({
      %run_scoped3A = tpu.sem_alloc : memref<!tpu.dma_semaphore, #tpu.memory_space<semaphore_mem>>
      %dma_start3A = arith.constant 0 : i32
      %dma_start3A_34 = arith.constant 0 : i32
      %dma_start3A_35 = tpu.memref_slice %arg8[%dma_start3A, %dma_start3A_34] : memref<128x128xf32, #tpu.memory_space<vmem>> -> memref<128x128xf32, #tpu.memory_space<vmem>>
      %dma_start3A_36 = arith.constant 0 : i32
      %dma_start3A_37 = tpu.memref_slice %arg10[%add3A_16, %dma_start3A_36] : memref<10112x128xf32, #tpu.memory_space<vmem_shared>> -> memref<128x128xf32, #tpu.memory_space<vmem_shared>>
      %dma_start3A_38 = arith.constant 0 : i32
      %dma_start3A_39 = tpu.memref_slice %arg10[%add3A_16, %dma_start3A_38] : memref<10112x128xf32, #tpu.memory_space<vmem_shared>> -> memref<128x128xf32, #tpu.memory_space<vmem_shared>>
      %dma_start3A_40 = arith.constant 0 : i32
      %dma_start3A_41 = arith.constant 0 : i32
      %dma_start3A_42 = tpu.memref_slice %arg8[%dma_start3A_40, %dma_start3A_41] : memref<128x128xf32, #tpu.memory_space<vmem>> -> memref<128x128xf32, #tpu.memory_space<vmem>>
      tpu.enqueue_dma source(%dma_start3A_42 : memref<128x128xf32, #tpu.memory_space<vmem>>) target(%dma_start3A_39 : memref<128x128xf32, #tpu.memory_space<vmem_shared>>) target_semaphore(%run_scoped3A : memref<!tpu.dma_semaphore, #tpu.memory_space<semaphore_mem>>)
      %dma_wait3A = arith.constant 0 : i32
      %dma_wait3A_43 = arith.constant 0 : i32
      %dma_wait3A_44 = tpu.memref_slice %arg8[%dma_wait3A, %dma_wait3A_43] : memref<128x128xf32, #tpu.memory_space<vmem>> -> memref<128x128xf32, #tpu.memory_space<vmem>>
      %dma_wait3A_45 = arith.constant 0 : i32
      %dma_wait3A_46 = tpu.memref_slice %arg10[%add3A_16, %dma_wait3A_45] : memref<10112x128xf32, #tpu.memory_space<vmem_shared>> -> memref<128x128xf32, #tpu.memory_space<vmem_shared>>
      %dma_wait3A_47 = arith.constant 0 : i32
      %dma_wait3A_48 = tpu.memref_slice %arg10[%add3A_16, %dma_wait3A_47] : memref<10112x128xf32, #tpu.memory_space<vmem_shared>> -> memref<128x128xf32, #tpu.memory_space<vmem_shared>>
      %dma_wait3A_49 = arith.constant 0 : i32
      %dma_wait3A_50 = arith.constant 0 : i32
      %dma_wait3A_51 = tpu.memref_slice %arg8[%dma_wait3A_49, %dma_wait3A_50] : memref<128x128xf32, #tpu.memory_space<vmem>> -> memref<128x128xf32, #tpu.memory_space<vmem>>
      tpu.wait_dma2 semaphore(%run_scoped3A : memref<!tpu.dma_semaphore, #tpu.memory_space<semaphore_mem>>) src(%dma_wait3A_51 : memref<128x128xf32, #tpu.memory_space<vmem>>) dst(%dma_wait3A_48 : memref<128x128xf32, #tpu.memory_space<vmem_shared>>)
      tpu.yield
    }) : () -> ()
    %add3A_17 = arith.constant 512 : i32
    %add3A_18 = arith.addi %mul3A_8, %add3A_17 : i32
    "tpu.region"() ({
      %run_scoped3A = tpu.sem_alloc : memref<!tpu.dma_semaphore, #tpu.memory_space<semaphore_mem>>
      %dma_start3A = arith.constant 0 : i32
      %dma_start3A_34 = arith.constant 0 : i32
      %dma_start3A_35 = tpu.memref_slice %arg8[%dma_start3A, %dma_start3A_34] : memref<128x128xf32, #tpu.memory_space<vmem>> -> memref<120x128xf32, #tpu.memory_space<vmem>>
      %dma_start3A_36 = arith.constant 0 : i32
      %dma_start3A_37 = tpu.memref_slice %arg10[%add3A_18, %dma_start3A_36] : memref<10112x128xf32, #tpu.memory_space<vmem_shared>> -> memref<120x128xf32, #tpu.memory_space<vmem_shared>>
      %dma_start3A_38 = arith.constant 0 : i32
      %dma_start3A_39 = tpu.memref_slice %arg10[%add3A_18, %dma_start3A_38] : memref<10112x128xf32, #tpu.memory_space<vmem_shared>> -> memref<120x128xf32, #tpu.memory_space<vmem_shared>>
      %dma_start3A_40 = arith.constant 0 : i32
      %dma_start3A_41 = arith.constant 0 : i32
      %dma_start3A_42 = tpu.memref_slice %arg8[%dma_start3A_40, %dma_start3A_41] : memref<128x128xf32, #tpu.memory_space<vmem>> -> memref<120x128xf32, #tpu.memory_space<vmem>>
      tpu.enqueue_dma source(%dma_start3A_42 : memref<120x128xf32, #tpu.memory_space<vmem>>) target(%dma_start3A_39 : memref<120x128xf32, #tpu.memory_space<vmem_shared>>) target_semaphore(%run_scoped3A : memref<!tpu.dma_semaphore, #tpu.memory_space<semaphore_mem>>)
      %dma_wait3A = arith.constant 0 : i32
      %dma_wait3A_43 = arith.constant 0 : i32
      %dma_wait3A_44 = tpu.memref_slice %arg8[%dma_wait3A, %dma_wait3A_43] : memref<128x128xf32, #tpu.memory_space<vmem>> -> memref<120x128xf32, #tpu.memory_space<vmem>>
      %dma_wait3A_45 = arith.constant 0 : i32
      %dma_wait3A_46 = tpu.memref_slice %arg10[%add3A_18, %dma_wait3A_45] : memref<10112x128xf32, #tpu.memory_space<vmem_shared>> -> memref<120x128xf32, #tpu.memory_space<vmem_shared>>
      %dma_wait3A_47 = arith.constant 0 : i32
      %dma_wait3A_48 = tpu.memref_slice %arg10[%add3A_18, %dma_wait3A_47] : memref<10112x128xf32, #tpu.memory_space<vmem_shared>> -> memref<120x128xf32, #tpu.memory_space<vmem_shared>>
      %dma_wait3A_49 = arith.constant 0 : i32
      %dma_wait3A_50 = arith.constant 0 : i32
      %dma_wait3A_51 = tpu.memref_slice %arg8[%dma_wait3A_49, %dma_wait3A_50] : memref<128x128xf32, #tpu.memory_space<vmem>> -> memref<120x128xf32, #tpu.memory_space<vmem>>
      tpu.wait_dma2 semaphore(%run_scoped3A : memref<!tpu.dma_semaphore, #tpu.memory_space<semaphore_mem>>) src(%dma_wait3A_51 : memref<120x128xf32, #tpu.memory_space<vmem>>) dst(%dma_wait3A_48 : memref<120x128xf32, #tpu.memory_space<vmem_shared>>)
      tpu.yield
    }) : () -> ()
    %mul3A_19 = arith.constant 80 : i32
    %mul3A_20 = arith.muli %add3A, %mul3A_19 : i32
    "tpu.region"() ({
      %run_scoped3A = tpu.sem_alloc : memref<!tpu.dma_semaphore, #tpu.memory_space<semaphore_mem>>
      %dma_start3A = arith.constant 0 : i32
      %dma_start3A_34 = tpu.memref_slice %arg3[%mul3A_20, %dma_start3A] : memref<2560x128xi32, #tpu.memory_space<hbm>> -> memref<80x128xi32, #tpu.memory_space<hbm>>
      %dma_start3A_35 = arith.constant 0 : i32
      %dma_start3A_36 = tpu.memref_slice %arg3[%mul3A_20, %dma_start3A_35] : memref<2560x128xi32, #tpu.memory_space<hbm>> -> memref<80x128xi32, #tpu.memory_space<hbm>>
      tpu.enqueue_dma source(%dma_start3A_36 : memref<80x128xi32, #tpu.memory_space<hbm>>) target(%arg6 : memref<80x128xi32, #tpu.memory_space<vmem>>) target_semaphore(%run_scoped3A : memref<!tpu.dma_semaphore, #tpu.memory_space<semaphore_mem>>)
      %dma_wait3A = arith.constant 0 : i32
      %dma_wait3A_37 = tpu.memref_slice %arg3[%mul3A_20, %dma_wait3A] : memref<2560x128xi32, #tpu.memory_space<hbm>> -> memref<80x128xi32, #tpu.memory_space<hbm>>
      %dma_wait3A_38 = arith.constant 0 : i32
      %dma_wait3A_39 = tpu.memref_slice %arg3[%mul3A_20, %dma_wait3A_38] : memref<2560x128xi32, #tpu.memory_space<hbm>> -> memref<80x128xi32, #tpu.memory_space<hbm>>
      tpu.wait_dma2 semaphore(%run_scoped3A : memref<!tpu.dma_semaphore, #tpu.memory_space<semaphore_mem>>) src(%dma_wait3A_39 : memref<80x128xi32, #tpu.memory_space<hbm>>) dst(%arg6 : memref<80x128xi32, #tpu.memory_space<vmem>>)
      tpu.yield
    }) : () -> ()
    %mul3A_21 = arith.constant 80 : i32
    %mul3A_22 = arith.muli %add3A, %mul3A_21 : i32
    "tpu.region"() ({
      %run_scoped3A = tpu.sem_alloc : memref<!tpu.dma_semaphore, #tpu.memory_space<semaphore_mem>>
      %dma_start3A = arith.constant 0 : i32
      %dma_start3A_34 = tpu.memref_slice %arg4[%mul3A_22, %dma_start3A] : memref<2560x128xi32, #tpu.memory_space<hbm>> -> memref<80x128xi32, #tpu.memory_space<hbm>>
      %dma_start3A_35 = arith.constant 0 : i32
      %dma_start3A_36 = tpu.memref_slice %arg4[%mul3A_22, %dma_start3A_35] : memref<2560x128xi32, #tpu.memory_space<hbm>> -> memref<80x128xi32, #tpu.memory_space<hbm>>
      tpu.enqueue_dma source(%dma_start3A_36 : memref<80x128xi32, #tpu.memory_space<hbm>>) target(%arg7 : memref<80x128xi32, #tpu.memory_space<vmem>>) target_semaphore(%run_scoped3A : memref<!tpu.dma_semaphore, #tpu.memory_space<semaphore_mem>>)
      %dma_wait3A = arith.constant 0 : i32
      %dma_wait3A_37 = tpu.memref_slice %arg4[%mul3A_22, %dma_wait3A] : memref<2560x128xi32, #tpu.memory_space<hbm>> -> memref<80x128xi32, #tpu.memory_space<hbm>>
      %dma_wait3A_38 = arith.constant 0 : i32
      %dma_wait3A_39 = tpu.memref_slice %arg4[%mul3A_22, %dma_wait3A_38] : memref<2560x128xi32, #tpu.memory_space<hbm>> -> memref<80x128xi32, #tpu.memory_space<hbm>>
      tpu.wait_dma2 semaphore(%run_scoped3A : memref<!tpu.dma_semaphore, #tpu.memory_space<semaphore_mem>>) src(%dma_wait3A_39 : memref<80x128xi32, #tpu.memory_space<hbm>>) dst(%arg7 : memref<80x128xi32, #tpu.memory_space<vmem>>)
      tpu.yield
    }) : () -> ()
    %barrier3A = arith.constant 0 : index
    tpu.barrier barrier_id(%barrier3A)
    %scan3A_23 = arith.constant 0 : i32
    %scan3A_24 = arith.constant 0 : i32
    %scan3A_25 = arith.constant 80 : i32
    %scan3A_26 = arith.addi %scan3A_24, %scan3A_25 : i32
    %scan3A_27 = arith.constant 1 : i32
    scf.for %scan3A_34 = %scan3A_24 to %scan3A_26 step %scan3A_27  : i32 {
      %dma_start3A = arith.constant 0 : i32
      %dma_start3A_35 = tpu.memref_slice %arg7[%scan3A_34, %dma_start3A] : memref<80x128xi32, #tpu.memory_space<vmem>> -> memref<1x128xi32, #tpu.memory_space<vmem>>
      %dma_start3A_36 = tpu.memref_squeeze %dma_start3A_35 : memref<1x128xi32, #tpu.memory_space<vmem>> -> memref<128xi32, #tpu.memory_space<vmem>>
      %dma_start3A_37 = arith.constant 0 : i32
      %dma_start3A_38 = arith.constant 0 : i32
      %dma_start3A_39 = tpu.memref_slice %arg2[%dma_start3A_37, %dma_start3A_38] : memref<16384x128xf32, #tpu.memory_space<hbm>> -> memref<16384x128xf32, #tpu.memory_space<hbm>>
      tpu.enqueue_indirect_dma source(%dma_start3A_39 : memref<16384x128xf32, #tpu.memory_space<hbm>>) target(%arg8 : memref<128x128xf32, #tpu.memory_space<vmem>>) offsets(%dma_start3A_36 : memref<128xi32, #tpu.memory_space<vmem>>) semaphore(%arg9 : memref<!tpu.dma_semaphore, #tpu.memory_space<semaphore_mem>>)
      %dma_wait3A = arith.constant 0 : i32
      %dma_wait3A_40 = tpu.memref_slice %arg7[%scan3A_34, %dma_wait3A] : memref<80x128xi32, #tpu.memory_space<vmem>> -> memref<1x128xi32, #tpu.memory_space<vmem>>
      %dma_wait3A_41 = tpu.memref_squeeze %dma_wait3A_40 : memref<1x128xi32, #tpu.memory_space<vmem>> -> memref<128xi32, #tpu.memory_space<vmem>>
      %dma_wait3A_42 = arith.constant 0 : i32
      %dma_wait3A_43 = arith.constant 0 : i32
      %dma_wait3A_44 = tpu.memref_slice %arg2[%dma_wait3A_42, %dma_wait3A_43] : memref<16384x128xf32, #tpu.memory_space<hbm>> -> memref<16384x128xf32, #tpu.memory_space<hbm>>
      tpu.wait_indirect_dma semaphore(%arg9 : memref<!tpu.dma_semaphore, #tpu.memory_space<semaphore_mem>>) src(%dma_wait3A_44 : memref<16384x128xf32, #tpu.memory_space<hbm>>) dst(%arg8 : memref<128x128xf32, #tpu.memory_space<vmem>>)
      "tpu.region"() ({
        %run_scoped3A = tpu.sem_alloc : memref<!tpu.dma_semaphore, #tpu.memory_space<semaphore_mem>>
        %dma_start3A_45 = arith.constant 0 : i32
        %dma_start3A_46 = tpu.memref_slice %arg6[%scan3A_34, %dma_start3A_45] : memref<80x128xi32, #tpu.memory_space<vmem>> -> memref<1x128xi32, #tpu.memory_space<vmem>>
        %dma_start3A_47 = tpu.memref_squeeze %dma_start3A_46 : memref<1x128xi32, #tpu.memory_space<vmem>> -> memref<128xi32, #tpu.memory_space<vmem>>
        %dma_start3A_48 = arith.constant 0 : i32
        %dma_start3A_49 = arith.constant 0 : i32
        %dma_start3A_50 = tpu.memref_slice %arg10[%dma_start3A_48, %dma_start3A_49] : memref<10112x128xf32, #tpu.memory_space<vmem_shared>> -> memref<10112x128xf32, #tpu.memory_space<vmem_shared>>
        tpu.enqueue_indirect_dma source(%arg8 : memref<128x128xf32, #tpu.memory_space<vmem>>) target(%dma_start3A_50 : memref<10112x128xf32, #tpu.memory_space<vmem_shared>>) offsets(%dma_start3A_47 : memref<128xi32, #tpu.memory_space<vmem>>) semaphore(%run_scoped3A : memref<!tpu.dma_semaphore, #tpu.memory_space<semaphore_mem>>) {add = true}
        %dma_wait3A_51 = arith.constant 0 : i32
        %dma_wait3A_52 = tpu.memref_slice %arg6[%scan3A_34, %dma_wait3A_51] : memref<80x128xi32, #tpu.memory_space<vmem>> -> memref<1x128xi32, #tpu.memory_space<vmem>>
        %dma_wait3A_53 = tpu.memref_squeeze %dma_wait3A_52 : memref<1x128xi32, #tpu.memory_space<vmem>> -> memref<128xi32, #tpu.memory_space<vmem>>
        %dma_wait3A_54 = arith.constant 0 : i32
        %dma_wait3A_55 = arith.constant 0 : i32
        %dma_wait3A_56 = tpu.memref_slice %arg10[%dma_wait3A_54, %dma_wait3A_55] : memref<10112x128xf32, #tpu.memory_space<vmem_shared>> -> memref<10112x128xf32, #tpu.memory_space<vmem_shared>>
        tpu.wait_indirect_dma semaphore(%run_scoped3A : memref<!tpu.dma_semaphore, #tpu.memory_space<semaphore_mem>>) src(%arg8 : memref<128x128xf32, #tpu.memory_space<vmem>>) dst(%dma_wait3A_56 : memref<10112x128xf32, #tpu.memory_space<vmem_shared>>)
        tpu.yield
      }) : () -> ()
    }
    %scan3A_28 = arith.constant 80 : i32
    %barrier3A_29 = arith.constant 0 : index
    tpu.barrier barrier_id(%barrier3A_29)
    %mul3A_30 = arith.constant 632 : i32
    %mul3A_31 = arith.muli %arg1, %mul3A_30 : i32
    %mul3A_32 = arith.constant 632 : i32
    %mul3A_33 = arith.muli %arg1, %mul3A_32 : i32
    "tpu.region"() ({
      %run_scoped3A = tpu.sem_alloc : memref<!tpu.dma_semaphore, #tpu.memory_space<semaphore_mem>>
      %dma_start3A = arith.constant 0 : i32
      %dma_start3A_34 = tpu.memref_slice %arg5[%arg0, %mul3A_33, %dma_start3A] : memref<2x10112x128xf32, #tpu.memory_space<hbm>> -> memref<1x632x128xf32, #tpu.memory_space<hbm>>
      %dma_start3A_35 = tpu.memref_squeeze %dma_start3A_34 : memref<1x632x128xf32, #tpu.memory_space<hbm>> -> memref<632x128xf32, #tpu.memory_space<hbm>>
      %dma_start3A_36 = arith.constant 0 : i32
      %dma_start3A_37 = tpu.memref_slice %arg10[%mul3A_31, %dma_start3A_36] : memref<10112x128xf32, #tpu.memory_space<vmem_shared>> -> memref<632x128xf32, #tpu.memory_space<vmem_shared>>
      tpu.enqueue_dma source(%dma_start3A_37 : memref<632x128xf32, #tpu.memory_space<vmem_shared>>) target(%dma_start3A_35 : memref<632x128xf32, #tpu.memory_space<hbm>>) target_semaphore(%run_scoped3A : memref<!tpu.dma_semaphore, #tpu.memory_space<semaphore_mem>>)
      %dma_wait3A = arith.constant 0 : i32
      %dma_wait3A_38 = tpu.memref_slice %arg5[%arg0, %mul3A_33, %dma_wait3A] : memref<2x10112x128xf32, #tpu.memory_space<hbm>> -> memref<1x632x128xf32, #tpu.memory_space<hbm>>
      %dma_wait3A_39 = tpu.memref_squeeze %dma_wait3A_38 : memref<1x632x128xf32, #tpu.memory_space<hbm>> -> memref<632x128xf32, #tpu.memory_space<hbm>>
      %dma_wait3A_40 = arith.constant 0 : i32
      %dma_wait3A_41 = tpu.memref_slice %arg10[%mul3A_31, %dma_wait3A_40] : memref<10112x128xf32, #tpu.memory_space<vmem_shared>> -> memref<632x128xf32, #tpu.memory_space<vmem_shared>>
      tpu.wait_dma2 semaphore(%run_scoped3A : memref<!tpu.dma_semaphore, #tpu.memory_space<semaphore_mem>>) src(%dma_wait3A_41 : memref<632x128xf32, #tpu.memory_space<vmem_shared>>) dst(%dma_wait3A_39 : memref<632x128xf32, #tpu.memory_space<hbm>>)
      tpu.yield
    }) : () -> ()
    return
  }
}

module attributes {stable_mosaic.version = 14 : i64} {
  func.func @_combine_body(%arg0: memref<2x5120x128xf32, #tpu.memory_space<vmem>>, %arg1: memref<2x5120x128xf32, #tpu.memory_space<vmem>>, %arg2: memref<5120x128xf32, #tpu.memory_space<vmem>>) attributes {dimension_semantics = [], scalar_prefetch = 0 : i64, scratch_operands = 0 : i64, tpu.core_type = #tpu.core_type<tc>} {
    %get3A = arith.constant 0 : index
    %get3A_0 = arith.constant 0 : index
    %get3A_1 = arith.constant 0 : index
    %get3A_2 = vector.load %arg0[%get3A, %get3A_0, %get3A_1] : memref<2x5120x128xf32, #tpu.memory_space<vmem>>, vector<1x5120x128xf32>
    %get3A_3 = vector.shape_cast %get3A_2 : vector<1x5120x128xf32> to vector<5120x128xf32>
    %get3A_4 = arith.constant 1 : index
    %get3A_5 = arith.constant 0 : index
    %get3A_6 = arith.constant 0 : index
    %get3A_7 = vector.load %arg0[%get3A_4, %get3A_5, %get3A_6] : memref<2x5120x128xf32, #tpu.memory_space<vmem>>, vector<1x5120x128xf32>
    %get3A_8 = vector.shape_cast %get3A_7 : vector<1x5120x128xf32> to vector<5120x128xf32>
    %add3A = arith.addf %get3A_3, %get3A_8 : vector<5120x128xf32>
    %get3A_9 = arith.constant 0 : index
    %get3A_10 = arith.constant 0 : index
    %get3A_11 = arith.constant 0 : index
    %get3A_12 = vector.load %arg1[%get3A_9, %get3A_10, %get3A_11] : memref<2x5120x128xf32, #tpu.memory_space<vmem>>, vector<1x5120x128xf32>
    %get3A_13 = vector.shape_cast %get3A_12 : vector<1x5120x128xf32> to vector<5120x128xf32>
    %get3A_14 = arith.constant 1 : index
    %get3A_15 = arith.constant 0 : index
    %get3A_16 = arith.constant 0 : index
    %get3A_17 = vector.load %arg1[%get3A_14, %get3A_15, %get3A_16] : memref<2x5120x128xf32, #tpu.memory_space<vmem>>, vector<1x5120x128xf32>
    %get3A_18 = vector.shape_cast %get3A_17 : vector<1x5120x128xf32> to vector<5120x128xf32>
    %add3A_19 = arith.addf %get3A_13, %get3A_18 : vector<5120x128xf32>
    %slice3A = vector.extract_strided_slice %add3A_19 {offsets = [0, 0], sizes = [5120, 1], strides = [1, 1]} : vector<5120x128xf32> to vector<5120x1xf32>
    %max3A = arith.constant 1.000000e+00 : f32
    %max3A_20 = vector.broadcast %max3A : f32 to vector<5120x1xf32>
    %max3A_21 = arith.maximumf %slice3A, %max3A_20 : vector<5120x1xf32>
    %div3A = vector.broadcast %max3A_21 : vector<5120x1xf32> to vector<5120x128xf32>
    %div3A_22 = arith.divf %add3A, %div3A : vector<5120x128xf32>
    %swap3A = arith.constant 0 : index
    %swap3A_23 = arith.constant 0 : index
    %swap3A_24 = vector.load %arg2[%swap3A, %swap3A_23] : memref<5120x128xf32, #tpu.memory_space<vmem>>, vector<5120x128xf32>
    tpu.vector_store %arg2[%swap3A, %swap3A_23], %div3A_22 {strides = array<i32>} : memref<5120x128xf32, #tpu.memory_space<vmem>>, vector<5120x128xf32>,
    return
  }
}

module attributes {stable_mosaic.version = 14 : i64} {
  func.func @_final_body(%arg0: memref<10000x128xf32, #tpu.memory_space<vmem>>, %arg1: memref<10000x128xf32, #tpu.memory_space<vmem>>, %arg2: memref<2x10112x128xf32, #tpu.memory_space<vmem>>, %arg3: memref<2x10112x128xf32, #tpu.memory_space<vmem>>, %arg4: memref<128x128xf32, #tpu.memory_space<vmem>>, %arg5: memref<128xf32, #tpu.memory_space<vmem>>, %arg6: memref<256x128xf32, #tpu.memory_space<vmem>>, %arg7: memref<128xf32, #tpu.memory_space<vmem>>, %arg8: memref<128x128xf32, #tpu.memory_space<vmem>>, %arg9: memref<128xf32, #tpu.memory_space<vmem>>, %arg10: memref<10000x128xf32, #tpu.memory_space<vmem>>) attributes {dimension_semantics = [], scalar_prefetch = 0 : i64, scratch_operands = 0 : i64, tpu.core_type = #tpu.core_type<tc>} {
    %get3A = arith.constant 0 : index
    %get3A_0 = arith.constant 0 : index
    %get3A_1 = arith.constant 0 : index
    %get3A_2 = vector.load %arg3[%get3A, %get3A_0, %get3A_1] : memref<2x10112x128xf32, #tpu.memory_space<vmem>>, vector<1x10000x1xf32>
    %get3A_3 = vector.shape_cast %get3A_2 : vector<1x10000x1xf32> to vector<10000x1xf32>
    %get3A_4 = arith.constant 1 : index
    %get3A_5 = arith.constant 0 : index
    %get3A_6 = arith.constant 0 : index
    %get3A_7 = vector.load %arg3[%get3A_4, %get3A_5, %get3A_6] : memref<2x10112x128xf32, #tpu.memory_space<vmem>>, vector<1x10000x1xf32>
    %get3A_8 = vector.shape_cast %get3A_7 : vector<1x10000x1xf32> to vector<10000x1xf32>
    %add3A = arith.addf %get3A_3, %get3A_8 : vector<10000x1xf32>
    %max3A = arith.constant 1.000000e+00 : f32
    %max3A_9 = vector.broadcast %max3A : f32 to vector<10000x1xf32>
    %max3A_10 = arith.maximumf %add3A, %max3A_9 : vector<10000x1xf32>
    %div3A = arith.constant 1.000000e+00 : f32
    %div3A_11 = vector.broadcast %div3A : f32 to vector<10000x1xf32>
    %div3A_12 = arith.divf %div3A_11, %max3A_10 : vector<10000x1xf32>
    %get3A_13 = arith.constant 0 : index
    %get3A_14 = arith.constant 0 : index
    %get3A_15 = arith.constant 0 : index
    %get3A_16 = vector.load %arg2[%get3A_13, %get3A_14, %get3A_15] : memref<2x10112x128xf32, #tpu.memory_space<vmem>>, vector<1x10000x128xf32>
    %get3A_17 = vector.shape_cast %get3A_16 : vector<1x10000x128xf32> to vector<10000x128xf32>
    %get3A_18 = arith.constant 1 : index
    %get3A_19 = arith.constant 0 : index
    %get3A_20 = arith.constant 0 : index
    %get3A_21 = vector.load %arg2[%get3A_18, %get3A_19, %get3A_20] : memref<2x10112x128xf32, #tpu.memory_space<vmem>>, vector<1x10000x128xf32>
    %get3A_22 = vector.shape_cast %get3A_21 : vector<1x10000x128xf32> to vector<10000x128xf32>
    %add3A_23 = arith.addf %get3A_17, %get3A_22 : vector<10000x128xf32>
    %mul3A = vector.broadcast %div3A_12 : vector<10000x1xf32> to vector<10000x128xf32>
    %mul3A_24 = arith.mulf %add3A_23, %mul3A : vector<10000x128xf32>
    %get3A_25 = arith.constant 0 : index
    %get3A_26 = arith.constant 0 : index
    %get3A_27 = vector.load %arg4[%get3A_25, %get3A_26] : memref<128x128xf32, #tpu.memory_space<vmem>>, vector<128x128xf32>
    %dot_general3A = arith.constant dense<0.000000e+00> : vector<10000x128xf32>
    %dot_general3A_28 = tpu.matmul %mul3A_24, %get3A_27, %dot_general3A {dimension_numbers = #tpu.dot_dimension_numbers<[1], [0], [0], [1], [0, 0, 1, 1], [], []>, transpose_lhs_hint = false} : vector<10000x128xf32>, vector<128x128xf32>, vector<10000x128xf32> -> vector<10000x128xf32>
    %get3A_29 = arith.constant 0 : index
    %get3A_30 = vector.load %arg5[%get3A_29] : memref<128xf32, #tpu.memory_space<vmem>>, vector<128xf32>
    %broadcast_in_dim3A = vector.shape_cast %get3A_30 : vector<128xf32> to vector<1x128xf32>
    %add3A_31 = vector.broadcast %broadcast_in_dim3A : vector<1x128xf32> to vector<10000x128xf32>
    %add3A_32 = arith.addf %dot_general3A_28, %add3A_31 : vector<10000x128xf32>
    %get3A_33 = arith.constant 0 : index
    %get3A_34 = arith.constant 0 : index
    %get3A_35 = vector.load %arg6[%get3A_33, %get3A_34] : memref<256x128xf32, #tpu.memory_space<vmem>>, vector<128x128xf32>
    %get3A_36 = arith.constant 128 : index
    %get3A_37 = arith.constant 0 : index
    %get3A_38 = vector.load %arg6[%get3A_36, %get3A_37] : memref<256x128xf32, #tpu.memory_space<vmem>>, vector<128x128xf32>
    %get3A_39 = arith.constant 0 : index
    %get3A_40 = arith.constant 0 : index
    %get3A_41 = vector.load %arg0[%get3A_39, %get3A_40] : memref<10000x128xf32, #tpu.memory_space<vmem>>, vector<10000x128xf32>
    %dot_general3A_42 = arith.constant dense<0.000000e+00> : vector<10000x128xf32>
    %dot_general3A_43 = tpu.matmul %get3A_41, %get3A_35, %dot_general3A_42 {dimension_numbers = #tpu.dot_dimension_numbers<[1], [0], [0], [1], [0, 0, 1, 1], [], []>, transpose_lhs_hint = false} : vector<10000x128xf32>, vector<128x128xf32>, vector<10000x128xf32> -> vector<10000x128xf32>
    %dot_general3A_44 = arith.constant dense<0.000000e+00> : vector<10000x128xf32>
    %dot_general3A_45 = tpu.matmul %add3A_32, %get3A_38, %dot_general3A_44 {dimension_numbers = #tpu.dot_dimension_numbers<[1], [0], [0], [1], [0, 0, 1, 1], [], []>, transpose_lhs_hint = false} : vector<10000x128xf32>, vector<128x128xf32>, vector<10000x128xf32> -> vector<10000x128xf32>
    %add3A_46 = arith.addf %dot_general3A_43, %dot_general3A_45 : vector<10000x128xf32>
    %get3A_47 = arith.constant 0 : index
    %get3A_48 = vector.load %arg7[%get3A_47] : memref<128xf32, #tpu.memory_space<vmem>>, vector<128xf32>
    %broadcast_in_dim3A_49 = vector.shape_cast %get3A_48 : vector<128xf32> to vector<1x128xf32>
    %add3A_50 = vector.broadcast %broadcast_in_dim3A_49 : vector<1x128xf32> to vector<10000x128xf32>
    %add3A_51 = arith.addf %add3A_46, %add3A_50 : vector<10000x128xf32>
    %gt3A = arith.constant 0.000000e+00 : f32
    %gt3A_52 = vector.broadcast %gt3A : f32 to vector<10000x1xf32>
    %gt3A_53 = arith.cmpf ogt, %add3A, %gt3A_52 : vector<10000x1xf32>
    %convert_element_type3A = arith.extui %gt3A_53 : vector<10000x1xi1> to vector<10000x1xi32>
    %convert_element_type3A_54 = arith.sitofp %convert_element_type3A : vector<10000x1xi32> to vector<10000x1xf32>
    %mul3A_55 = vector.broadcast %convert_element_type3A_54 : vector<10000x1xf32> to vector<10000x128xf32>
    %mul3A_56 = arith.mulf %add3A_51, %mul3A_55 : vector<10000x128xf32>
    %mul3A_57 = arith.constant 5.000000e-01 : f32
    %mul3A_58 = vector.broadcast %mul3A_57 : f32 to vector<10000x128xf32>
    %mul3A_59 = arith.mulf %mul3A_58, %mul3A_56 : vector<10000x128xf32>
    %get3A_60 = arith.constant 0 : index
    %get3A_61 = arith.constant 0 : index
    %get3A_62 = vector.load %arg1[%get3A_60, %get3A_61] : memref<10000x128xf32, #tpu.memory_space<vmem>>, vector<10000x128xf32>
    %mul3A_63 = arith.constant 5.000000e-01 : f32
    %mul3A_64 = vector.broadcast %mul3A_63 : f32 to vector<10000x128xf32>
    %mul3A_65 = arith.mulf %mul3A_64, %get3A_62 : vector<10000x128xf32>
    %add3A_66 = arith.addf %mul3A_59, %mul3A_65 : vector<10000x128xf32>
    %get3A_67 = arith.constant 0 : index
    %get3A_68 = arith.constant 0 : index
    %get3A_69 = vector.load %arg8[%get3A_67, %get3A_68] : memref<128x128xf32, #tpu.memory_space<vmem>>, vector<128x128xf32>
    %dot_general3A_70 = arith.constant dense<0.000000e+00> : vector<10000x128xf32>
    %dot_general3A_71 = tpu.matmul %add3A_66, %get3A_69, %dot_general3A_70 {dimension_numbers = #tpu.dot_dimension_numbers<[1], [0], [0], [1], [0, 0, 1, 1], [], []>, transpose_lhs_hint = false} : vector<10000x128xf32>, vector<128x128xf32>, vector<10000x128xf32> -> vector<10000x128xf32>
    %get3A_72 = arith.constant 0 : index
    %get3A_73 = vector.load %arg9[%get3A_72] : memref<128xf32, #tpu.memory_space<vmem>>, vector<128xf32>
    %broadcast_in_dim3A_74 = vector.shape_cast %get3A_73 : vector<128xf32> to vector<1x128xf32>
    %add3A_75 = vector.broadcast %broadcast_in_dim3A_74 : vector<1x128xf32> to vector<10000x128xf32>
    %add3A_76 = arith.addf %dot_general3A_71, %add3A_75 : vector<10000x128xf32>
    %swap3A = arith.constant 0 : index
    %swap3A_77 = arith.constant 0 : index
    %swap3A_78 = vector.load %arg10[%swap3A, %swap3A_77] : memref<10000x128xf32, #tpu.memory_space<vmem>>, vector<10000x128xf32>
    tpu.vector_store %arg10[%swap3A, %swap3A_77], %add3A_76 {strides = array<i32>} : memref<10000x128xf32, #tpu.memory_space<vmem>>, vector<10000x128xf32>,
    return
  }
}

</mosaic_0001>

<sc_bundles>
// kernel: kernel.11.cloned.1.call-start
scs
__scs_entry_jumppad:
0x0: {  	(pc) =	sbr.rel $0x88, $3  }
0x1: {  	(tag) =	ssettag $0x0;
	lr =	simm.s32 $0x1  }
0x2: {  	[smem:$0x3F97] =	sst lr;
	_ =	strace $0xD0000000  }
0x3: {  	_ = 	snop  }
0x4: {  	_ = 	snop  }
0x5: {  	_ = 	snop  }
0x6: {  	_ = 	snop  }
0x7: {  	_ = 	snop  }
__scs_overlays_trampoline_lowered:
0x8: {  	[smem:$0x3FA6] =	sst s0  }
0x9: {  	[smem:$0x3FA7] =	sst s1  }
0xa: {  	[smem:$0x3FA8] =	sst s2  }
0xb: {  	[smem:$0x3FA9] =	sst s3  }
0xc: {  	[smem:$0x3FAA] =	sst s4  }
0xd: {  	[smem:$0x3FAB] =	sst s5  }
0xe: {  	[smem:$0x3FAC] =	sst s6  }
0xf: {  	[smem:$0x3FAD] =	sst s7  }
0x10: {  	[smem:$0x3FAE] =	sst s8  }
0x11: {  	[smem:$0x3FAF] =	sst s9;
	s0 =	simm.s32 @!p0 $0x0  }
0x12: {  	s1 =	sld [smem:$0x3F95];
	s0 =	simm.s32 @p0 $0x1  }
0x13: {  	[smem:$0x3FB0] =	sst s0;
	s0 =	simm.s32 @!p1 $0x0  }
0x14: {  	s2 =	sld [smem:$0x3F94];
	s0 =	simm.s32 @p1 $0x1  }
0x15: {  	[smem:$0x3FB1] =	sst s0;
	s0 =	simm.s32 @!p2 $0x0  }
0x16: {  	s3 =	sld [smem:$0x3FDB];
	s0 =	simm.s32 @p2 $0x1  }
0x17: {  	s4 =	simm.s32 $0x1BF5;
	[smem:$0x3FB3] =	sst s0  }
0x18: {  	s0 =	sld [smem:$0x3F96];
	_ =	swait.ge [sflag:s4], $0x0  }
0x19: {  	s7 =	sld [smem:$0x3F97]  }
0x1a: {  	s8 =	sadd.s32 $0xFFFFE003, lr  }
0x1b: {  	s9 =	sadd.s32 $0xFFFFFEF7, lr;
	s5 =	simm.s32 $0xFFFFFFFF;
	p2 =	slt.u32 s8, $0xFFFFF086  }
0x1c: {  	p1 =	slt.u32 s9, $0xF7A;
	s5 =	simm.s32 @!p2 $0x0  }
0x1d: {  	s5 =	simm.s32 @p1 $0x1;
	p0 =	seq.s32 s7, s2  }
0x1e: {  	s7 =	smul.u32 @!p0 $0xF7A, s2;
	p2 =	seq.s32 @!p0 s5, $0x0  }
0x1f: {  	s9 =	smul.u32 $0xF7A, s1;
	s8 =	simm.s32 @!p0 $0x1BF5;
	p2 =	por !p2, p0  }
0x20: {  	[sflag:s8] =	ssyncset.s32 @!p0 $0xFFFFF086;
	s6 =	sadd.s32 @!p0 s3, s7;
	s7 =	simm.s32 @!p0 $0x108  }
0x21: {  	s3 =	sadd.s32 s3, s9;
	s6 =	sadd.s32 @!p0 $0x88, s6;
	s7 =	simm.s32 @p2 $0x1082  }
0x22: {  	[simem:s7], [sflag:s8] =	dma.local @!p0 [hbm:s6], $0xF7A  }
0x23: {  	s9 =	sor.u32 $0xD0000000, s2;
	s6 =	simm.s32 $0x108;
	_ =	swait.ge @!p0 [sflag:s8], $0x0  }
0x24: {  	s3 =	sadd.s32 $0x88, s3;
	s6 =	simm.s32 @!p1 $0x1082;
	[sflag:s4] =	ssyncset.s32 $0xFFFFF086  }
0x25: {  	[simem:s6], [sflag:s4] =	dma.local [hbm:s3], $0xF7A  }
0x26: {  	[smem:$0x3F97] =	sst s1;
	(tag) =	ssettag s2;
	_ =	strace s9  }
0x27: {  	s1 =	sld [smem:$0x3FA7]  }
0x28: {  	s2 =	sld [smem:$0x3FA8]  }
0x29: {  	s4 =	sld [smem:$0x3FAA]  }
0x2a: {  	p0 =	seq.s32 s5, $0x0;
	s5 =	sld [smem:$0x3FAB]  }
0x2b: {  	s6 =	sld [smem:$0x3FAC]  }
0x2c: {  	s7 =	sld [smem:$0x3FAD]  }
0x2d: {  	s3 =	simm.s32 $0x108;
	s8 =	sld [smem:$0x3FAE]  }
0x2e: {  	s3 =	simm.s32 @!p0 $0x1082;
	s9 =	sld [smem:$0x3FAF]  }
0x2f: {  	lr =	sadd.s32 s0, s3;
	s0 =	sld [smem:$0x3FA6]  }
0x30: {  	s3 =	sld [smem:$0x3FA9]  }
0x31: {  	[smem:$0x3FB2] =	sst s10  }
0x32: {  	s10 =	sld [smem:$0x3FB0];
	_ =	sdelay $0x3  }
0x33: {  	p0 =	seq.s32 s10, $0x1;
	s10 =	sld [smem:$0x3FB2];
	_ =	sdelay $0x3  }
0x34: {  	[smem:$0x3FB2] =	sst s10  }
0x35: {  	s10 =	sld [smem:$0x3FB1];
	_ =	sdelay $0x3  }
0x36: {  	p1 =	seq.s32 s10, $0x1;
	s10 =	sld [smem:$0x3FB2];
	_ =	sdelay $0x3  }
0x37: {  	[smem:$0x3FB2] =	sst s10  }
0x38: {  	s10 =	sld [smem:$0x3FB3]  }
0x39: {  	_ = 	snop;
	(pc) =	sbr.ind lr, $3  }
0x3a: {  	_ = 	snop  }
0x3b: {  	_ = 	snop  }
0x3c: {  	p2 =	seq.s32 s10, $0x1;
	s10 =	sld [smem:$0x3FB2]  }
0x3d: {  	_ =	shalt  }
0x3e: {  	_ =	shalt  }
0x3f: {  	_ =	shalt  }
0x40: {  	_ =	shalt  }
0x41: {  	_ =	shalt  }
0x42: {  	_ =	shalt  }
0x43: {  	_ =	shalt  }
0x44: {  	_ =	shalt  }
0x45: {  	_ =	shalt  }
0x46: {  	_ =	shalt  }
0x47: {  	_ =	shalt  }
0x48: {  	_ =	shalt  }
0x49: {  	_ =	shalt  }
0x4a: {  	_ =	shalt  }
0x4b: {  	_ =	shalt  }
0x4c: {  	_ =	shalt  }
0x4d: {  	_ =	shalt  }
0x4e: {  	_ =	shalt  }
0x4f: {  	_ =	shalt  }
0x50: {  	_ =	shalt  }
0x51: {  	_ =	shalt  }
0x52: {  	_ =	shalt  }
0x53: {  	_ =	shalt  }
0x54: {  	_ =	shalt  }
0x55: {  	_ =	shalt  }
0x56: {  	_ =	shalt  }
0x57: {  	_ =	shalt  }
0x58: {  	_ =	shalt  }
0x59: {  	_ =	shalt  }
0x5a: {  	_ =	shalt  }
0x5b: {  	_ =	shalt  }
0x5c: {  	_ =	shalt  }
0x5d: {  	_ =	shalt  }
0x5e: {  	_ =	shalt  }
0x5f: {  	_ =	shalt  }
0x60: {  	_ =	shalt  }
0x61: {  	_ =	shalt  }
0x62: {  	_ =	shalt  }
0x63: {  	_ =	shalt  }
0x64: {  	_ =	shalt  }
0x65: {  	_ =	shalt  }
0x66: {  	_ =	shalt  }
0x67: {  	_ =	shalt  }
0x68: {  	_ =	shalt  }
0x69: {  	_ =	shalt  }
0x6a: {  	_ =	shalt  }
0x6b: {  	_ =	shalt  }
0x6c: {  	_ =	shalt  }
0x6d: {  	_ =	shalt  }
0x6e: {  	_ =	shalt  }
0x6f: {  	_ =	shalt  }
0x70: {  	_ =	shalt  }
0x71: {  	_ =	shalt  }
0x72: {  	_ =	shalt  }
0x73: {  	_ =	shalt  }
0x74: {  	_ =	shalt  }
0x75: {  	_ =	shalt  }
0x76: {  	_ =	shalt  }
0x77: {  	_ =	shalt  }
0x78: {  	_ =	shalt  }
0x79: {  	_ =	shalt  }
0x7a: {  	_ =	shalt  }
0x7b: {  	_ =	shalt  }
0x7c: {  	_ =	shalt  }
0x7d: {  	_ =	shalt  }
0x7e: {  	_ =	shalt  }
0x7f: {  	_ =	shalt  }
0x80: {  	_ =	shalt  }
0x81: {  	_ =	shalt  }
0x82: {  	_ =	shalt  }
0x83: {  	_ =	shalt  }
0x84: {  	_ =	shalt  }
0x85: {  	_ =	shalt  }
0x86: {  	_ =	shalt  }
0x87: {  	_ =	shalt  }
.Lfunc_end0:
.L_simem_size_0:
called_computation.1_lowered:
.L_overlay_start_0:
0x88: {  	s2 =	sld [smem:$0x3FD9]  }
0x89: {  	s3 =	sld [smem:$0x3FFE];
	_ =	sdelay $0x1  }
0x8a: {  	s1 =	srdreg.scid  }
0x8b: {  	s0 =	sand.u32 $0x1, s1  }
0x8c: {  	s17 =	sshll.u32 s0, $0xA;
	s2 =	sadd.s32 s3, s2  }
0x8d: {  	s2 =	sadd.s32 s2, s17  }
0x8e: {  	[smem:$0x3FBE] =	sst s2  }
0x8f: {  	_ = 	snop  }
0x90: {  	s18 =	sld [smem:$0x3FD0];
	(tm) =	ssettm $0x1  }
0x91: {  	s19 =	sld [smem:$0x3FFB];
	_ =	sdelay $0x3  }
0x92: {  	_ =	strace s19  }
0x93: {  	s2 =	sld [smem:$0x3FFC];
	_ =	sdelay $0x3  }
0x94: {  	_ =	strace s2  }
0x95: {  	s2 =	sld [smem:$0x3FFD];
	_ =	sdelay $0x3  }
0x96: {  	_ =	strace s2  }
0x97: {  	_ =	strace $0x8FFFFFFF  }
0x98: {  	s20 =	sld [smem:$0x3FDB];
	_ =	sdelay $0x1  }
0x99: {  	s4 =	simm.s32 $_scs_section_size  }
0x9a: {  	s5 =	simm.s32 $_size__tile_overlayer_lowered;
	s6 =	simm.s32 $_tile_overlayer_lowered  }
0x9b: {  	s7 =	simm.s32 $0x1BFF;
	s21 =	sshll.u32 s6, $0x1;
	s4 =	sadd.s32 s4, s20  }
0x9c: {  	s22 =	simm.s32 $0x0;
	s5 =	sshll.u32 s5, $0x1;
	s6 =	sadd.s32 s21, s4  }
0x9d: {  	[timem:s22], [sflag:s7] =	dma.local [hbm:s6], s5  }
0x9e: {  	_ =	swait.ge [sflag:s7], s5  }
0x9f: {  	s5 =	ssub.s32 $0x0, s5;
	[sflag:s7] =	ssyncset.done $0x0  }
0xa0: {  	[sflag:s7] =	ssyncadd.s32 s5;
	_ =	sdelay $0x1  }
0xa1: {  	s23 =	simm.s32 $0x1B8B  }
0xa2: {  	_ =	swait.ge [sflag:s23], $0x1  }
0xa3: {  	[sflag:s23] =	ssyncset.done $0x0  }
0xa4: {  	[sflag:s23] =	ssyncadd.s32 $0xFFFFFFFF  }
0xa5: {  	s5 =	sld [smem:$0x0]  }
0xa6: {  	s6 =	sand.u32 $0xFFFFFFFE, s1  }
0xa7: {  	p0 =	sne.s32 s1, s6  }
0xa8: {  	s6 =	sshll.u32 @p0 s6, $0xE  }
0xa9: {  	s6 =	sadd.s32 @p0 $0x11B8D, s6;
	s7 =	sshll.u32 @p0 s5, $0x11  }
0xaa: {  	s6 =	sor.u32 @p0 s7, s6  }
0xab: {  	[sflag:s6] =	ssyncadd.remote.s32 @p0 $0x1;
	_ =	sdelay $0x1  }
0xac: {  	s6 =	simm.s32 @p0 $0x1B8D  }
0xad: {  	_ =	swait.eq @p0 [sflag:s6], $0x1  }
0xae: {  	[sflag:s6] =	ssyncadd.s32 @p0 $0xFFFFFFFF  }
0xaf: {  	s7 =	sshll.u32 @!p0 s1, $0xE  }
0xb0: {  	s7 =	sor.u32 @!p0 $0x4000, s7;
	s6 =	simm.s32 @!p0 $0x1B8D  }
0xb1: {  	s5 =	sshll.u32 @!p0 s5, $0x11;
	s7 =	sadd.s32 @!p0 $0x11B8D, s7;
	_ =	swait.eq @!p0 [sflag:s6], $0x1  }
0xb2: {  	s5 =	sor.u32 @!p0 s5, s7;
	[sflag:s6] =	ssyncadd.s32 @!p0 $0xFFFFFFFF  }
0xb3: {  	s25 =	simm.s32 $0x1B8E;
	s24 =	sld [smem:$0x3FFE];
	[sflag:s5] =	ssyncadd.remote.s32 @!p0 $0x1  }
0xb4: {  	s26 =	simm.s32 $execute0_lowered;
	[smem:$0x3FD2] =	sst s25  }
0xb5: {  	s6 =	sshll.u32 s26, $0x1;
	_ =	strace $0x8000004C;
	[dreg:$0x1] =	wrdreg $0xFFFFFFFF  }
0xb6: {  	s28 =	simm.s32 $_size_execute0_lowered;
	s4 =	sadd.s32 s4, s6;
	[dreg:$0x0] =	wrdreg $0x0  }
0xb7: {  	s6 =	sshll.u32 s28, $0x1;
	[dreg:$0x2] =	wrdreg s4  }
0xb8: {  	[dreg:$0x3] =	wrdreg s6  }
0xb9: {  	[dreg:$0x4] =	wrdreg $0xC0  }
0xba: {  	_ =	task [dreg:s22], $0x5FFFF  }
0xbb: {  	[dreg:$0x1] =	wrdreg $0xFFFFFFFF  }
0xbc: {  	[dreg:$0x0] =	wrdreg $0x60  }
0xbd: {  	[dreg:$0x2] =	wrdreg s18  }
0xbe: {  	[dreg:$0x3] =	wrdreg s24  }
0xbf: {  	[dreg:$0x4] =	wrdreg $0x68000  }
0xc0: {  	[dreg:$0x5] =	wrdreg $0x9  }
0xc1: {  	_ =	task.clear_ibuf [dreg:s22], $0x6FFFF;
	_ =	strace $0x9000004C  }
0xc2: {  	s29 =	simm.s32 $0x9;
	_ =	strace $0x8000004E  }
0xc3: {  	_ =	swait.ge [sflag:s29], $0x1  }
0xc4: {  	[sflag:s29] =	ssyncadd.s32 $0xFFFFFFFF  }
0xc5: {  	_ =	strace $0x9000004E  }
0xc6: {  	_ =	sfence  }
0xc7: {  	s30 =	sld [smem:$0x0];
	_ =	sdelay $0x2  }
0xc8: {  	s31 =	sshll.u32 s1, $0xD;
	s1 =	sshrl.u32 s1, $0x2  }
0xc9: {  	s4 =	sand.u32 $0x4000, s31;
	s1 =	sadd.s32 s1, s30  }
0xca: {  	s0 =	sor.u32 s4, s0;
	s1 =	sshll.u32 s1, $0x11  }
0xcb: {  	s0 =	sor.u32 s1, s0  }
0xcc: {  	s0 =	sadd.s32 $0x8F2B, s0  }
0xcd: {  	[sflag:s0] =	ssyncadd.remote.s32 $0x1  }
0xce: {  	_ =	sfence.sel $0xFFFF  }
0xcf: {  	[dreg:$0x0] =	wrdreg $0xFFFFFFFF;
	(pc) =	sbr.abs _section_cstart, $3  }
0xd0: {  	[dreg:$0x1] =	wrdreg $0xFFFFFFFF  }
0xd1: {  	_ =	task.clear_ibuf [dreg:s22], $0x2FFFF;
	_ =	strace $0x9FFFFFFF  }
0xd2: {  	(tm) =	ssettm $0x7FFFFFFF  }
0xd3: {  	_ =	shalt  }
tec
execute0_lowered:
.L_overlay_start_1:
0x0: {  	(tag) =	ssettag $0x1  }
0x1: {  	s9 =	rddreg [dreg:$0x0]  }
0x2: {  	s4 =	rddreg [dreg:$0x1]  }
0x3: {  	s2 =	rddreg [dreg:$0x2]  }
0x4: {  	s0 =	srdreg.scid;
	s1 =	rddreg [dreg:$0x3];
	s3 =	simm.s32 $0x0  }
0x5: {  	s13 =	simm.s32 $0x2;
	s14 =	simm.s32 $0x80;
	s5 =	sand.u32 $0x1, s0  }
0x6: {  	s15 =	simm.s32 $0x1;
	s0 =	stileid.u32;
	s6 =	smul.u32 $0x13C000, s5  }
0x7: {  	s18 =	simm.s32 $0x0;
	[smem:$0x7FF] =	sst s3;
	s7 =	smul.u32 $0x13C00, s0  }
0x8: {  	_ =	strace $0x8000004D;
	s29 =	smul.u32 $0x4F000, s0;
	s30 =	ssub.s32 $0x2, s5  }
0x9: {  	s5 =	sshll.u32 s5, $0x4;
	s16 =	sshll.u32 s0, $0x6;
	s31 =	sshrl.u32 s30, $0x1  }
0xa: {  	s5 =	sor.u32 s0, s5;
	s16 =	sor.u32 $0x1C02, s16;
	s6 =	sadd.s32 s7, s6  }
0xb: {  	s11 =	ssub.s32 s30, s31;
	s12 =	smul.u32 $0x500, s5;
	s6 =	sshrl.u32 s6, $0x3  }
0xc: {  	s7 =	sshrl.u32 s29, $0x2;
	s11 =	smax.u32 s11, $0x1;
	s10 =	sadd.s32 s6, s4  }
0xd: {  	s4 =	sadd.s32 s7, s2;
	s9 =	sadd.s32 s9, s12;
	s12 =	simm.s32 $0x2800  }
0xe: {  	s5 =	sadd.s32 $0x4000, s4;
	s6 =	sadd.s32 $0x8000, s4;
	s7 =	sadd.s32 $0xC000, s4  }
0xf: {  	v0 =	vimm.f32 $0.0e+00;
	v1 =	vimm.f32 $1.000000000e+00;
	s8 =	sadd.s32 $0x10000, s4;
	s10 =	sadd.s32 $0xA7400, s10;
	s17 =	sshrl.u32 s4, $0x3  }
.LBB2_1:
0x10: {  	s19 =	simm.s32 $0x0;
	s20 =	simm.s32 $0x200  }
.LBB2_2:
0x11: {  	p0 =	sne.s32 s20, $0xFE00;
	[tilespmem:s19+$0x2870] =	vst v0  }
0x12: {  	[tilespmem:s19+$0x2800] =	vst v0  }
0x13: {  	[tilespmem:s19+$0x2810] =	vst v0  }
.Ltmp0:
0x14: {  	[tilespmem:s19+$0x2820] =	vst v0;
	(pc) =	sbr.rel @p0 .LBB2_2-.Ltmp0, $4  }
0x15: {  	[tilespmem:s19+$0x2830] =	vst v0  }
0x16: {  	[tilespmem:s19+$0x2840] =	vst v0  }
0x17: {  	[tilespmem:s19+$0x2850] =	vst v0  }
0x18: {  	[tilespmem:s19+$0x2860] =	vst v0;
	s19 =	sshra.s32 s20, $0x2;
	s20 =	sadd.s32 $0x200, s20  }
0x19: {  	[tilespmem:s19+$0x2870] =	vst v0  }
0x1a: {  	[tilespmem:s19+$0x2800] =	vst v0  }
0x1b: {  	[tilespmem:s19+$0x2810] =	vst v0  }
0x1c: {  	[tilespmem:s19+$0x2820] =	vst v0  }
0x1d: {  	[tilespmem:s19+$0x2830] =	vst v0  }
0x1e: {  	[tilespmem:s19+$0x2840] =	vst v0  }
0x1f: {  	[tilespmem:s19+$0x2850] =	vst v0  }
0x20: {  	[tilespmem:s19+$0x2860] =	vst v0  }
0x21: {  	[spmem:s4] =	stream.linear.scatter [tilespmem:s12], [sflag:$0x2], $0x4000, $0x38;
	[tilespmem:$0x1A400] =	vst v63  }
0x22: {  	_ =	swait.ge [sflag:s13], $0x4000  }
0x23: {  	[sflag:s13] =	ssyncset.done $0x0  }
0x24: {  	[sflag:s13] =	ssyncadd.s32 $0xFFFFC000  }
0x25: {  	[spmem:s5] =	stream.linear.scatter [tilespmem:s12], [sflag:$0x2], $0x4000, $0x38;
	[tilespmem:$0x1A400] =	vst v63  }
0x26: {  	_ =	swait.ge [sflag:s13], $0x4000  }
0x27: {  	[sflag:s13] =	ssyncset.done $0x0  }
0x28: {  	[sflag:s13] =	ssyncadd.s32 $0xFFFFC000  }
0x29: {  	[spmem:s6] =	stream.linear.scatter [tilespmem:s12], [sflag:$0x2], $0x4000, $0x38;
	[tilespmem:$0x1A400] =	vst v63  }
0x2a: {  	_ =	swait.ge [sflag:s13], $0x4000  }
0x2b: {  	[sflag:s13] =	ssyncset.done $0x0  }
0x2c: {  	[sflag:s13] =	ssyncadd.s32 $0xFFFFC000  }
0x2d: {  	[spmem:s7] =	stream.linear.scatter [tilespmem:s12], [sflag:$0x2], $0x4000, $0x38;
	[tilespmem:$0x1A400] =	vst v63  }
0x2e: {  	_ =	swait.ge [sflag:s13], $0x4000  }
0x2f: {  	[sflag:s13] =	ssyncset.done $0x0  }
0x30: {  	[sflag:s13] =	ssyncadd.s32 $0xFFFFC000  }
0x31: {  	[spmem:s8] =	stream.linear.scatter [tilespmem:s12], [sflag:$0x2], $0x3C00, $0x38;
	[tilespmem:$0x1A400] =	vst v63  }
0x32: {  	_ =	swait.ge [sflag:s13], $0x3C00  }
0x33: {  	[sflag:s13] =	ssyncset.done $0x0  }
0x34: {  	s19 =	simm.s32 $0x0;
	s20 =	simm.s32 $0x200;
	[sflag:s13] =	ssyncadd.s32 $0xFFFFC400  }
.LBB2_4:
0x35: {  	p0 =	sne.s32 s20, $0xFE00;
	[tilespmem:s19+$0x2870] =	vst v1  }
0x36: {  	[tilespmem:s19+$0x2800] =	vst v1  }
0x37: {  	[tilespmem:s19+$0x2810] =	vst v1  }
.Ltmp1:
0x38: {  	[tilespmem:s19+$0x2820] =	vst v1;
	(pc) =	sbr.rel @p0 .LBB2_4-.Ltmp1, $4  }
0x39: {  	[tilespmem:s19+$0x2830] =	vst v1  }
0x3a: {  	[tilespmem:s19+$0x2840] =	vst v1  }
0x3b: {  	[tilespmem:s19+$0x2850] =	vst v1  }
0x3c: {  	[tilespmem:s19+$0x2860] =	vst v1;
	s19 =	sshra.s32 s20, $0x2;
	s20 =	sadd.s32 $0x200, s20  }
0x3d: {  	[tilespmem:s19+$0x2870] =	vst v1  }
0x3e: {  	[tilespmem:s19+$0x2800] =	vst v1  }
0x3f: {  	[tilespmem:s19+$0x2810] =	vst v1  }
0x40: {  	[tilespmem:s19+$0x2820] =	vst v1  }
0x41: {  	[tilespmem:s19+$0x2830] =	vst v1  }
0x42: {  	[tilespmem:s19+$0x2840] =	vst v1  }
0x43: {  	[tilespmem:s19+$0x2850] =	vst v1  }
0x44: {  	[tilespmem:s19+$0x2860] =	vst v1  }
0x45: {  	[tilespmem:s3], [sflag:$0x2] =	stream.linear.gather [hbm4b:s9+s3], $0x2800, $0x38;
	[tilespmem:$0x1A400] =	vst v63  }
0x46: {  	_ =	swait.ge [sflag:s13], $0x2800  }
0x47: {  	[sflag:s13] =	ssyncset.done $0x0  }
0x48: {  	[sflag:s13] =	ssyncadd.s32 $0xFFFFD800  }
0x49: {  	[bflag:$0x0] =	sbarrier.arrive $0xFFFF  }
0x4a: {  	[spmem:s2] =	stream.indirect.scatter.add.f32 [tilespmem:s12], [sflag:$0x1], $0x80, s3, s14, $0xb8;
	[tilespmem:$0x1A400] =	vst v63  }
0x4b: {  	s31 =	simm.s32 $0x80  }
0x4c: {  	[spmem:s2] =	stream.indirect.scatter.add.f32 [tilespmem:s12], [sflag:$0x1], $0x80, s31, s14, $0xb8;
	[tilespmem:$0x1A400] =	vst v63  }
0x4d: {  	_ =	swait.ge [sflag:s15], $0x4000  }
0x4e: {  	s19 =	simm.s32 $0x400;
	[sflag:s15] =	ssyncset.done $0x0  }
.LBB2_6:
0x4f: {  	s20 =	sshra.s32 s19, $0x2;
	[sflag:s15] =	ssyncadd.s32 $0xFFFFC000;
	p0 =	sne.s32 s19, $0x9E00  }
0x50: {  	[spmem:s2] =	stream.indirect.scatter.add.f32 [tilespmem:s12], [sflag:$0x1], $0x80, s20, s14, $0xb8;
	[tilespmem:$0x1A400] =	vst v63  }
.Ltmp2:
0x51: {  	_ = 	snop;
	(pc) =	sbr.rel @p0 .LBB2_6-.Ltmp2, $4  }
0x52: {  	_ = 	snop  }
0x53: {  	s19 =	sadd.s32 $0x200, s19  }
0x54: {  	_ =	swait.ge [sflag:s15], $0x4000  }
0x55: {  	[sflag:s15] =	ssyncset.done $0x0  }
0x56: {  	[sflag:s15] =	ssyncadd.s32 $0xFFFFC000  }
0x57: {  	_ =	swait.ge [sflag:s15], $0x4000  }
0x58: {  	s18 =	sadd.s32 $0x1, s18;
	[sflag:s15] =	ssyncset.done $0x0  }
0x59: {  	p0 =	sne.s32 s18, s11;
	[sflag:s15] =	ssyncadd.s32 $0xFFFFC000  }
.Ltmp3:
0x5a: {  	[bflag:$0x0] =	sbarrier.arrive $0xFFFF;
	(pc) =	sbr.rel @p0 .LBB2_1-.Ltmp3, $4  }
0x5b: {  	[hbm:s10], [sflag:s16] =	dma.local [spmem:s17], $0x2780  }
0x5c: {  	_ =	swait.ge [sflag:s13], $0x2780  }
0x5d: {  	[sflag:s13] =	ssyncset.done $0x0  }
0x5e: {  	[sflag:s13] =	ssyncadd.s32 $0xFFFFD880  }
0x5f: {  	_ =	sfence.sel $0x180000  }
0x60: {  	[bflag:$0x0] =	sbarrier.arrive $0xFFFF  }
0x61: {  	p0 =	sne.s32 s0, $0x0;
	_ =	strace $0x9000004D  }
0x62: {  	s0 =	sadd.s32 @!p0 $0x100000, s1;
	[bflag:$0x2] =	sbarrier.arrive $0xFFFF  }
0x63: {  	[sflag:s0] =	ssyncadd.tile.s32 @!p0 $0x1;
	_ =	shalt  }
.Lfunc_end2:
_tile_overlayer_lowered:
.L_overlay_start_2:
0x64: {  	(tag) =	ssettag $0x2  }
0x65: {  	s0 =	rddreg [dreg:$0x0];
	s2 =	stileid.u32  }
0x66: {  	s1 =	rddreg [dreg:$0x1];
	p0 =	sne.s32 s2, $0x0  }
0x67: {  	s3 =	rddreg [dreg:$0x2];
	[bflag:$0x3] =	sbarrier.arrive $0xFFFF;
	s2 =	simm.s32 @!p0 $0x1C02  }
0x68: {  	[timem:s3], [sflag:s2] =	dma.local @!p0 [hbm:s0], s1  }
0x69: {  	s0 =	simm.s32 @!p0 $0x2  }
0x6a: {  	_ =	swait.ge @!p0 [sflag:s0], s1  }
0x6b: {  	s1 =	ssub.s32 @!p0 $0x0, s1;
	[sflag:s0] =	ssyncset.done @!p0 $0x0  }
0x6c: {  	[sflag:s0] =	ssyncadd.s32 @!p0 s1  }
0x6d: {  	[bflag:$0x3] =	sbarrier.arrive $0xFFFF  }
0x6e: {  	_ =	shalt  }

// kernel: kernel.14.cloned.1.call-start
scs
__scs_entry_jumppad:
0x0: {  	(pc) =	sbr.rel $0x88, $3  }
0x1: {  	(tag) =	ssettag $0x0;
	lr =	simm.s32 $0x1  }
0x2: {  	[smem:$0x3F97] =	sst lr;
	_ =	strace $0xD0000000  }
0x3: {  	_ = 	snop  }
0x4: {  	_ = 	snop  }
0x5: {  	_ = 	snop  }
0x6: {  	_ = 	snop  }
0x7: {  	_ = 	snop  }
__scs_overlays_trampoline_lowered:
0x8: {  	[smem:$0x3FA6] =	sst s0  }
0x9: {  	[smem:$0x3FA7] =	sst s1  }
0xa: {  	[smem:$0x3FA8] =	sst s2  }
0xb: {  	[smem:$0x3FA9] =	sst s3  }
0xc: {  	[smem:$0x3FAA] =	sst s4  }
0xd: {  	[smem:$0x3FAB] =	sst s5  }
0xe: {  	[smem:$0x3FAC] =	sst s6  }
0xf: {  	[smem:$0x3FAD] =	sst s7  }
0x10: {  	[smem:$0x3FAE] =	sst s8  }
0x11: {  	[smem:$0x3FAF] =	sst s9;
	s0 =	simm.s32 @!p0 $0x0  }
0x12: {  	s1 =	sld [smem:$0x3F95];
	s0 =	simm.s32 @p0 $0x1  }
0x13: {  	[smem:$0x3FB0] =	sst s0;
	s0 =	simm.s32 @!p1 $0x0  }
0x14: {  	s2 =	sld [smem:$0x3F94];
	s0 =	simm.s32 @p1 $0x1  }
0x15: {  	[smem:$0x3FB1] =	sst s0;
	s0 =	simm.s32 @!p2 $0x0  }
0x16: {  	s3 =	sld [smem:$0x3FDB];
	s0 =	simm.s32 @p2 $0x1  }
0x17: {  	s4 =	simm.s32 $0x1BF5;
	[smem:$0x3FB3] =	sst s0  }
0x18: {  	s0 =	sld [smem:$0x3F96];
	_ =	swait.ge [sflag:s4], $0x0  }
0x19: {  	s7 =	sld [smem:$0x3F97]  }
0x1a: {  	s8 =	sadd.s32 $0xFFFFE003, lr  }
0x1b: {  	s9 =	sadd.s32 $0xFFFFFEF7, lr;
	s5 =	simm.s32 $0xFFFFFFFF;
	p2 =	slt.u32 s8, $0xFFFFF086  }
0x1c: {  	p1 =	slt.u32 s9, $0xF7A;
	s5 =	simm.s32 @!p2 $0x0  }
0x1d: {  	s5 =	simm.s32 @p1 $0x1;
	p0 =	seq.s32 s7, s2  }
0x1e: {  	s7 =	smul.u32 @!p0 $0xF7A, s2;
	p2 =	seq.s32 @!p0 s5, $0x0  }
0x1f: {  	s9 =	smul.u32 $0xF7A, s1;
	s8 =	simm.s32 @!p0 $0x1BF5;
	p2 =	por !p2, p0  }
0x20: {  	[sflag:s8] =	ssyncset.s32 @!p0 $0xFFFFF086;
	s6 =	sadd.s32 @!p0 s3, s7;
	s7 =	simm.s32 @!p0 $0x108  }
0x21: {  	s3 =	sadd.s32 s3, s9;
	s6 =	sadd.s32 @!p0 $0x88, s6;
	s7 =	simm.s32 @p2 $0x1082  }
0x22: {  	[simem:s7], [sflag:s8] =	dma.local @!p0 [hbm:s6], $0xF7A  }
0x23: {  	s9 =	sor.u32 $0xD0000000, s2;
	s6 =	simm.s32 $0x108;
	_ =	swait.ge @!p0 [sflag:s8], $0x0  }
0x24: {  	s3 =	sadd.s32 $0x88, s3;
	s6 =	simm.s32 @!p1 $0x1082;
	[sflag:s4] =	ssyncset.s32 $0xFFFFF086  }
0x25: {  	[simem:s6], [sflag:s4] =	dma.local [hbm:s3], $0xF7A  }
0x26: {  	[smem:$0x3F97] =	sst s1;
	(tag) =	ssettag s2;
	_ =	strace s9  }
0x27: {  	s1 =	sld [smem:$0x3FA7]  }
0x28: {  	s2 =	sld [smem:$0x3FA8]  }
0x29: {  	s4 =	sld [smem:$0x3FAA]  }
0x2a: {  	p0 =	seq.s32 s5, $0x0;
	s5 =	sld [smem:$0x3FAB]  }
0x2b: {  	s6 =	sld [smem:$0x3FAC]  }
0x2c: {  	s7 =	sld [smem:$0x3FAD]  }
0x2d: {  	s3 =	simm.s32 $0x108;
	s8 =	sld [smem:$0x3FAE]  }
0x2e: {  	s3 =	simm.s32 @!p0 $0x1082;
	s9 =	sld [smem:$0x3FAF]  }
0x2f: {  	lr =	sadd.s32 s0, s3;
	s0 =	sld [smem:$0x3FA6]  }
0x30: {  	s3 =	sld [smem:$0x3FA9]  }
0x31: {  	[smem:$0x3FB2] =	sst s10  }
0x32: {  	s10 =	sld [smem:$0x3FB0];
	_ =	sdelay $0x3  }
0x33: {  	p0 =	seq.s32 s10, $0x1;
	s10 =	sld [smem:$0x3FB2];
	_ =	sdelay $0x3  }
0x34: {  	[smem:$0x3FB2] =	sst s10  }
0x35: {  	s10 =	sld [smem:$0x3FB1];
	_ =	sdelay $0x3  }
0x36: {  	p1 =	seq.s32 s10, $0x1;
	s10 =	sld [smem:$0x3FB2];
	_ =	sdelay $0x3  }
0x37: {  	[smem:$0x3FB2] =	sst s10  }
0x38: {  	s10 =	sld [smem:$0x3FB3]  }
0x39: {  	_ = 	snop;
	(pc) =	sbr.ind lr, $3  }
0x3a: {  	_ = 	snop  }
0x3b: {  	_ = 	snop  }
0x3c: {  	p2 =	seq.s32 s10, $0x1;
	s10 =	sld [smem:$0x3FB2]  }
0x3d: {  	_ =	shalt  }
0x3e: {  	_ =	shalt  }
0x3f: {  	_ =	shalt  }
0x40: {  	_ =	shalt  }
0x41: {  	_ =	shalt  }
0x42: {  	_ =	shalt  }
0x43: {  	_ =	shalt  }
0x44: {  	_ =	shalt  }
0x45: {  	_ =	shalt  }
0x46: {  	_ =	shalt  }
0x47: {  	_ =	shalt  }
0x48: {  	_ =	shalt  }
0x49: {  	_ =	shalt  }
0x4a: {  	_ =	shalt  }
0x4b: {  	_ =	shalt  }
0x4c: {  	_ =	shalt  }
0x4d: {  	_ =	shalt  }
0x4e: {  	_ =	shalt  }
0x4f: {  	_ =	shalt  }
0x50: {  	_ =	shalt  }
0x51: {  	_ =	shalt  }
0x52: {  	_ =	shalt  }
0x53: {  	_ =	shalt  }
0x54: {  	_ =	shalt  }
0x55: {  	_ =	shalt  }
0x56: {  	_ =	shalt  }
0x57: {  	_ =	shalt  }
0x58: {  	_ =	shalt  }
0x59: {  	_ =	shalt  }
0x5a: {  	_ =	shalt  }
0x5b: {  	_ =	shalt  }
0x5c: {  	_ =	shalt  }
0x5d: {  	_ =	shalt  }
0x5e: {  	_ =	shalt  }
0x5f: {  	_ =	shalt  }
0x60: {  	_ =	shalt  }
0x61: {  	_ =	shalt  }
0x62: {  	_ =	shalt  }
0x63: {  	_ =	shalt  }
0x64: {  	_ =	shalt  }
0x65: {  	_ =	shalt  }
0x66: {  	_ =	shalt  }
0x67: {  	_ =	shalt  }
0x68: {  	_ =	shalt  }
0x69: {  	_ =	shalt  }
0x6a: {  	_ =	shalt  }
0x6b: {  	_ =	shalt  }
0x6c: {  	_ =	shalt  }
0x6d: {  	_ =	shalt  }
0x6e: {  	_ =	shalt  }
0x6f: {  	_ =	shalt  }
0x70: {  	_ =	shalt  }
0x71: {  	_ =	shalt  }
0x72: {  	_ =	shalt  }
0x73: {  	_ =	shalt  }
0x74: {  	_ =	shalt  }
0x75: {  	_ =	shalt  }
0x76: {  	_ =	shalt  }
0x77: {  	_ =	shalt  }
0x78: {  	_ =	shalt  }
0x79: {  	_ =	shalt  }
0x7a: {  	_ =	shalt  }
0x7b: {  	_ =	shalt  }
0x7c: {  	_ =	shalt  }
0x7d: {  	_ =	shalt  }
0x7e: {  	_ =	shalt  }
0x7f: {  	_ =	shalt  }
0x80: {  	_ =	shalt  }
0x81: {  	_ =	shalt  }
0x82: {  	_ =	shalt  }
0x83: {  	_ =	shalt  }
0x84: {  	_ =	shalt  }
0x85: {  	_ =	shalt  }
0x86: {  	_ =	shalt  }
0x87: {  	_ =	shalt  }
.Lfunc_end0:
.L_simem_size_0:
called_computation.2_lowered:
.L_overlay_start_0:
0x88: {  	s2 =	sld [smem:$0x3FD9]  }
0x89: {  	s3 =	sld [smem:$0x3FFE];
	_ =	sdelay $0x1  }
0x8a: {  	s1 =	srdreg.scid  }
0x8b: {  	s0 =	sand.u32 $0x1, s1  }
0x8c: {  	s16 =	sshll.u32 s0, $0xA;
	s2 =	sadd.s32 s3, s2  }
0x8d: {  	s2 =	sadd.s32 s2, s16  }
0x8e: {  	[smem:$0x3FBE] =	sst s2  }
0x8f: {  	_ = 	snop  }
0x90: {  	(tm) =	ssettm $0x1  }
0x91: {  	s17 =	sld [smem:$0x3FFB];
	_ =	sdelay $0x3  }
0x92: {  	_ =	strace s17  }
0x93: {  	s2 =	sld [smem:$0x3FFC];
	_ =	sdelay $0x3  }
0x94: {  	_ =	strace s2  }
0x95: {  	s2 =	sld [smem:$0x3FFD];
	_ =	sdelay $0x3  }
0x96: {  	_ =	strace s2  }
0x97: {  	_ =	strace $0x8FFFFFFF  }
0x98: {  	s18 =	sld [smem:$0x3FDB];
	_ =	sdelay $0x1  }
0x99: {  	s19 =	simm.s32 $_scs_section_size  }
0x9a: {  	s4 =	simm.s32 $_size__tile_overlayer_lowered;
	s5 =	simm.s32 $_tile_overlayer_lowered  }
0x9b: {  	s22 =	simm.s32 $0x1BFF;
	s21 =	sshll.u32 s5, $0x1;
	s2 =	sadd.s32 s19, s18  }
0x9c: {  	s6 =	simm.s32 $0x0;
	s20 =	sshll.u32 s4, $0x1;
	s4 =	sadd.s32 s21, s2  }
0x9d: {  	[timem:s6], [sflag:s22] =	dma.local [hbm:s4], s20  }
0x9e: {  	_ =	swait.ge [sflag:s22], s20  }
0x9f: {  	s3 =	ssub.s32 $0x0, s20;
	[sflag:s22] =	ssyncset.done $0x0  }
0xa0: {  	[sflag:s22] =	ssyncadd.s32 s3;
	_ =	sdelay $0x1  }
0xa1: {  	s23 =	simm.s32 $0x1B8B  }
0xa2: {  	_ =	swait.ge [sflag:s23], $0x1  }
0xa3: {  	[sflag:s23] =	ssyncset.done $0x0  }
0xa4: {  	s25 =	simm.s32 $0x1B8E;
	s24 =	sld [smem:$0x3FFE];
	[sflag:s23] =	ssyncadd.s32 $0xFFFFFFFF  }
0xa5: {  	s26 =	simm.s32 $execute0_lowered;
	[smem:$0x3FD2] =	sst s25  }
0xa6: {  	s4 =	sshll.u32 s26, $0x1;
	_ =	strace $0x80000046;
	[dreg:$0x1] =	wrdreg $0xFFFFFFFF  }
0xa7: {  	s28 =	simm.s32 $_size_execute0_lowered;
	s2 =	sadd.s32 s2, s4;
	[dreg:$0x0] =	wrdreg $0x0  }
0xa8: {  	s4 =	sshll.u32 s28, $0x1;
	[dreg:$0x2] =	wrdreg s2  }
0xa9: {  	[dreg:$0x3] =	wrdreg s4  }
0xaa: {  	[dreg:$0x4] =	wrdreg $0xC0  }
0xab: {  	_ =	task [dreg:s6], $0x5FFFF  }
0xac: {  	[dreg:$0x1] =	wrdreg $0xFFFFFFFF  }
0xad: {  	[dreg:$0x0] =	wrdreg $0x60  }
0xae: {  	[dreg:$0x2] =	wrdreg s24  }
0xaf: {  	[dreg:$0x3] =	wrdreg $0x68000  }
0xb0: {  	[dreg:$0x4] =	wrdreg $0xB  }
0xb1: {  	_ =	task.clear_ibuf [dreg:s6], $0x5FFFF;
	_ =	strace $0x90000046  }
0xb2: {  	s29 =	simm.s32 $0xB;
	_ =	strace $0x80000048  }
0xb3: {  	_ =	swait.ge [sflag:s29], $0x1  }
0xb4: {  	[sflag:s29] =	ssyncadd.s32 $0xFFFFFFFF  }
0xb5: {  	_ =	strace $0x90000048  }
0xb6: {  	_ =	sfence  }
0xb7: {  	s30 =	sld [smem:$0x0];
	_ =	sdelay $0x2  }
0xb8: {  	s31 =	sshll.u32 s1, $0xD;
	s1 =	sshrl.u32 s1, $0x2  }
0xb9: {  	s3 =	sand.u32 $0x4000, s31;
	s1 =	sadd.s32 s1, s30  }
0xba: {  	s0 =	sor.u32 s3, s0;
	s1 =	sshll.u32 s1, $0x11  }
0xbb: {  	s0 =	sor.u32 s1, s0  }
0xbc: {  	s0 =	sadd.s32 $0x8F2B, s0  }
0xbd: {  	[sflag:s0] =	ssyncadd.remote.s32 $0x1  }
0xbe: {  	_ =	sfence.sel $0xFFFF  }
0xbf: {  	[dreg:$0x0] =	wrdreg $0xFFFFFFFF;
	(pc) =	sbr.abs _section_cstart, $3  }
0xc0: {  	[dreg:$0x1] =	wrdreg $0xFFFFFFFF  }
0xc1: {  	_ =	task.clear_ibuf [dreg:s6], $0x2FFFF;
	_ =	strace $0x9FFFFFFF  }
0xc2: {  	(tm) =	ssettm $0x7FFFFFFF  }
0xc3: {  	_ =	shalt  }
tec
execute0_lowered:
.L_overlay_start_1:
0x0: {  	(tag) =	ssettag $0x1  }
0x1: {  	s5 =	rddreg [dreg:$0x0]  }
0x2: {  	s0 =	srdreg.scid;
	s2 =	rddreg [dreg:$0x1];
	s3 =	simm.s32 $0x0  }
0x3: {  	s12 =	simm.s32 $0x80;
	s13 =	simm.s32 $0x1;
	s4 =	sand.u32 $0x1, s0  }
0x4: {  	s16 =	simm.s32 $0x0;
	s0 =	stileid.u32;
	s7 =	smul.u32 $0xA0000, s4  }
0x5: {  	[smem:$0x7FF] =	sst s3;
	s1 =	sshll.u32 s4, $0x4;
	s8 =	smul.u32 $0xA000, s0  }
0x6: {  	s9 =	smul.u32 $0x28000, s0;
	s28 =	ssub.s32 $0x2, s4;
	s14 =	sshll.u32 s0, $0x6  }
0x7: {  	s1 =	sor.u32 s0, s1;
	s30 =	sshrl.u32 s28, $0x1;
	s14 =	sor.u32 $0x1C02, s14  }
0x8: {  	s6 =	smul.u32 $0x500, s1;
	s1 =	rddreg [dreg:$0x2];
	_ =	strace $0x80000047  }
0x9: {  	s26 =	sadd.s32 s8, s7;
	s29 =	sshrl.u32 s9, $0x2;
	s11 =	ssub.s32 s28, s30  }
0xa: {  	s4 =	sadd.s32 s29, s2;
	s9 =	smax.u32 s11, $0x1;
	s11 =	simm.s32 $0x2  }
0xb: {  	s10 =	sadd.s32 s6, s5;
	s6 =	sshrl.u32 s26, $0x3;
	s15 =	sshrl.u32 s4, $0x3  }
0xc: {  	s31 =	sadd.s32 s6, s5;
	s5 =	sadd.s32 $0x4000, s4;
	s6 =	sadd.s32 $0x8000, s4  }
0xd: {  	v0 =	vimm.f32 $0.0e+00;
	v1 =	vimm.f32 $1.000000000e+00;
	s7 =	sadd.s32 $0xD400, s10;
	s10 =	simm.s32 $0x2800;
	s8 =	sadd.s32 $0x17400, s31  }
.LBB2_1:
0xe: {  	s17 =	simm.s32 $0x0;
	s18 =	simm.s32 $0x200  }
.LBB2_2:
0xf: {  	p0 =	sne.s32 s18, $0xFE00;
	[tilespmem:s17+$0x2870] =	vst v0  }
0x10: {  	[tilespmem:s17+$0x2800] =	vst v0  }
0x11: {  	[tilespmem:s17+$0x2810] =	vst v0  }
.Ltmp0:
0x12: {  	[tilespmem:s17+$0x2820] =	vst v0;
	(pc) =	sbr.rel @p0 .LBB2_2-.Ltmp0, $4  }
0x13: {  	[tilespmem:s17+$0x2830] =	vst v0  }
0x14: {  	[tilespmem:s17+$0x2840] =	vst v0  }
0x15: {  	[tilespmem:s17+$0x2850] =	vst v0  }
0x16: {  	[tilespmem:s17+$0x2860] =	vst v0;
	s17 =	sshra.s32 s18, $0x2;
	s18 =	sadd.s32 $0x200, s18  }
0x17: {  	[tilespmem:s17+$0x2870] =	vst v0  }
0x18: {  	[tilespmem:s17+$0x2800] =	vst v0  }
0x19: {  	[tilespmem:s17+$0x2810] =	vst v0  }
0x1a: {  	[tilespmem:s17+$0x2820] =	vst v0  }
0x1b: {  	[tilespmem:s17+$0x2830] =	vst v0  }
0x1c: {  	[tilespmem:s17+$0x2840] =	vst v0  }
0x1d: {  	[tilespmem:s17+$0x2850] =	vst v0  }
0x1e: {  	[tilespmem:s17+$0x2860] =	vst v0  }
0x1f: {  	[spmem:s4] =	stream.linear.scatter [tilespmem:s10], [sflag:$0x2], $0x4000, $0x38;
	[tilespmem:$0x10800] =	vst v63  }
0x20: {  	_ =	swait.ge [sflag:s11], $0x4000  }
0x21: {  	[sflag:s11] =	ssyncset.done $0x0  }
0x22: {  	[sflag:s11] =	ssyncadd.s32 $0xFFFFC000  }
0x23: {  	[spmem:s5] =	stream.linear.scatter [tilespmem:s10], [sflag:$0x2], $0x4000, $0x38;
	[tilespmem:$0x10800] =	vst v63  }
0x24: {  	_ =	swait.ge [sflag:s11], $0x4000  }
0x25: {  	[sflag:s11] =	ssyncset.done $0x0  }
0x26: {  	[sflag:s11] =	ssyncadd.s32 $0xFFFFC000  }
0x27: {  	[spmem:s6] =	stream.linear.scatter [tilespmem:s10], [sflag:$0x2], $0x2000, $0x38;
	[tilespmem:$0x10800] =	vst v63  }
0x28: {  	_ =	swait.ge [sflag:s11], $0x2000  }
0x29: {  	[sflag:s11] =	ssyncset.done $0x0  }
0x2a: {  	s17 =	simm.s32 $0x0;
	s18 =	simm.s32 $0x200;
	[sflag:s11] =	ssyncadd.s32 $0xFFFFE000  }
.LBB2_4:
0x2b: {  	p0 =	sne.s32 s18, $0xFE00;
	[tilespmem:s17+$0x2870] =	vst v1  }
0x2c: {  	[tilespmem:s17+$0x2800] =	vst v1  }
0x2d: {  	[tilespmem:s17+$0x2810] =	vst v1  }
.Ltmp1:
0x2e: {  	[tilespmem:s17+$0x2820] =	vst v1;
	(pc) =	sbr.rel @p0 .LBB2_4-.Ltmp1, $4  }
0x2f: {  	[tilespmem:s17+$0x2830] =	vst v1  }
0x30: {  	[tilespmem:s17+$0x2840] =	vst v1  }
0x31: {  	[tilespmem:s17+$0x2850] =	vst v1  }
0x32: {  	[tilespmem:s17+$0x2860] =	vst v1;
	s17 =	sshra.s32 s18, $0x2;
	s18 =	sadd.s32 $0x200, s18  }
0x33: {  	[tilespmem:s17+$0x2870] =	vst v1  }
0x34: {  	[tilespmem:s17+$0x2800] =	vst v1  }
0x35: {  	[tilespmem:s17+$0x2810] =	vst v1  }
0x36: {  	[tilespmem:s17+$0x2820] =	vst v1  }
0x37: {  	[tilespmem:s17+$0x2830] =	vst v1  }
0x38: {  	[tilespmem:s17+$0x2840] =	vst v1  }
0x39: {  	[tilespmem:s17+$0x2850] =	vst v1  }
0x3a: {  	[tilespmem:s17+$0x2860] =	vst v1  }
0x3b: {  	[tilespmem:s3], [sflag:$0x2] =	stream.linear.gather [hbm4b:s7+s3], $0x2800, $0x38;
	[tilespmem:$0x10800] =	vst v63  }
0x3c: {  	_ =	swait.ge [sflag:s11], $0x2800  }
0x3d: {  	[sflag:s11] =	ssyncset.done $0x0  }
0x3e: {  	[sflag:s11] =	ssyncadd.s32 $0xFFFFD800  }
0x3f: {  	[bflag:$0x0] =	sbarrier.arrive $0xFFFF  }
0x40: {  	[spmem:s2] =	stream.indirect.scatter.add.f32 [tilespmem:s10], [sflag:$0x1], $0x80, s3, s12, $0xb8;
	[tilespmem:$0x10800] =	vst v63  }
0x41: {  	s31 =	simm.s32 $0x80  }
0x42: {  	[spmem:s2] =	stream.indirect.scatter.add.f32 [tilespmem:s10], [sflag:$0x1], $0x80, s31, s12, $0xb8;
	[tilespmem:$0x10800] =	vst v63  }
0x43: {  	_ =	swait.ge [sflag:s13], $0x4000  }
0x44: {  	s17 =	simm.s32 $0x400;
	[sflag:s13] =	ssyncset.done $0x0  }
.LBB2_6:
0x45: {  	s18 =	sshra.s32 s17, $0x2;
	[sflag:s13] =	ssyncadd.s32 $0xFFFFC000;
	p0 =	sne.s32 s17, $0x9E00  }
0x46: {  	[spmem:s2] =	stream.indirect.scatter.add.f32 [tilespmem:s10], [sflag:$0x1], $0x80, s18, s12, $0xb8;
	[tilespmem:$0x10800] =	vst v63  }
.Ltmp2:
0x47: {  	_ = 	snop;
	(pc) =	sbr.rel @p0 .LBB2_6-.Ltmp2, $4  }
0x48: {  	_ = 	snop  }
0x49: {  	s17 =	sadd.s32 $0x200, s17  }
0x4a: {  	_ =	swait.ge [sflag:s13], $0x4000  }
0x4b: {  	[sflag:s13] =	ssyncset.done $0x0  }
0x4c: {  	[sflag:s13] =	ssyncadd.s32 $0xFFFFC000  }
0x4d: {  	_ =	swait.ge [sflag:s13], $0x4000  }
0x4e: {  	s16 =	sadd.s32 $0x1, s16;
	[sflag:s13] =	ssyncset.done $0x0  }
0x4f: {  	p0 =	sne.s32 s16, s9;
	[sflag:s13] =	ssyncadd.s32 $0xFFFFC000  }
.Ltmp3:
0x50: {  	[bflag:$0x0] =	sbarrier.arrive $0xFFFF;
	(pc) =	sbr.rel @p0 .LBB2_1-.Ltmp3, $4  }
0x51: {  	[hbm:s8], [sflag:s14] =	dma.local [spmem:s15], $0x1400  }
0x52: {  	_ =	swait.ge [sflag:s11], $0x1400  }
0x53: {  	[sflag:s11] =	ssyncset.done $0x0  }
0x54: {  	[sflag:s11] =	ssyncadd.s32 $0xFFFFEC00  }
0x55: {  	_ =	sfence.sel $0x180000  }
0x56: {  	[bflag:$0x0] =	sbarrier.arrive $0xFFFF  }
0x57: {  	p0 =	sne.s32 s0, $0x0;
	_ =	strace $0x90000047  }
0x58: {  	s0 =	sadd.s32 @!p0 $0x100000, s1;
	[bflag:$0x2] =	sbarrier.arrive $0xFFFF  }
0x59: {  	[sflag:s0] =	ssyncadd.tile.s32 @!p0 $0x1;
	_ =	shalt  }
.Lfunc_end2:
_tile_overlayer_lowered:
.L_overlay_start_2:
0x5a: {  	(tag) =	ssettag $0x2  }
0x5b: {  	s0 =	rddreg [dreg:$0x0];
	s2 =	stileid.u32  }
0x5c: {  	s1 =	rddreg [dreg:$0x1];
	p0 =	sne.s32 s2, $0x0  }
0x5d: {  	s3 =	rddreg [dreg:$0x2];
	[bflag:$0x3] =	sbarrier.arrive $0xFFFF;
	s2 =	simm.s32 @!p0 $0x1C02  }
0x5e: {  	[timem:s3], [sflag:s2] =	dma.local @!p0 [hbm:s0], s1  }
0x5f: {  	s0 =	simm.s32 @!p0 $0x2  }
0x60: {  	_ =	swait.ge @!p0 [sflag:s0], s1  }
0x61: {  	s1 =	ssub.s32 @!p0 $0x0, s1;
	[sflag:s0] =	ssyncset.done @!p0 $0x0  }
0x62: {  	[sflag:s0] =	ssyncadd.s32 @!p0 s1  }
0x63: {  	[bflag:$0x3] =	sbarrier.arrive $0xFFFF  }
0x64: {  	_ =	shalt  }

// kernel: kernel.17.cloned.1.call-start
scs
__scs_entry_jumppad:
0x0: {  	(pc) =	sbr.rel $0x88, $3  }
0x1: {  	(tag) =	ssettag $0x0;
	lr =	simm.s32 $0x1  }
0x2: {  	[smem:$0x3F97] =	sst lr;
	_ =	strace $0xD0000000  }
0x3: {  	_ = 	snop  }
0x4: {  	_ = 	snop  }
0x5: {  	_ = 	snop  }
0x6: {  	_ = 	snop  }
0x7: {  	_ = 	snop  }
__scs_overlays_trampoline_lowered:
0x8: {  	[smem:$0x3FA6] =	sst s0  }
0x9: {  	[smem:$0x3FA7] =	sst s1  }
0xa: {  	[smem:$0x3FA8] =	sst s2  }
0xb: {  	[smem:$0x3FA9] =	sst s3  }
0xc: {  	[smem:$0x3FAA] =	sst s4  }
0xd: {  	[smem:$0x3FAB] =	sst s5  }
0xe: {  	[smem:$0x3FAC] =	sst s6  }
0xf: {  	[smem:$0x3FAD] =	sst s7  }
0x10: {  	[smem:$0x3FAE] =	sst s8  }
0x11: {  	[smem:$0x3FAF] =	sst s9;
	s0 =	simm.s32 @!p0 $0x0  }
0x12: {  	s1 =	sld [smem:$0x3F95];
	s0 =	simm.s32 @p0 $0x1  }
0x13: {  	[smem:$0x3FB0] =	sst s0;
	s0 =	simm.s32 @!p1 $0x0  }
0x14: {  	s2 =	sld [smem:$0x3F94];
	s0 =	simm.s32 @p1 $0x1  }
0x15: {  	[smem:$0x3FB1] =	sst s0;
	s0 =	simm.s32 @!p2 $0x0  }
0x16: {  	s3 =	sld [smem:$0x3FDB];
	s0 =	simm.s32 @p2 $0x1  }
0x17: {  	s4 =	simm.s32 $0x1BF5;
	[smem:$0x3FB3] =	sst s0  }
0x18: {  	s0 =	sld [smem:$0x3F96];
	_ =	swait.ge [sflag:s4], $0x0  }
0x19: {  	s7 =	sld [smem:$0x3F97]  }
0x1a: {  	s8 =	sadd.s32 $0xFFFFE003, lr  }
0x1b: {  	s9 =	sadd.s32 $0xFFFFFEF7, lr;
	s5 =	simm.s32 $0xFFFFFFFF;
	p2 =	slt.u32 s8, $0xFFFFF086  }
0x1c: {  	p1 =	slt.u32 s9, $0xF7A;
	s5 =	simm.s32 @!p2 $0x0  }
0x1d: {  	s5 =	simm.s32 @p1 $0x1;
	p0 =	seq.s32 s7, s2  }
0x1e: {  	s7 =	smul.u32 @!p0 $0xF7A, s2;
	p2 =	seq.s32 @!p0 s5, $0x0  }
0x1f: {  	s9 =	smul.u32 $0xF7A, s1;
	s8 =	simm.s32 @!p0 $0x1BF5;
	p2 =	por !p2, p0  }
0x20: {  	[sflag:s8] =	ssyncset.s32 @!p0 $0xFFFFF086;
	s6 =	sadd.s32 @!p0 s3, s7;
	s7 =	simm.s32 @!p0 $0x108  }
0x21: {  	s3 =	sadd.s32 s3, s9;
	s6 =	sadd.s32 @!p0 $0x88, s6;
	s7 =	simm.s32 @p2 $0x1082  }
0x22: {  	[simem:s7], [sflag:s8] =	dma.local @!p0 [hbm:s6], $0xF7A  }
0x23: {  	s9 =	sor.u32 $0xD0000000, s2;
	s6 =	simm.s32 $0x108;
	_ =	swait.ge @!p0 [sflag:s8], $0x0  }
0x24: {  	s3 =	sadd.s32 $0x88, s3;
	s6 =	simm.s32 @!p1 $0x1082;
	[sflag:s4] =	ssyncset.s32 $0xFFFFF086  }
0x25: {  	[simem:s6], [sflag:s4] =	dma.local [hbm:s3], $0xF7A  }
0x26: {  	[smem:$0x3F97] =	sst s1;
	(tag) =	ssettag s2;
	_ =	strace s9  }
0x27: {  	s1 =	sld [smem:$0x3FA7]  }
0x28: {  	s2 =	sld [smem:$0x3FA8]  }
0x29: {  	s4 =	sld [smem:$0x3FAA]  }
0x2a: {  	p0 =	seq.s32 s5, $0x0;
	s5 =	sld [smem:$0x3FAB]  }
0x2b: {  	s6 =	sld [smem:$0x3FAC]  }
0x2c: {  	s7 =	sld [smem:$0x3FAD]  }
0x2d: {  	s3 =	simm.s32 $0x108;
	s8 =	sld [smem:$0x3FAE]  }
0x2e: {  	s3 =	simm.s32 @!p0 $0x1082;
	s9 =	sld [smem:$0x3FAF]  }
0x2f: {  	lr =	sadd.s32 s0, s3;
	s0 =	sld [smem:$0x3FA6]  }
0x30: {  	s3 =	sld [smem:$0x3FA9]  }
0x31: {  	[smem:$0x3FB2] =	sst s10  }
0x32: {  	s10 =	sld [smem:$0x3FB0];
	_ =	sdelay $0x3  }
0x33: {  	p0 =	seq.s32 s10, $0x1;
	s10 =	sld [smem:$0x3FB2];
	_ =	sdelay $0x3  }
0x34: {  	[smem:$0x3FB2] =	sst s10  }
0x35: {  	s10 =	sld [smem:$0x3FB1];
	_ =	sdelay $0x3  }
0x36: {  	p1 =	seq.s32 s10, $0x1;
	s10 =	sld [smem:$0x3FB2];
	_ =	sdelay $0x3  }
0x37: {  	[smem:$0x3FB2] =	sst s10  }
0x38: {  	s10 =	sld [smem:$0x3FB3]  }
0x39: {  	_ = 	snop;
	(pc) =	sbr.ind lr, $3  }
0x3a: {  	_ = 	snop  }
0x3b: {  	_ = 	snop  }
0x3c: {  	p2 =	seq.s32 s10, $0x1;
	s10 =	sld [smem:$0x3FB2]  }
0x3d: {  	_ =	shalt  }
0x3e: {  	_ =	shalt  }
0x3f: {  	_ =	shalt  }
0x40: {  	_ =	shalt  }
0x41: {  	_ =	shalt  }
0x42: {  	_ =	shalt  }
0x43: {  	_ =	shalt  }
0x44: {  	_ =	shalt  }
0x45: {  	_ =	shalt  }
0x46: {  	_ =	shalt  }
0x47: {  	_ =	shalt  }
0x48: {  	_ =	shalt  }
0x49: {  	_ =	shalt  }
0x4a: {  	_ =	shalt  }
0x4b: {  	_ =	shalt  }
0x4c: {  	_ =	shalt  }
0x4d: {  	_ =	shalt  }
0x4e: {  	_ =	shalt  }
0x4f: {  	_ =	shalt  }
0x50: {  	_ =	shalt  }
0x51: {  	_ =	shalt  }
0x52: {  	_ =	shalt  }
0x53: {  	_ =	shalt  }
0x54: {  	_ =	shalt  }
0x55: {  	_ =	shalt  }
0x56: {  	_ =	shalt  }
0x57: {  	_ =	shalt  }
0x58: {  	_ =	shalt  }
0x59: {  	_ =	shalt  }
0x5a: {  	_ =	shalt  }
0x5b: {  	_ =	shalt  }
0x5c: {  	_ =	shalt  }
0x5d: {  	_ =	shalt  }
0x5e: {  	_ =	shalt  }
0x5f: {  	_ =	shalt  }
0x60: {  	_ =	shalt  }
0x61: {  	_ =	shalt  }
0x62: {  	_ =	shalt  }
0x63: {  	_ =	shalt  }
0x64: {  	_ =	shalt  }
0x65: {  	_ =	shalt  }
0x66: {  	_ =	shalt  }
0x67: {  	_ =	shalt  }
0x68: {  	_ =	shalt  }
0x69: {  	_ =	shalt  }
0x6a: {  	_ =	shalt  }
0x6b: {  	_ =	shalt  }
0x6c: {  	_ =	shalt  }
0x6d: {  	_ =	shalt  }
0x6e: {  	_ =	shalt  }
0x6f: {  	_ =	shalt  }
0x70: {  	_ =	shalt  }
0x71: {  	_ =	shalt  }
0x72: {  	_ =	shalt  }
0x73: {  	_ =	shalt  }
0x74: {  	_ =	shalt  }
0x75: {  	_ =	shalt  }
0x76: {  	_ =	shalt  }
0x77: {  	_ =	shalt  }
0x78: {  	_ =	shalt  }
0x79: {  	_ =	shalt  }
0x7a: {  	_ =	shalt  }
0x7b: {  	_ =	shalt  }
0x7c: {  	_ =	shalt  }
0x7d: {  	_ =	shalt  }
0x7e: {  	_ =	shalt  }
0x7f: {  	_ =	shalt  }
0x80: {  	_ =	shalt  }
0x81: {  	_ =	shalt  }
0x82: {  	_ =	shalt  }
0x83: {  	_ =	shalt  }
0x84: {  	_ =	shalt  }
0x85: {  	_ =	shalt  }
0x86: {  	_ =	shalt  }
0x87: {  	_ =	shalt  }
.Lfunc_end0:
.L_simem_size_0:
called_computation.3_lowered:
.L_overlay_start_0:
0x88: {  	s2 =	sld [smem:$0x3FD9]  }
0x89: {  	s3 =	sld [smem:$0x3FFE];
	_ =	sdelay $0x1  }
0x8a: {  	s1 =	srdreg.scid  }
0x8b: {  	s0 =	sand.u32 $0x1, s1  }
0x8c: {  	s17 =	sshll.u32 s0, $0xA;
	s2 =	sadd.s32 s3, s2  }
0x8d: {  	s2 =	sadd.s32 s2, s17  }
0x8e: {  	[smem:$0x3FBE] =	sst s2  }
0x8f: {  	_ = 	snop  }
0x90: {  	s18 =	sld [smem:$0x3FD0];
	(tm) =	ssettm $0x1  }
0x91: {  	s19 =	sld [smem:$0x3FFB];
	_ =	sdelay $0x3  }
0x92: {  	_ =	strace s19  }
0x93: {  	s2 =	sld [smem:$0x3FFC];
	_ =	sdelay $0x3  }
0x94: {  	_ =	strace s2  }
0x95: {  	s2 =	sld [smem:$0x3FFD];
	_ =	sdelay $0x3  }
0x96: {  	_ =	strace s2  }
0x97: {  	_ =	strace $0x8FFFFFFF  }
0x98: {  	s20 =	sld [smem:$0x3FDB];
	_ =	sdelay $0x1  }
0x99: {  	s4 =	simm.s32 $_scs_section_size  }
0x9a: {  	s5 =	simm.s32 $_size__tile_overlayer_lowered;
	s6 =	simm.s32 $_tile_overlayer_lowered  }
0x9b: {  	s7 =	simm.s32 $0x1BFF;
	s21 =	sshll.u32 s6, $0x1;
	s4 =	sadd.s32 s4, s20  }
0x9c: {  	s22 =	simm.s32 $0x0;
	s5 =	sshll.u32 s5, $0x1;
	s6 =	sadd.s32 s21, s4  }
0x9d: {  	[timem:s22], [sflag:s7] =	dma.local [hbm:s6], s5  }
0x9e: {  	_ =	swait.ge [sflag:s7], s5  }
0x9f: {  	s5 =	ssub.s32 $0x0, s5;
	[sflag:s7] =	ssyncset.done $0x0  }
0xa0: {  	[sflag:s7] =	ssyncadd.s32 s5;
	_ =	sdelay $0x1  }
0xa1: {  	s23 =	simm.s32 $0x1B8B  }
0xa2: {  	_ =	swait.ge [sflag:s23], $0x1  }
0xa3: {  	[sflag:s23] =	ssyncset.done $0x0  }
0xa4: {  	[sflag:s23] =	ssyncadd.s32 $0xFFFFFFFF  }
0xa5: {  	s5 =	sld [smem:$0x0]  }
0xa6: {  	s6 =	sand.u32 $0xFFFFFFFE, s1  }
0xa7: {  	p0 =	sne.s32 s1, s6  }
0xa8: {  	s6 =	sshll.u32 @p0 s6, $0xE  }
0xa9: {  	s6 =	sadd.s32 @p0 $0x11B8D, s6;
	s7 =	sshll.u32 @p0 s5, $0x11  }
0xaa: {  	s6 =	sor.u32 @p0 s7, s6  }
0xab: {  	[sflag:s6] =	ssyncadd.remote.s32 @p0 $0x1;
	_ =	sdelay $0x1  }
0xac: {  	s6 =	simm.s32 @p0 $0x1B8D  }
0xad: {  	_ =	swait.eq @p0 [sflag:s6], $0x1  }
0xae: {  	[sflag:s6] =	ssyncadd.s32 @p0 $0xFFFFFFFF  }
0xaf: {  	s7 =	sshll.u32 @!p0 s1, $0xE  }
0xb0: {  	s7 =	sor.u32 @!p0 $0x4000, s7;
	s6 =	simm.s32 @!p0 $0x1B8D  }
0xb1: {  	s5 =	sshll.u32 @!p0 s5, $0x11;
	s7 =	sadd.s32 @!p0 $0x11B8D, s7;
	_ =	swait.eq @!p0 [sflag:s6], $0x1  }
0xb2: {  	s5 =	sor.u32 @!p0 s5, s7;
	[sflag:s6] =	ssyncadd.s32 @!p0 $0xFFFFFFFF  }
0xb3: {  	s25 =	simm.s32 $0x1B8E;
	s24 =	sld [smem:$0x3FFE];
	[sflag:s5] =	ssyncadd.remote.s32 @!p0 $0x1  }
0xb4: {  	s26 =	simm.s32 $execute0_lowered;
	[smem:$0x3FD2] =	sst s25  }
0xb5: {  	s6 =	sshll.u32 s26, $0x1;
	_ =	strace $0x8000004F;
	[dreg:$0x1] =	wrdreg $0xFFFFFFFF  }
0xb6: {  	s28 =	simm.s32 $_size_execute0_lowered;
	s4 =	sadd.s32 s4, s6;
	[dreg:$0x0] =	wrdreg $0x0  }
0xb7: {  	s6 =	sshll.u32 s28, $0x1;
	[dreg:$0x2] =	wrdreg s4  }
0xb8: {  	[dreg:$0x3] =	wrdreg s6  }
0xb9: {  	[dreg:$0x4] =	wrdreg $0xC0  }
0xba: {  	_ =	task [dreg:s22], $0x5FFFF  }
0xbb: {  	[dreg:$0x1] =	wrdreg $0xFFFFFFFF  }
0xbc: {  	[dreg:$0x0] =	wrdreg $0x60  }
0xbd: {  	[dreg:$0x2] =	wrdreg s24  }
0xbe: {  	[dreg:$0x3] =	wrdreg s18  }
0xbf: {  	[dreg:$0x4] =	wrdreg $0x90000  }
0xc0: {  	[dreg:$0x5] =	wrdreg $0xA  }
0xc1: {  	_ =	task.clear_ibuf [dreg:s22], $0x6FFFF;
	_ =	strace $0x9000004F  }
0xc2: {  	s29 =	simm.s32 $0xA;
	_ =	strace $0x80000051  }
0xc3: {  	_ =	swait.ge [sflag:s29], $0x1  }
0xc4: {  	[sflag:s29] =	ssyncadd.s32 $0xFFFFFFFF  }
0xc5: {  	_ =	strace $0x90000051  }
0xc6: {  	_ =	sfence  }
0xc7: {  	s30 =	sld [smem:$0x0];
	_ =	sdelay $0x2  }
0xc8: {  	s31 =	sshll.u32 s1, $0xD;
	s1 =	sshrl.u32 s1, $0x2  }
0xc9: {  	s4 =	sand.u32 $0x4000, s31;
	s1 =	sadd.s32 s1, s30  }
0xca: {  	s0 =	sor.u32 s4, s0;
	s1 =	sshll.u32 s1, $0x11  }
0xcb: {  	s0 =	sor.u32 s1, s0  }
0xcc: {  	s0 =	sadd.s32 $0x8F2B, s0  }
0xcd: {  	[sflag:s0] =	ssyncadd.remote.s32 $0x1  }
0xce: {  	_ =	sfence.sel $0xFFFF  }
0xcf: {  	[dreg:$0x0] =	wrdreg $0xFFFFFFFF;
	(pc) =	sbr.abs _section_cstart, $3  }
0xd0: {  	[dreg:$0x1] =	wrdreg $0xFFFFFFFF  }
0xd1: {  	_ =	task.clear_ibuf [dreg:s22], $0x2FFFF;
	_ =	strace $0x9FFFFFFF  }
0xd2: {  	(tm) =	ssettm $0x7FFFFFFF  }
0xd3: {  	_ =	shalt  }
tec
execute0_lowered:
.L_overlay_start_1:
0x0: {  	(tag) =	ssettag $0x1  }
0x1: {  	s6 =	rddreg [dreg:$0x0]  }
0x2: {  	s0 =	srdreg.scid;
	s10 =	rddreg [dreg:$0x1]  }
0x3: {  	s2 =	rddreg [dreg:$0x2];
	s3 =	simm.s32 $0x0;
	s15 =	simm.s32 $0x2  }
0x4: {  	s16 =	simm.s32 $0x2800;
	s17 =	simm.s32 $0x80;
	s5 =	sand.u32 $0x1, s0  }
0x5: {  	s18 =	simm.s32 $0x1;
	s0 =	stileid.u32;
	s7 =	smul.u32 $0x13C000, s5  }
0x6: {  	[smem:$0x7FF] =	sst s3;
	s4 =	sadd.s32 $0x17400, s6;
	s8 =	smul.u32 $0x13C00, s0  }
0x7: {  	s1 =	sshll.u32 s5, $0x4;
	s9 =	smul.u32 $0x4F000, s0;
	s29 =	ssub.s32 $0x2, s5  }
0x8: {  	s19 =	sshll.u32 s0, $0x6;
	s1 =	sor.u32 s0, s1;
	s31 =	sshrl.u32 s29, $0x1  }
0x9: {  	s19 =	sor.u32 $0x1C02, s19;
	s11 =	smul.u32 $0x500, s1;
	s1 =	rddreg [dreg:$0x3]  }
0xa: {  	_ =	strace $0x80000050;
	s7 =	sadd.s32 s8, s7;
	s30 =	sshrl.u32 s9, $0x2  }
0xb: {  	s14 =	ssub.s32 s29, s31;
	s7 =	sshrl.u32 s7, $0x3;
	s5 =	sadd.s32 s30, s2  }
0xc: {  	s12 =	sadd.s32 s11, s6;
	s13 =	sadd.s32 s7, s6;
	s6 =	sadd.s32 $0x4000, s5  }
0xd: {  	s7 =	sadd.s32 $0x8000, s5;
	s8 =	sadd.s32 $0xC000, s5;
	s9 =	sadd.s32 $0x10000, s5  }
0xe: {  	s10 =	sadd.s32 s10, s11;
	s20 =	sshrl.u32 s5, $0x3;
	s11 =	sadd.s32 $0xD400, s12  }
0xf: {  	v0 =	vimm.f32 $0.0e+00;
	s12 =	sadd.s32 $0x57400, s13;
	s13 =	smax.u32 s14, $0x1;
	s14 =	simm.s32 $0x5000  }
.LBB2_1:
0x10: {  	s21 =	simm.s32 $0x0;
	s22 =	simm.s32 $0x200  }
.LBB2_2:
0x11: {  	p0 =	sne.s32 s22, $0xFE00;
	[tilespmem:s21+$0x5070] =	vst v0  }
0x12: {  	[tilespmem:s21+$0x5000] =	vst v0  }
0x13: {  	[tilespmem:s21+$0x5010] =	vst v0  }
.Ltmp0:
0x14: {  	[tilespmem:s21+$0x5020] =	vst v0;
	(pc) =	sbr.rel @p0 .LBB2_2-.Ltmp0, $4  }
0x15: {  	[tilespmem:s21+$0x5030] =	vst v0  }
0x16: {  	[tilespmem:s21+$0x5040] =	vst v0  }
0x17: {  	[tilespmem:s21+$0x5050] =	vst v0  }
0x18: {  	[tilespmem:s21+$0x5060] =	vst v0;
	s21 =	sshra.s32 s22, $0x2;
	s22 =	sadd.s32 $0x200, s22  }
0x19: {  	[tilespmem:s21+$0x5070] =	vst v0  }
0x1a: {  	[tilespmem:s21+$0x5000] =	vst v0  }
0x1b: {  	[tilespmem:s21+$0x5010] =	vst v0  }
0x1c: {  	[tilespmem:s21+$0x5020] =	vst v0  }
0x1d: {  	[tilespmem:s21+$0x5030] =	vst v0  }
0x1e: {  	[tilespmem:s21+$0x5040] =	vst v0  }
0x1f: {  	[tilespmem:s21+$0x5050] =	vst v0  }
0x20: {  	[tilespmem:s21+$0x5060] =	vst v0  }
0x21: {  	[spmem:s5] =	stream.linear.scatter [tilespmem:s14], [sflag:$0x2], $0x4000, $0x38;
	[tilespmem:$0x1CC00] =	vst v63  }
0x22: {  	_ =	swait.ge [sflag:s15], $0x4000  }
0x23: {  	[sflag:s15] =	ssyncset.done $0x0  }
0x24: {  	[sflag:s15] =	ssyncadd.s32 $0xFFFFC000  }
0x25: {  	[spmem:s6] =	stream.linear.scatter [tilespmem:s14], [sflag:$0x2], $0x4000, $0x38;
	[tilespmem:$0x1CC00] =	vst v63  }
0x26: {  	_ =	swait.ge [sflag:s15], $0x4000  }
0x27: {  	[sflag:s15] =	ssyncset.done $0x0  }
0x28: {  	[sflag:s15] =	ssyncadd.s32 $0xFFFFC000  }
0x29: {  	[spmem:s7] =	stream.linear.scatter [tilespmem:s14], [sflag:$0x2], $0x4000, $0x38;
	[tilespmem:$0x1CC00] =	vst v63  }
0x2a: {  	_ =	swait.ge [sflag:s15], $0x4000  }
0x2b: {  	[sflag:s15] =	ssyncset.done $0x0  }
0x2c: {  	[sflag:s15] =	ssyncadd.s32 $0xFFFFC000  }
0x2d: {  	[spmem:s8] =	stream.linear.scatter [tilespmem:s14], [sflag:$0x2], $0x4000, $0x38;
	[tilespmem:$0x1CC00] =	vst v63  }
0x2e: {  	_ =	swait.ge [sflag:s15], $0x4000  }
0x2f: {  	[sflag:s15] =	ssyncset.done $0x0  }
0x30: {  	[sflag:s15] =	ssyncadd.s32 $0xFFFFC000  }
0x31: {  	[spmem:s9] =	stream.linear.scatter [tilespmem:s14], [sflag:$0x2], $0x3C00, $0x38;
	[tilespmem:$0x1CC00] =	vst v63  }
0x32: {  	_ =	swait.ge [sflag:s15], $0x3C00  }
0x33: {  	[sflag:s15] =	ssyncset.done $0x0  }
0x34: {  	s29 =	simm.s32 $0x0;
	[sflag:s15] =	ssyncadd.s32 $0xFFFFC400  }
0x35: {  	[tilespmem:s29], [sflag:$0x2] =	stream.linear.gather [hbm4b:s10+s29], $0x2800, $0x38;
	[tilespmem:$0x1CC00] =	vst v63  }
0x36: {  	_ =	swait.ge [sflag:s15], $0x2800  }
0x37: {  	[sflag:s15] =	ssyncset.done $0x0  }
0x38: {  	[sflag:s15] =	ssyncadd.s32 $0xFFFFD800  }
0x39: {  	[tilespmem:s16], [sflag:$0x2] =	stream.linear.gather [hbm4b:s11+s29], $0x2800, $0x38;
	[tilespmem:$0x1CC00] =	vst v63  }
0x3a: {  	_ =	swait.ge [sflag:s15], $0x2800  }
0x3b: {  	[sflag:s15] =	ssyncset.done $0x0  }
0x3c: {  	[sflag:s15] =	ssyncadd.s32 $0xFFFFD800  }
0x3d: {  	s30 =	simm.s32 $0x2800;
	[bflag:$0x0] =	sbarrier.arrive $0xFFFF  }
0x3e: {  	[tilespmem:s14], [sflag:$0x1] =	stream.indirect.gather [hbm4b:s4+s17], $0x80, s30, s17, $0xb8;
	[tilespmem:$0x1CC00] =	vst v63  }
0x3f: {  	_ =	swait.ge [sflag:s18], $0x4000  }
0x40: {  	[sflag:s18] =	ssyncset.done $0x0  }
0x41: {  	s31 =	simm.s32 $0x0;
	[sflag:s18] =	ssyncadd.s32 $0xFFFFC000  }
0x42: {  	[spmem:s2] =	stream.indirect.scatter.add.f32 [tilespmem:s14], [sflag:$0x2], $0x80, s31, s17, $0xb8;
	[tilespmem:$0x1CC00] =	vst v63  }
0x43: {  	_ =	swait.ge [sflag:s15], $0x4000  }
0x44: {  	s22 =	simm.s32 $0x400;
	s21 =	simm.s32 $0x80;
	[sflag:s15] =	ssyncset.done $0x0  }
.LBB2_4:
0x45: {  	s23 =	sadd.s32 $0x2800, s21  }
0x46: {  	[sflag:s15] =	ssyncadd.s32 $0xFFFFC000;
	s24 =	smov.u32 s22;
	s25 =	sadd.s32 $0x200, s22  }
0x47: {  	[tilespmem:s14], [sflag:$0x1] =	stream.indirect.gather [hbm4b:s4+s17], $0x80, s23, s17, $0xb8;
	[tilespmem:$0x1CC00] =	vst v63  }
0x48: {  	p0 =	sne.s32 s22, $0x9E00;
	_ =	swait.ge [sflag:s18], $0x4000  }
.Ltmp1:
0x49: {  	[sflag:s18] =	ssyncset.done $0x0;
	(pc) =	sbr.rel @p0 .LBB2_4-.Ltmp1, $4  }
0x4a: {  	[sflag:s18] =	ssyncadd.s32 $0xFFFFC000  }
0x4b: {  	[spmem:s2] =	stream.indirect.scatter.add.f32 [tilespmem:s14], [sflag:$0x2], $0x80, s21, s17, $0xb8;
	[tilespmem:$0x1CC00] =	vst v63  }
0x4c: {  	_ =	swait.ge [sflag:s15], $0x4000  }
0x4d: {  	s22 =	smov.u32 s25;
	s21 =	sshra.s32 s24, $0x2;
	[sflag:s15] =	ssyncset.done $0x0  }
0x4e: {  	s22 =	sadd.s32 $0x2800, s21;
	[sflag:s15] =	ssyncadd.s32 $0xFFFFC000  }
0x4f: {  	[tilespmem:s14], [sflag:$0x1] =	stream.indirect.gather [hbm4b:s4+s17], $0x80, s22, s17, $0xb8;
	[tilespmem:$0x1CC00] =	vst v63  }
0x50: {  	_ =	swait.ge [sflag:s18], $0x4000  }
0x51: {  	[sflag:s18] =	ssyncset.done $0x0  }
0x52: {  	[sflag:s18] =	ssyncadd.s32 $0xFFFFC000  }
0x53: {  	[spmem:s2] =	stream.indirect.scatter.add.f32 [tilespmem:s14], [sflag:$0x2], $0x80, s21, s17, $0xb8;
	[tilespmem:$0x1CC00] =	vst v63  }
0x54: {  	_ =	swait.ge [sflag:s15], $0x4000  }
0x55: {  	s3 =	sadd.s32 $0x1, s3;
	[sflag:s15] =	ssyncset.done $0x0  }
0x56: {  	p0 =	sne.s32 s3, s13;
	[sflag:s15] =	ssyncadd.s32 $0xFFFFC000  }
.Ltmp2:
0x57: {  	[bflag:$0x0] =	sbarrier.arrive $0xFFFF;
	(pc) =	sbr.rel @p0 .LBB2_1-.Ltmp2, $4  }
0x58: {  	[hbm:s12], [sflag:s19] =	dma.local [spmem:s20], $0x2780  }
0x59: {  	_ =	swait.ge [sflag:s15], $0x2780  }
0x5a: {  	[sflag:s15] =	ssyncset.done $0x0  }
0x5b: {  	[sflag:s15] =	ssyncadd.s32 $0xFFFFD880  }
0x5c: {  	_ =	sfence.sel $0x180000  }
0x5d: {  	[bflag:$0x0] =	sbarrier.arrive $0xFFFF  }
0x5e: {  	p0 =	sne.s32 s0, $0x0;
	_ =	strace $0x90000050  }
0x5f: {  	s0 =	sadd.s32 @!p0 $0x100000, s1;
	[bflag:$0x2] =	sbarrier.arrive $0xFFFF  }
0x60: {  	[sflag:s0] =	ssyncadd.tile.s32 @!p0 $0x1;
	_ =	shalt  }
.Lfunc_end2:
_tile_overlayer_lowered:
.L_overlay_start_2:
0x61: {  	(tag) =	ssettag $0x2  }
0x62: {  	s0 =	rddreg [dreg:$0x0];
	s2 =	stileid.u32  }
0x63: {  	s1 =	rddreg [dreg:$0x1];
	p0 =	sne.s32 s2, $0x0  }
0x64: {  	s3 =	rddreg [dreg:$0x2];
	[bflag:$0x3] =	sbarrier.arrive $0xFFFF;
	s2 =	simm.s32 @!p0 $0x1C02  }
0x65: {  	[timem:s3], [sflag:s2] =	dma.local @!p0 [hbm:s0], s1  }
0x66: {  	s0 =	simm.s32 @!p0 $0x2  }
0x67: {  	_ =	swait.ge @!p0 [sflag:s0], s1  }
0x68: {  	s1 =	ssub.s32 @!p0 $0x0, s1;
	[sflag:s0] =	ssyncset.done @!p0 $0x0  }
0x69: {  	[sflag:s0] =	ssyncadd.s32 @!p0 s1  }
0x6a: {  	[bflag:$0x3] =	sbarrier.arrive $0xFFFF  }
0x6b: {  	_ =	shalt  }

// kernel: kernel.8.cloned.1.call-start
scs
__scs_entry_jumppad:
0x0: {  	(pc) =	sbr.rel $0x88, $3  }
0x1: {  	(tag) =	ssettag $0x0;
	lr =	simm.s32 $0x1  }
0x2: {  	[smem:$0x3F97] =	sst lr;
	_ =	strace $0xD0000000  }
0x3: {  	_ = 	snop  }
0x4: {  	_ = 	snop  }
0x5: {  	_ = 	snop  }
0x6: {  	_ = 	snop  }
0x7: {  	_ = 	snop  }
__scs_overlays_trampoline_lowered:
0x8: {  	[smem:$0x3FA6] =	sst s0  }
0x9: {  	[smem:$0x3FA7] =	sst s1  }
0xa: {  	[smem:$0x3FA8] =	sst s2  }
0xb: {  	[smem:$0x3FA9] =	sst s3  }
0xc: {  	[smem:$0x3FAA] =	sst s4  }
0xd: {  	[smem:$0x3FAB] =	sst s5  }
0xe: {  	[smem:$0x3FAC] =	sst s6  }
0xf: {  	[smem:$0x3FAD] =	sst s7  }
0x10: {  	[smem:$0x3FAE] =	sst s8  }
0x11: {  	[smem:$0x3FAF] =	sst s9;
	s0 =	simm.s32 @!p0 $0x0  }
0x12: {  	s1 =	sld [smem:$0x3F95];
	s0 =	simm.s32 @p0 $0x1  }
0x13: {  	[smem:$0x3FB0] =	sst s0;
	s0 =	simm.s32 @!p1 $0x0  }
0x14: {  	s2 =	sld [smem:$0x3F94];
	s0 =	simm.s32 @p1 $0x1  }
0x15: {  	[smem:$0x3FB1] =	sst s0;
	s0 =	simm.s32 @!p2 $0x0  }
0x16: {  	s3 =	sld [smem:$0x3FDB];
	s0 =	simm.s32 @p2 $0x1  }
0x17: {  	s4 =	simm.s32 $0x1BF5;
	[smem:$0x3FB3] =	sst s0  }
0x18: {  	s0 =	sld [smem:$0x3F96];
	_ =	swait.ge [sflag:s4], $0x0  }
0x19: {  	s7 =	sld [smem:$0x3F97]  }
0x1a: {  	s8 =	sadd.s32 $0xFFFFE003, lr  }
0x1b: {  	s9 =	sadd.s32 $0xFFFFFEF7, lr;
	s5 =	simm.s32 $0xFFFFFFFF;
	p2 =	slt.u32 s8, $0xFFFFF086  }
0x1c: {  	p1 =	slt.u32 s9, $0xF7A;
	s5 =	simm.s32 @!p2 $0x0  }
0x1d: {  	s5 =	simm.s32 @p1 $0x1;
	p0 =	seq.s32 s7, s2  }
0x1e: {  	s7 =	smul.u32 @!p0 $0xF7A, s2;
	p2 =	seq.s32 @!p0 s5, $0x0  }
0x1f: {  	s9 =	smul.u32 $0xF7A, s1;
	s8 =	simm.s32 @!p0 $0x1BF5;
	p2 =	por !p2, p0  }
0x20: {  	[sflag:s8] =	ssyncset.s32 @!p0 $0xFFFFF086;
	s6 =	sadd.s32 @!p0 s3, s7;
	s7 =	simm.s32 @!p0 $0x108  }
0x21: {  	s3 =	sadd.s32 s3, s9;
	s6 =	sadd.s32 @!p0 $0x88, s6;
	s7 =	simm.s32 @p2 $0x1082  }
0x22: {  	[simem:s7], [sflag:s8] =	dma.local @!p0 [hbm:s6], $0xF7A  }
0x23: {  	s9 =	sor.u32 $0xD0000000, s2;
	s6 =	simm.s32 $0x108;
	_ =	swait.ge @!p0 [sflag:s8], $0x0  }
0x24: {  	s3 =	sadd.s32 $0x88, s3;
	s6 =	simm.s32 @!p1 $0x1082;
	[sflag:s4] =	ssyncset.s32 $0xFFFFF086  }
0x25: {  	[simem:s6], [sflag:s4] =	dma.local [hbm:s3], $0xF7A  }
0x26: {  	[smem:$0x3F97] =	sst s1;
	(tag) =	ssettag s2;
	_ =	strace s9  }
0x27: {  	s1 =	sld [smem:$0x3FA7]  }
0x28: {  	s2 =	sld [smem:$0x3FA8]  }
0x29: {  	s4 =	sld [smem:$0x3FAA]  }
0x2a: {  	p0 =	seq.s32 s5, $0x0;
	s5 =	sld [smem:$0x3FAB]  }
0x2b: {  	s6 =	sld [smem:$0x3FAC]  }
0x2c: {  	s7 =	sld [smem:$0x3FAD]  }
0x2d: {  	s3 =	simm.s32 $0x108;
	s8 =	sld [smem:$0x3FAE]  }
0x2e: {  	s3 =	simm.s32 @!p0 $0x1082;
	s9 =	sld [smem:$0x3FAF]  }
0x2f: {  	lr =	sadd.s32 s0, s3;
	s0 =	sld [smem:$0x3FA6]  }
0x30: {  	s3 =	sld [smem:$0x3FA9]  }
0x31: {  	[smem:$0x3FB2] =	sst s10  }
0x32: {  	s10 =	sld [smem:$0x3FB0];
	_ =	sdelay $0x3  }
0x33: {  	p0 =	seq.s32 s10, $0x1;
	s10 =	sld [smem:$0x3FB2];
	_ =	sdelay $0x3  }
0x34: {  	[smem:$0x3FB2] =	sst s10  }
0x35: {  	s10 =	sld [smem:$0x3FB1];
	_ =	sdelay $0x3  }
0x36: {  	p1 =	seq.s32 s10, $0x1;
	s10 =	sld [smem:$0x3FB2];
	_ =	sdelay $0x3  }
0x37: {  	[smem:$0x3FB2] =	sst s10  }
0x38: {  	s10 =	sld [smem:$0x3FB3]  }
0x39: {  	_ = 	snop;
	(pc) =	sbr.ind lr, $3  }
0x3a: {  	_ = 	snop  }
0x3b: {  	_ = 	snop  }
0x3c: {  	p2 =	seq.s32 s10, $0x1;
	s10 =	sld [smem:$0x3FB2]  }
0x3d: {  	_ =	shalt  }
0x3e: {  	_ =	shalt  }
0x3f: {  	_ =	shalt  }
0x40: {  	_ =	shalt  }
0x41: {  	_ =	shalt  }
0x42: {  	_ =	shalt  }
0x43: {  	_ =	shalt  }
0x44: {  	_ =	shalt  }
0x45: {  	_ =	shalt  }
0x46: {  	_ =	shalt  }
0x47: {  	_ =	shalt  }
0x48: {  	_ =	shalt  }
0x49: {  	_ =	shalt  }
0x4a: {  	_ =	shalt  }
0x4b: {  	_ =	shalt  }
0x4c: {  	_ =	shalt  }
0x4d: {  	_ =	shalt  }
0x4e: {  	_ =	shalt  }
0x4f: {  	_ =	shalt  }
0x50: {  	_ =	shalt  }
0x51: {  	_ =	shalt  }
0x52: {  	_ =	shalt  }
0x53: {  	_ =	shalt  }
0x54: {  	_ =	shalt  }
0x55: {  	_ =	shalt  }
0x56: {  	_ =	shalt  }
0x57: {  	_ =	shalt  }
0x58: {  	_ =	shalt  }
0x59: {  	_ =	shalt  }
0x5a: {  	_ =	shalt  }
0x5b: {  	_ =	shalt  }
0x5c: {  	_ =	shalt  }
0x5d: {  	_ =	shalt  }
0x5e: {  	_ =	shalt  }
0x5f: {  	_ =	shalt  }
0x60: {  	_ =	shalt  }
0x61: {  	_ =	shalt  }
0x62: {  	_ =	shalt  }
0x63: {  	_ =	shalt  }
0x64: {  	_ =	shalt  }
0x65: {  	_ =	shalt  }
0x66: {  	_ =	shalt  }
0x67: {  	_ =	shalt  }
0x68: {  	_ =	shalt  }
0x69: {  	_ =	shalt  }
0x6a: {  	_ =	shalt  }
0x6b: {  	_ =	shalt  }
0x6c: {  	_ =	shalt  }
0x6d: {  	_ =	shalt  }
0x6e: {  	_ =	shalt  }
0x6f: {  	_ =	shalt  }
0x70: {  	_ =	shalt  }
0x71: {  	_ =	shalt  }
0x72: {  	_ =	shalt  }
0x73: {  	_ =	shalt  }
0x74: {  	_ =	shalt  }
0x75: {  	_ =	shalt  }
0x76: {  	_ =	shalt  }
0x77: {  	_ =	shalt  }
0x78: {  	_ =	shalt  }
0x79: {  	_ =	shalt  }
0x7a: {  	_ =	shalt  }
0x7b: {  	_ =	shalt  }
0x7c: {  	_ =	shalt  }
0x7d: {  	_ =	shalt  }
0x7e: {  	_ =	shalt  }
0x7f: {  	_ =	shalt  }
0x80: {  	_ =	shalt  }
0x81: {  	_ =	shalt  }
0x82: {  	_ =	shalt  }
0x83: {  	_ =	shalt  }
0x84: {  	_ =	shalt  }
0x85: {  	_ =	shalt  }
0x86: {  	_ =	shalt  }
0x87: {  	_ =	shalt  }
.Lfunc_end0:
.L_simem_size_0:
called_computation_lowered:
.L_overlay_start_0:
0x88: {  	s2 =	sld [smem:$0x3FD9]  }
0x89: {  	s3 =	sld [smem:$0x3FFE];
	_ =	sdelay $0x1  }
0x8a: {  	s1 =	srdreg.scid  }
0x8b: {  	s0 =	sand.u32 $0x1, s1  }
0x8c: {  	s17 =	sshll.u32 s0, $0xA;
	s2 =	sadd.s32 s3, s2  }
0x8d: {  	s2 =	sadd.s32 s2, s17  }
0x8e: {  	[smem:$0x3FBE] =	sst s2  }
0x8f: {  	_ = 	snop  }
0x90: {  	(tm) =	ssettm $0x1  }
0x91: {  	s18 =	sld [smem:$0x3FFB];
	_ =	sdelay $0x3  }
0x92: {  	_ =	strace s18  }
0x93: {  	s2 =	sld [smem:$0x3FFC];
	_ =	sdelay $0x3  }
0x94: {  	_ =	strace s2  }
0x95: {  	s2 =	sld [smem:$0x3FFD];
	_ =	sdelay $0x3  }
0x96: {  	_ =	strace s2  }
0x97: {  	_ =	strace $0x8FFFFFFF  }
0x98: {  	s19 =	sld [smem:$0x3FDB];
	_ =	sdelay $0x1  }
0x99: {  	s20 =	simm.s32 $_scs_section_size  }
0x9a: {  	s4 =	simm.s32 $_size__tile_overlayer_lowered;
	s5 =	simm.s32 $_tile_overlayer_lowered  }
0x9b: {  	s6 =	simm.s32 $0x1BFF;
	s21 =	sshll.u32 s5, $0x1;
	s3 =	sadd.s32 s20, s19  }
0x9c: {  	s22 =	simm.s32 $0x0;
	s4 =	sshll.u32 s4, $0x1;
	s5 =	sadd.s32 s21, s3  }
0x9d: {  	[timem:s22], [sflag:s6] =	dma.local [hbm:s5], s4  }
0x9e: {  	_ =	swait.ge [sflag:s6], s4  }
0x9f: {  	s4 =	ssub.s32 $0x0, s4;
	[sflag:s6] =	ssyncset.done $0x0  }
0xa0: {  	[sflag:s6] =	ssyncadd.s32 s4;
	_ =	sdelay $0x1  }
0xa1: {  	s23 =	simm.s32 $0x1B8B  }
0xa2: {  	_ =	swait.ge [sflag:s23], $0x1  }
0xa3: {  	[sflag:s23] =	ssyncset.done $0x0  }
0xa4: {  	[sflag:s23] =	ssyncadd.s32 $0xFFFFFFFF  }
0xa5: {  	s4 =	sld [smem:$0x0]  }
0xa6: {  	s5 =	sand.u32 $0xFFFFFFFE, s1  }
0xa7: {  	p0 =	sne.s32 s1, s5  }
0xa8: {  	s5 =	sshll.u32 @p0 s5, $0xE  }
0xa9: {  	s5 =	sadd.s32 @p0 $0x11B8D, s5;
	s6 =	sshll.u32 @p0 s4, $0x11  }
0xaa: {  	s5 =	sor.u32 @p0 s6, s5  }
0xab: {  	[sflag:s5] =	ssyncadd.remote.s32 @p0 $0x1;
	_ =	sdelay $0x1  }
0xac: {  	s5 =	simm.s32 @p0 $0x1B8D  }
0xad: {  	_ =	swait.eq @p0 [sflag:s5], $0x1  }
0xae: {  	[sflag:s5] =	ssyncadd.s32 @p0 $0xFFFFFFFF  }
0xaf: {  	s6 =	sshll.u32 @!p0 s1, $0xE  }
0xb0: {  	s6 =	sor.u32 @!p0 $0x4000, s6;
	s5 =	simm.s32 @!p0 $0x1B8D  }
0xb1: {  	s4 =	sshll.u32 @!p0 s4, $0x11;
	s6 =	sadd.s32 @!p0 $0x11B8D, s6;
	_ =	swait.eq @!p0 [sflag:s5], $0x1  }
0xb2: {  	s4 =	sor.u32 @!p0 s4, s6;
	[sflag:s5] =	ssyncadd.s32 @!p0 $0xFFFFFFFF  }
0xb3: {  	s25 =	simm.s32 $0x1B8E;
	s24 =	sld [smem:$0x3FFE];
	[sflag:s4] =	ssyncadd.remote.s32 @!p0 $0x1  }
0xb4: {  	s26 =	simm.s32 $execute0_lowered;
	[smem:$0x3FD2] =	sst s25  }
0xb5: {  	s5 =	sshll.u32 s26, $0x1;
	_ =	strace $0x80000049;
	[dreg:$0x1] =	wrdreg $0xFFFFFFFF  }
0xb6: {  	s28 =	simm.s32 $_size_execute0_lowered;
	s3 =	sadd.s32 s3, s5;
	[dreg:$0x0] =	wrdreg $0x0  }
0xb7: {  	s5 =	sshll.u32 s28, $0x1;
	[dreg:$0x2] =	wrdreg s3  }
0xb8: {  	[dreg:$0x3] =	wrdreg s5  }
0xb9: {  	[dreg:$0x4] =	wrdreg $0xC0  }
0xba: {  	_ =	task [dreg:s22], $0x5FFFF  }
0xbb: {  	[dreg:$0x1] =	wrdreg $0xFFFFFFFF  }
0xbc: {  	[dreg:$0x0] =	wrdreg $0x60  }
0xbd: {  	[dreg:$0x2] =	wrdreg s24  }
0xbe: {  	[dreg:$0x3] =	wrdreg $0xD0000  }
0xbf: {  	[dreg:$0x4] =	wrdreg $0xA  }
0xc0: {  	_ =	task.clear_ibuf [dreg:s22], $0x5FFFF;
	_ =	strace $0x90000049  }
0xc1: {  	s29 =	simm.s32 $0xA;
	_ =	strace $0x8000004B  }
0xc2: {  	_ =	swait.ge [sflag:s29], $0x1  }
0xc3: {  	[sflag:s29] =	ssyncadd.s32 $0xFFFFFFFF  }
0xc4: {  	_ =	strace $0x9000004B  }
0xc5: {  	_ =	sfence  }
0xc6: {  	s30 =	sld [smem:$0x0];
	_ =	sdelay $0x2  }
0xc7: {  	s31 =	sshll.u32 s1, $0xD;
	s1 =	sshrl.u32 s1, $0x2  }
0xc8: {  	s4 =	sand.u32 $0x4000, s31;
	s1 =	sadd.s32 s1, s30  }
0xc9: {  	s0 =	sor.u32 s4, s0;
	s1 =	sshll.u32 s1, $0x11  }
0xca: {  	s0 =	sor.u32 s1, s0  }
0xcb: {  	s0 =	sadd.s32 $0x8F2B, s0  }
0xcc: {  	[sflag:s0] =	ssyncadd.remote.s32 $0x1  }
0xcd: {  	_ =	sfence.sel $0xFFFF  }
0xce: {  	[dreg:$0x0] =	wrdreg $0xFFFFFFFF;
	(pc) =	sbr.abs _section_cstart, $3  }
0xcf: {  	[dreg:$0x1] =	wrdreg $0xFFFFFFFF  }
0xd0: {  	_ =	task.clear_ibuf [dreg:s22], $0x2FFFF;
	_ =	strace $0x9FFFFFFF  }
0xd1: {  	(tm) =	ssettm $0x7FFFFFFF  }
tec
execute0_lowered:
.L_overlay_start_1:
0x0: {  	(tag) =	ssettag $0x1  }
0x1: {  	s0 =	srdreg.scid;
	s6 =	rddreg [dreg:$0x0]  }
0x2: {  	s2 =	rddreg [dreg:$0x1];
	s3 =	simm.s32 $0x0;
	s13 =	simm.s32 $0x2  }
0x3: {  	s14 =	simm.s32 $0x80;
	s15 =	simm.s32 $0x1;
	s16 =	simm.s32 $0x4F80  }
0x4: {  	s17 =	simm.s32 $0x9000;
	s5 =	sand.u32 $0x1, s0;
	s0 =	stileid.u32  }
0x5: {  	s18 =	simm.s32 $0x0;
	[smem:$0x7FF] =	sst s3;
	s8 =	smul.u32 $0xA0000, s5  }
0x6: {  	s4 =	sadd.s32 $0x3F400, s6;
	s1 =	sshll.u32 s5, $0x4;
	s9 =	smul.u32 $0xA000, s0  }
0x7: {  	s10 =	smul.u32 $0x28000, s0;
	s28 =	ssub.s32 $0x2, s5;
	s1 =	sor.u32 s0, s1  }
0x8: {  	s30 =	sshrl.u32 s28, $0x1;
	s7 =	smul.u32 $0x500, s1;
	s1 =	rddreg [dreg:$0x2]  }
0x9: {  	_ =	strace $0x8000004A;
	s26 =	sadd.s32 s9, s8;
	s29 =	sshrl.u32 s10, $0x2  }
0xa: {  	s5 =	sadd.s32 s29, s2;
	s11 =	sadd.s32 s7, s6;
	s7 =	sshrl.u32 s26, $0x3  }
0xb: {  	s12 =	ssub.s32 s28, s30;
	s31 =	sadd.s32 s7, s6;
	s6 =	sadd.s32 $0x4000, s5  }
0xc: {  	s7 =	sadd.s32 $0x8000, s5;
	s8 =	sadd.s32 $0x3400, s11;
	s9 =	sadd.s32 $0xD400, s11  }
0xd: {  	v0 =	vimm.f32 $0.0e+00;
	s11 =	smax.u32 s12, $0x1;
	s12 =	simm.s32 $0x5000;
	s10 =	sadd.s32 $0x7F400, s31  }
.LBB2_1:
0xe: {  	s19 =	simm.s32 $0x0;
	s20 =	simm.s32 $0x200  }
.LBB2_2:
0xf: {  	p0 =	sne.s32 s20, $0xFE00;
	[tilespmem:s19+$0x5070] =	vst v0  }
0x10: {  	[tilespmem:s19+$0x5000] =	vst v0  }
0x11: {  	[tilespmem:s19+$0x5010] =	vst v0  }
.Ltmp0:
0x12: {  	[tilespmem:s19+$0x5020] =	vst v0;
	(pc) =	sbr.rel @p0 .LBB2_2-.Ltmp0, $4  }
0x13: {  	[tilespmem:s19+$0x5030] =	vst v0  }
0x14: {  	[tilespmem:s19+$0x5040] =	vst v0  }
0x15: {  	[tilespmem:s19+$0x5050] =	vst v0  }
0x16: {  	[tilespmem:s19+$0x5060] =	vst v0;
	s19 =	sshra.s32 s20, $0x2;
	s20 =	sadd.s32 $0x200, s20  }
0x17: {  	[tilespmem:s19+$0x5070] =	vst v0  }
0x18: {  	[tilespmem:s19+$0x5000] =	vst v0  }
0x19: {  	[tilespmem:s19+$0x5010] =	vst v0  }
0x1a: {  	[tilespmem:s19+$0x5020] =	vst v0  }
0x1b: {  	[tilespmem:s19+$0x5030] =	vst v0  }
0x1c: {  	[tilespmem:s19+$0x5040] =	vst v0  }
0x1d: {  	[tilespmem:s19+$0x5050] =	vst v0  }
0x1e: {  	[tilespmem:s19+$0x5060] =	vst v0  }
0x1f: {  	[spmem:s5] =	stream.linear.scatter [tilespmem:s12], [sflag:$0x2], $0x4000, $0x38;
	[tilespmem:$0x17000] =	vst v63  }
0x20: {  	_ =	swait.ge [sflag:s13], $0x4000  }
0x21: {  	[sflag:s13] =	ssyncset.done $0x0  }
0x22: {  	[sflag:s13] =	ssyncadd.s32 $0xFFFFC000  }
0x23: {  	[spmem:s6] =	stream.linear.scatter [tilespmem:s12], [sflag:$0x2], $0x4000, $0x38;
	[tilespmem:$0x17000] =	vst v63  }
0x24: {  	_ =	swait.ge [sflag:s13], $0x4000  }
0x25: {  	[sflag:s13] =	ssyncset.done $0x0  }
0x26: {  	[sflag:s13] =	ssyncadd.s32 $0xFFFFC000  }
0x27: {  	[spmem:s7] =	stream.linear.scatter [tilespmem:s12], [sflag:$0x2], $0x2000, $0x38;
	[tilespmem:$0x17000] =	vst v63  }
0x28: {  	_ =	swait.ge [sflag:s13], $0x2000  }
0x29: {  	[sflag:s13] =	ssyncset.done $0x0  }
0x2a: {  	[sflag:s13] =	ssyncadd.s32 $0xFFFFE000  }
0x2b: {  	[tilespmem:s3], [sflag:$0x2] =	stream.linear.gather [hbm4b:s8+s3], $0x2800, $0x38;
	[tilespmem:$0x17000] =	vst v63  }
0x2c: {  	_ =	swait.ge [sflag:s13], $0x2800  }
0x2d: {  	[sflag:s13] =	ssyncset.done $0x0  }
0x2e: {  	s20 =	simm.s32 $0x2800;
	[sflag:s13] =	ssyncadd.s32 $0xFFFFD800  }
0x2f: {  	[tilespmem:s20], [sflag:$0x2] =	stream.linear.gather [hbm4b:s9+s3], $0x2800, $0x38;
	[tilespmem:$0x17000] =	vst v63  }
0x30: {  	_ =	swait.ge [sflag:s13], $0x2800  }
0x31: {  	s21 =	simm.s32 $0x10000;
	[sflag:s13] =	ssyncset.done $0x0  }
0x32: {  	s21 =	sand.u32 $0x10000, s21;
	[sflag:s13] =	ssyncadd.s32 $0xFFFFD800  }
0x33: {  	s29 =	simm.s32 $0x80;
	s21 =	sshrl.u32 s21, $0x2;
	[bflag:$0x0] =	sbarrier.arrive $0xFFFF  }
0x34: {  	[tilespmem:s12], [sflag:$0x1] =	stream.indirect.gather [hbm4b:s4+s29], $0x80, s3, s29, $0xb8;
	[tilespmem:$0x17000] =	vst v63  }
0x35: {  	s22 =	simm.s32 $0x0;
	s21 =	sadd.s32 $0x5000, s21  }
0x36: {  	[tilespmem:s21], [sflag:$0x1] =	stream.indirect.gather [hbm4b:s4+s14], $0x80, s29, s14, $0xb8;
	[tilespmem:$0x17000] =	vst v63  }
0x37: {  	s30 =	sand.u32 $0x10000, s22;
	_ =	swait.ge [sflag:s15], $0x4000  }
0x38: {  	s19 =	simm.s32 $0x20000;
	s21 =	sshrl.u32 s30, $0x2;
	[sflag:s15] =	ssyncset.done $0x0  }
0x39: {  	s31 =	sand.u32 $0x10000, s19;
	s21 =	sadd.s32 $0x5000, s21;
	[sflag:s15] =	ssyncadd.s32 $0xFFFFC000  }
0x3a: {  	[spmem:s2] =	stream.indirect.scatter.add.f32 [tilespmem:s21], [sflag:$0x2], $0x80, s20, s14, $0xb8;
	[tilespmem:$0x17000] =	vst v63  }
0x3b: {  	s22 =	simm.s32 $0x30000;
	s23 =	sshrl.u32 s31, $0x2;
	_ =	swait.ge [sflag:s13], $0x4000  }
0x3c: {  	s21 =	simm.s32 $0x100;
	s20 =	simm.s32 $0x2880;
	[sflag:s13] =	ssyncset.done $0x0  }
.LBB2_4:
0x3d: {  	s23 =	sadd.s32 $0x5000, s23;
	s24 =	sadd.s32 $0xFFFF0000, s19  }
0x3e: {  	[sflag:s13] =	ssyncadd.s32 $0xFFFFC000;
	s19 =	smov.u32 s22;
	s25 =	sadd.s32 $0x10000, s22  }
0x3f: {  	[tilespmem:s23], [sflag:$0x1] =	stream.indirect.gather [hbm4b:s4+s14], $0x80, s21, s14, $0xb8;
	[tilespmem:$0x17000] =	vst v63  }
0x40: {  	p0 =	sne.s32 s22, $0x4F0000;
	s23 =	sand.u32 $0x10000, s24;
	_ =	swait.ge [sflag:s15], $0x4000  }
.Ltmp1:
0x41: {  	s23 =	sshrl.u32 s23, $0x2;
	[sflag:s15] =	ssyncset.done $0x0;
	(pc) =	sbr.rel @p0 .LBB2_4-.Ltmp1, $4  }
0x42: {  	s21 =	sadd.s32 $0x80, s21;
	s22 =	sadd.s32 $0x5000, s23;
	[sflag:s15] =	ssyncadd.s32 $0xFFFFC000  }
0x43: {  	[spmem:s2] =	stream.indirect.scatter.add.f32 [tilespmem:s22], [sflag:$0x2], $0x80, s20, s14, $0xb8;
	[tilespmem:$0x17000] =	vst v63  }
0x44: {  	s22 =	sand.u32 $0x10000, s19;
	s20 =	sadd.s32 $0x80, s20;
	_ =	swait.ge [sflag:s13], $0x4000  }
0x45: {  	s23 =	sshrl.u32 s22, $0x2;
	s22 =	smov.u32 s25;
	[sflag:s13] =	ssyncset.done $0x0  }
0x46: {  	s22 =	sadd.s32 $0x5000, s23;
	s19 =	sadd.s32 $0xFFFF0000, s19;
	[sflag:s13] =	ssyncadd.s32 $0xFFFFC000  }
0x47: {  	[tilespmem:s22], [sflag:$0x1] =	stream.indirect.gather [hbm4b:s4+s14], $0x80, s21, s14, $0xb8;
	[tilespmem:$0x17000] =	vst v63  }
0x48: {  	s19 =	sand.u32 $0x10000, s19;
	_ =	swait.ge [sflag:s15], $0x4000  }
0x49: {  	s19 =	sshrl.u32 s19, $0x2;
	[sflag:s15] =	ssyncset.done $0x0  }
0x4a: {  	s19 =	sadd.s32 $0x5000, s19;
	[sflag:s15] =	ssyncadd.s32 $0xFFFFC000  }
0x4b: {  	[spmem:s2] =	stream.indirect.scatter.add.f32 [tilespmem:s19], [sflag:$0x2], $0x80, s20, s14, $0xb8;
	[tilespmem:$0x17000] =	vst v63  }
0x4c: {  	_ =	swait.ge [sflag:s13], $0x4000  }
0x4d: {  	[sflag:s13] =	ssyncset.done $0x0  }
0x4e: {  	[sflag:s13] =	ssyncadd.s32 $0xFFFFC000  }
0x4f: {  	_ =	swait.ge [sflag:s15], $0x4000  }
0x50: {  	[sflag:s15] =	ssyncset.done $0x0  }
0x51: {  	[sflag:s15] =	ssyncadd.s32 $0xFFFFC000  }
0x52: {  	[spmem:s2] =	stream.indirect.scatter.add.f32 [tilespmem:s17], [sflag:$0x2], $0x80, s16, s14, $0xb8;
	[tilespmem:$0x17000] =	vst v63  }
0x53: {  	_ =	swait.ge [sflag:s13], $0x4000  }
0x54: {  	s30 =	sshll.u32 s0, $0x6;
	s18 =	sadd.s32 $0x1, s18;
	[sflag:s13] =	ssyncset.done $0x0  }
0x55: {  	s31 =	sshrl.u32 s5, $0x3;
	p0 =	sne.s32 s18, s11;
	[sflag:s13] =	ssyncadd.s32 $0xFFFFC000  }
.Ltmp2:
0x56: {  	s19 =	sor.u32 $0x1C02, s30;
	[bflag:$0x0] =	sbarrier.arrive $0xFFFF;
	(pc) =	sbr.rel @p0 .LBB2_1-.Ltmp2, $4  }
0x57: {  	[hbm:s10], [sflag:s19] =	dma.local [spmem:s31], $0x1400  }
0x58: {  	_ =	swait.ge [sflag:s13], $0x1400  }
0x59: {  	[sflag:s13] =	ssyncset.done $0x0  }
0x5a: {  	[sflag:s13] =	ssyncadd.s32 $0xFFFFEC00  }
0x5b: {  	_ =	sfence.sel $0x180000  }
0x5c: {  	[bflag:$0x0] =	sbarrier.arrive $0xFFFF  }
0x5d: {  	p0 =	sne.s32 s0, $0x0;
	_ =	strace $0x9000004A  }
0x5e: {  	s0 =	sadd.s32 @!p0 $0x100000, s1;
	[bflag:$0x2] =	sbarrier.arrive $0xFFFF  }
0x5f: {  	[sflag:s0] =	ssyncadd.tile.s32 @!p0 $0x1;
	_ =	shalt  }
.Lfunc_end2:
_tile_overlayer_lowered:
.L_overlay_start_2:
0x60: {  	(tag) =	ssettag $0x2  }
0x61: {  	s0 =	rddreg [dreg:$0x0];
	s2 =	stileid.u32  }
0x62: {  	s1 =	rddreg [dreg:$0x1];
	p0 =	sne.s32 s2, $0x0  }
0x63: {  	s3 =	rddreg [dreg:$0x2];
	[bflag:$0x3] =	sbarrier.arrive $0xFFFF;
	s2 =	simm.s32 @!p0 $0x1C02  }
0x64: {  	[timem:s3], [sflag:s2] =	dma.local @!p0 [hbm:s0], s1  }
0x65: {  	s0 =	simm.s32 @!p0 $0x2  }
0x66: {  	_ =	swait.ge @!p0 [sflag:s0], s1  }
0x67: {  	s1 =	ssub.s32 @!p0 $0x0, s1;
	[sflag:s0] =	ssyncset.done @!p0 $0x0  }
0x68: {  	[sflag:s0] =	ssyncadd.s32 @!p0 s1  }
0x69: {  	[bflag:$0x3] =	sbarrier.arrive $0xFFFF  }
0x6a: {  	_ =	shalt  }

</sc_bundles>
